<compile_context>
chip_gen: v7x
topology: tpu7x:2x2x1
jax: 0.10.2.dev20260603
libtpu: 0.0.44.dev20260713+nightly
codegen_flags: <defaults>
</compile_context>

<pallas_src>
import functools

import jax
import jax.numpy as jnp
from jax import lax
from jax.experimental import pallas as pl
from jax.experimental.pallas import tpu as pltpu
from jax.experimental.pallas import tpu_sc as plsc

_LAMADA = 0.001
_B = 16384
_D = 64
_NC = 2
_NS = 16
_NW = _NC * _NS
_BPW = _B // _NW
_CHUNK = 128
_NCHUNK = _BPW // _CHUNK
_UNROLL = 16

_PARAMS = pltpu.CompilerParams(
    needs_layout_passes=False, use_tc_tiling_on_sc=False)
_MESH = dict(core_axis_name="c", subcore_axis_name="s")


def _wid():
    return lax.axis_index("s") * _NC + lax.axis_index("c")


def _gather_body(idx_hbm, table_hbm, sel_hbm, psum_hbm, idxv, rows, res, sem):
    wid = _wid()
    base = wid * _BPW
    pltpu.sync_copy(idx_hbm.at[pl.ds(base, _BPW)], idxv)
    copies = []
    for j in range(_NCHUNK):
        sl = pl.ds(j * _CHUNK, _CHUNK)
        copies.append(pltpu.async_copy(table_hbm.at[idxv.at[sl]], rows.at[sl], sem))
    for c in copies:
        c.wait()

    zeros = jnp.zeros((16,), jnp.float32)

    def row_block(blk, acc):
        for k in range(_UNROLL):
            r = blk * _UNROLL + k
            for c in range(_D // 16):
                v = rows[r, pl.ds(16 * c, 16)]
                acc = acc + v * v
        return acc

    sq = lax.fori_loop(0, _BPW // _UNROLL, row_block, zeros)
    sq_s = jnp.sum(sq) * (_LAMADA / (_B * _D))

    pltpu.sync_copy(rows, sel_hbm.at[pl.ds(base, _BPW), :])

    lane = lax.iota(jnp.int32, 16)
    res[...] = jnp.where(lane == 0, jnp.full((16,), sq_s), zeros)
    pltpu.sync_copy(res, psum_hbm.at[wid])


def _gather_dot_body(idx_hbm, ratings_hbm, table_hbm, usel_hbm, psum_hbm,
                     idxv, irows, urows, rat, res, sem):
    wid = _wid()
    base = wid * _BPW
    pltpu.sync_copy(idx_hbm.at[pl.ds(base, _BPW)], idxv)
    copies = [pltpu.async_copy(usel_hbm.at[pl.ds(base, _BPW), :], urows, sem)]
    for j in range(_NCHUNK):
        sl = pl.ds(j * _CHUNK, _CHUNK)
        copies.append(pltpu.async_copy(table_hbm.at[idxv.at[sl]], irows.at[sl], sem))
    pltpu.sync_copy(ratings_hbm.at[pl.ds(base, _BPW)], rat)
    for c in copies:
        c.wait()

    zeros = jnp.zeros((16,), jnp.float32)

    def row_block(blk, carry):
        loss2_acc, i2_acc = carry
        rv = rat[pl.ds(blk * _UNROLL, 16)]
        for k in range(_UNROLL):
            r = blk * _UNROLL + k
            us = [urows[r, pl.ds(16 * c, 16)] for c in range(_D // 16)]
            vs = [irows[r, pl.ds(16 * c, 16)] for c in range(_D // 16)]
            t = us[0] * vs[0]
            for c in range(1, _D // 16):
                t = t + us[c] * vs[c]
            err = jnp.sum(t) - rv[k]
            loss2_acc = loss2_acc + err * err
            for c in range(_D // 16):
                i2_acc = i2_acc + vs[c] * vs[c]
        return (loss2_acc, i2_acc)

    loss2_s, i2_acc = lax.fori_loop(
        0, _BPW // _UNROLL, row_block, (jnp.float32(0.0), zeros))
    loss2_s = loss2_s * (1.0 / _B)
    i2_s = jnp.sum(i2_acc) * (_LAMADA / (_B * _D))

    lane = lax.iota(jnp.int32, 16)
    res[...] = (jnp.where(lane == 0, jnp.full((16,), loss2_s), zeros)
                + jnp.where(lane == 1, jnp.full((16,), i2_s), zeros))
    pltpu.sync_copy(res, psum_hbm.at[wid])


def _gather_call(idx, table):
    kfn = functools.partial(
        pl.kernel,
        out_type=(jax.ShapeDtypeStruct((_B, _D), jnp.float32),
                  jax.ShapeDtypeStruct((_NW, 16), jnp.float32)),
        mesh=plsc.VectorSubcoreMesh(**_MESH),
        compiler_params=_PARAMS,
        scratch_types=[
            pltpu.VMEM((_BPW,), jnp.int32),
            pltpu.VMEM((_BPW, _D), jnp.float32),
            pltpu.VMEM((16,), jnp.float32),
            pltpu.SemaphoreType.DMA,
        ],
    )(_gather_body)
    return kfn(idx, table)


def _gather_dot_call(item_i0, ratings, embed_item, usel):
    kfn = functools.partial(
        pl.kernel,
        out_type=jax.ShapeDtypeStruct((_NW, 16), jnp.float32),
        mesh=plsc.VectorSubcoreMesh(**_MESH),
        compiler_params=_PARAMS,
        scratch_types=[
            pltpu.VMEM((_BPW,), jnp.int32),
            pltpu.VMEM((_BPW, _D), jnp.float32),
            pltpu.VMEM((_BPW, _D), jnp.float32),
            pltpu.VMEM((_BPW,), jnp.float32),
            pltpu.VMEM((16,), jnp.float32),
            pltpu.SemaphoreType.DMA,
        ],
    )(_gather_dot_body)
    return kfn(item_i0, ratings, embed_item, usel)


def kernel(user0, item_i0, ratings, embed_user, embed_item):
    usel, up = _gather_call(user0, embed_user)
    dp = _gather_dot_call(item_i0, ratings, embed_item, usel)
    loss2 = jnp.sum(dp[:, 0])
    l2 = jnp.sum(up[:, 0]) + jnp.sum(dp[:, 1])
    return (loss2 + l2, loss2, l2)

# --- scband reference (transcript-rebuilt; emitter-appended) ---
"""Pipeline reference for scband-bpr-20727512170669 (READ-ONLY COPY).

The authoritative reference and input builder live on the scoring server;
editing this copy changes nothing except your own understanding.
"""

import jax, jax.numpy as jnp
import numpy as np

LAMADA = 0.001
USER_NUM = 100000
ITEM_NUM = 100000
FACTOR_NUM = 64
BATCH = 16384

def setup_inputs(seed: int = 0) -> dict:
    key = jax.random.key(seed)
    k1, k2, k3, k4, k5 = jax.random.split(key, 5)
    user0 = jax.random.randint(k1, (BATCH,), 0, USER_NUM, dtype=jnp.int64 if jax.config.jax_enable_x64 else jnp.int32).astype(jnp.int32)
    item_i0 = jax.random.randint(k2, (BATCH,), 0, ITEM_NUM, dtype=jnp.int32)
    ratings = jax.random.uniform(k3, (BATCH,), dtype=jnp.float32)
    embed_user = jax.random.normal(k4, (USER_NUM, FACTOR_NUM), dtype=jnp.float32) * 0.01
    embed_item = jax.random.normal(k5, (ITEM_NUM, FACTOR_NUM), dtype=jnp.float32) * 0.01
    return {"user0": user0, "item_i0": item_i0, "ratings": ratings, "embed_user": embed_user, "embed_item": embed_item}

def reference(user0, item_i0, ratings, embed_user, embed_item):
    # user = self.embed_user(user0); item_i = self.embed_item(item_i0)
    user = jnp.take(embed_user, user0, axis=0)
    item_i = jnp.take(embed_item, item_i0, axis=0)
    ratings_f = ratings.astype(jnp.float32)
    prediction_i = (user * item_i).sum(axis=-1)
    l2_regulization = LAMADA * jnp.mean(user ** 2) + LAMADA * jnp.mean(item_i ** 2)
    # nn.MSELoss() default reduction='mean'
    loss2 = jnp.mean((prediction_i - ratings_f) ** 2)
    loss = loss2 + l2_regulization
    return (loss, loss2, l2_regulization)

if __name__ == "__main__":
    import jax
    _d = setup_inputs()
    print(jax.jit(kernel)(*tuple(_d.values())))

</pallas_src>

<mosaic_0001>
#map = affine_map<(d0, d1) -> (0)>
#map1 = affine_map<(d0, d1) -> (0, 0)>
module attributes {stable_mosaic.version = 14 : i64} {
  func.func @_gather_dot_body(%arg0: i32, %arg1: i32, %arg2: memref<16384xi32, #tpu.memory_space<hbm>>, %arg3: memref<16384xf32, #tpu.memory_space<hbm>>, %arg4: memref<100000x64xf32, #tpu.memory_space<hbm>>, %arg5: memref<16384x64xf32, #tpu.memory_space<hbm>>, %arg6: memref<32x16xf32, #tpu.memory_space<hbm>>, %arg7: memref<512xi32, #tpu.memory_space<vmem>>, %arg8: memref<512x64xf32, #tpu.memory_space<vmem>>, %arg9: memref<512x64xf32, #tpu.memory_space<vmem>>, %arg10: memref<512xf32, #tpu.memory_space<vmem>>, %arg11: memref<16xf32, #tpu.memory_space<vmem>>, %arg12: memref<!tpu.dma_semaphore, #tpu.memory_space<semaphore_mem>>) attributes {dimension_semantics = [#tpu.dimension_semantics<core_parallel>, #tpu.dimension_semantics<subcore_parallel>], iteration_bounds = array<i64: 2, 16>, scalar_prefetch = 0 : i64, scratch_operands = 6 : i64, tpu.core_type = #tpu.core_type<sc_vector_subcore>, window_params = [{transform_indices = #map}, {transform_indices = #map}, {transform_indices = #map1}, {transform_indices = #map1}, {transform_indices = #map1}]} {
    %mul3A = arith.constant 2 : i32
    %mul3A_0 = arith.muli %arg1, %mul3A : i32
    %add3A = arith.addi %mul3A_0, %arg0 : i32
    %mul3A_1 = arith.constant 512 : i32
    %mul3A_2 = arith.muli %add3A, %mul3A_1 : i32
    "tpu.region"() ({
      %run_scoped3A = tpu.sem_alloc : memref<!tpu.dma_semaphore, #tpu.memory_space<semaphore_mem>>
      %dma_start3A_97 = tpu.memref_slice %arg2[%mul3A_2] : memref<16384xi32, #tpu.memory_space<hbm>> -> memref<512xi32, #tpu.memory_space<hbm>>
      %dma_start3A_98 = tpu.memref_slice %arg2[%mul3A_2] : memref<16384xi32, #tpu.memory_space<hbm>> -> memref<512xi32, #tpu.memory_space<hbm>>
      tpu.enqueue_dma source(%dma_start3A_98 : memref<512xi32, #tpu.memory_space<hbm>>) target(%arg7 : memref<512xi32, #tpu.memory_space<vmem>>) target_semaphore(%run_scoped3A : memref<!tpu.dma_semaphore, #tpu.memory_space<semaphore_mem>>)
      %dma_wait3A_99 = tpu.memref_slice %arg2[%mul3A_2] : memref<16384xi32, #tpu.memory_space<hbm>> -> memref<512xi32, #tpu.memory_space<hbm>>
      %dma_wait3A_100 = tpu.memref_slice %arg2[%mul3A_2] : memref<16384xi32, #tpu.memory_space<hbm>> -> memref<512xi32, #tpu.memory_space<hbm>>
      tpu.wait_dma2 semaphore(%run_scoped3A : memref<!tpu.dma_semaphore, #tpu.memory_space<semaphore_mem>>) src(%dma_wait3A_100 : memref<512xi32, #tpu.memory_space<hbm>>) dst(%arg7 : memref<512xi32, #tpu.memory_space<vmem>>)
      tpu.yield
    }) : () -> ()
    %dma_start3A = arith.constant 0 : i32
    %dma_start3A_3 = tpu.memref_slice %arg5[%mul3A_2, %dma_start3A] : memref<16384x64xf32, #tpu.memory_space<hbm>> -> memref<512x64xf32, #tpu.memory_space<hbm>>
    %dma_start3A_4 = arith.constant 0 : i32
    %dma_start3A_5 = tpu.memref_slice %arg5[%mul3A_2, %dma_start3A_4] : memref<16384x64xf32, #tpu.memory_space<hbm>> -> memref<512x64xf32, #tpu.memory_space<hbm>>
    tpu.enqueue_dma source(%dma_start3A_5 : memref<512x64xf32, #tpu.memory_space<hbm>>) target(%arg9 : memref<512x64xf32, #tpu.memory_space<vmem>>) target_semaphore(%arg12 : memref<!tpu.dma_semaphore, #tpu.memory_space<semaphore_mem>>)
    %dma_start3A_6 = arith.constant 0 : i32
    %dma_start3A_7 = arith.constant 0 : i32
    %dma_start3A_8 = tpu.memref_slice %arg8[%dma_start3A_6, %dma_start3A_7] : memref<512x64xf32, #tpu.memory_space<vmem>> -> memref<128x64xf32, #tpu.memory_space<vmem>>
    %dma_start3A_9 = arith.constant 0 : i32
    %dma_start3A_10 = tpu.memref_slice %arg7[%dma_start3A_9] : memref<512xi32, #tpu.memory_space<vmem>> -> memref<128xi32, #tpu.memory_space<vmem>>
    %dma_start3A_11 = arith.constant 0 : i32
    %dma_start3A_12 = arith.constant 0 : i32
    %dma_start3A_13 = tpu.memref_slice %arg4[%dma_start3A_11, %dma_start3A_12] : memref<100000x64xf32, #tpu.memory_space<hbm>> -> memref<100000x64xf32, #tpu.memory_space<hbm>>
    tpu.enqueue_indirect_dma source(%dma_start3A_13 : memref<100000x64xf32, #tpu.memory_space<hbm>>) target(%dma_start3A_8 : memref<128x64xf32, #tpu.memory_space<vmem>>) offsets(%dma_start3A_10 : memref<128xi32, #tpu.memory_space<vmem>>) semaphore(%arg12 : memref<!tpu.dma_semaphore, #tpu.memory_space<semaphore_mem>>)
    %dma_start3A_14 = arith.constant 128 : i32
    %dma_start3A_15 = arith.constant 0 : i32
    %dma_start3A_16 = tpu.memref_slice %arg8[%dma_start3A_14, %dma_start3A_15] : memref<512x64xf32, #tpu.memory_space<vmem>> -> memref<128x64xf32, #tpu.memory_space<vmem>>
    %dma_start3A_17 = arith.constant 128 : i32
    %dma_start3A_18 = tpu.memref_slice %arg7[%dma_start3A_17] : memref<512xi32, #tpu.memory_space<vmem>> -> memref<128xi32, #tpu.memory_space<vmem>>
    %dma_start3A_19 = arith.constant 0 : i32
    %dma_start3A_20 = arith.constant 0 : i32
    %dma_start3A_21 = tpu.memref_slice %arg4[%dma_start3A_19, %dma_start3A_20] : memref<100000x64xf32, #tpu.memory_space<hbm>> -> memref<100000x64xf32, #tpu.memory_space<hbm>>
    tpu.enqueue_indirect_dma source(%dma_start3A_21 : memref<100000x64xf32, #tpu.memory_space<hbm>>) target(%dma_start3A_16 : memref<128x64xf32, #tpu.memory_space<vmem>>) offsets(%dma_start3A_18 : memref<128xi32, #tpu.memory_space<vmem>>) semaphore(%arg12 : memref<!tpu.dma_semaphore, #tpu.memory_space<semaphore_mem>>)
    %dma_start3A_22 = arith.constant 256 : i32
    %dma_start3A_23 = arith.constant 0 : i32
    %dma_start3A_24 = tpu.memref_slice %arg8[%dma_start3A_22, %dma_start3A_23] : memref<512x64xf32, #tpu.memory_space<vmem>> -> memref<128x64xf32, #tpu.memory_space<vmem>>
    %dma_start3A_25 = arith.constant 256 : i32
    %dma_start3A_26 = tpu.memref_slice %arg7[%dma_start3A_25] : memref<512xi32, #tpu.memory_space<vmem>> -> memref<128xi32, #tpu.memory_space<vmem>>
    %dma_start3A_27 = arith.constant 0 : i32
    %dma_start3A_28 = arith.constant 0 : i32
    %dma_start3A_29 = tpu.memref_slice %arg4[%dma_start3A_27, %dma_start3A_28] : memref<100000x64xf32, #tpu.memory_space<hbm>> -> memref<100000x64xf32, #tpu.memory_space<hbm>>
    tpu.enqueue_indirect_dma source(%dma_start3A_29 : memref<100000x64xf32, #tpu.memory_space<hbm>>) target(%dma_start3A_24 : memref<128x64xf32, #tpu.memory_space<vmem>>) offsets(%dma_start3A_26 : memref<128xi32, #tpu.memory_space<vmem>>) semaphore(%arg12 : memref<!tpu.dma_semaphore, #tpu.memory_space<semaphore_mem>>)
    %dma_start3A_30 = arith.constant 384 : i32
    %dma_start3A_31 = arith.constant 0 : i32
    %dma_start3A_32 = tpu.memref_slice %arg8[%dma_start3A_30, %dma_start3A_31] : memref<512x64xf32, #tpu.memory_space<vmem>> -> memref<128x64xf32, #tpu.memory_space<vmem>>
    %dma_start3A_33 = arith.constant 384 : i32
    %dma_start3A_34 = tpu.memref_slice %arg7[%dma_start3A_33] : memref<512xi32, #tpu.memory_space<vmem>> -> memref<128xi32, #tpu.memory_space<vmem>>
    %dma_start3A_35 = arith.constant 0 : i32
    %dma_start3A_36 = arith.constant 0 : i32
    %dma_start3A_37 = tpu.memref_slice %arg4[%dma_start3A_35, %dma_start3A_36] : memref<100000x64xf32, #tpu.memory_space<hbm>> -> memref<100000x64xf32, #tpu.memory_space<hbm>>
    tpu.enqueue_indirect_dma source(%dma_start3A_37 : memref<100000x64xf32, #tpu.memory_space<hbm>>) target(%dma_start3A_32 : memref<128x64xf32, #tpu.memory_space<vmem>>) offsets(%dma_start3A_34 : memref<128xi32, #tpu.memory_space<vmem>>) semaphore(%arg12 : memref<!tpu.dma_semaphore, #tpu.memory_space<semaphore_mem>>)
    "tpu.region"() ({
      %run_scoped3A = tpu.sem_alloc : memref<!tpu.dma_semaphore, #tpu.memory_space<semaphore_mem>>
      %dma_start3A_97 = tpu.memref_slice %arg3[%mul3A_2] : memref<16384xf32, #tpu.memory_space<hbm>> -> memref<512xf32, #tpu.memory_space<hbm>>
      %dma_start3A_98 = tpu.memref_slice %arg3[%mul3A_2] : memref<16384xf32, #tpu.memory_space<hbm>> -> memref<512xf32, #tpu.memory_space<hbm>>
      tpu.enqueue_dma source(%dma_start3A_98 : memref<512xf32, #tpu.memory_space<hbm>>) target(%arg10 : memref<512xf32, #tpu.memory_space<vmem>>) target_semaphore(%run_scoped3A : memref<!tpu.dma_semaphore, #tpu.memory_space<semaphore_mem>>)
      %dma_wait3A_99 = tpu.memref_slice %arg3[%mul3A_2] : memref<16384xf32, #tpu.memory_space<hbm>> -> memref<512xf32, #tpu.memory_space<hbm>>
      %dma_wait3A_100 = tpu.memref_slice %arg3[%mul3A_2] : memref<16384xf32, #tpu.memory_space<hbm>> -> memref<512xf32, #tpu.memory_space<hbm>>
      tpu.wait_dma2 semaphore(%run_scoped3A : memref<!tpu.dma_semaphore, #tpu.memory_space<semaphore_mem>>) src(%dma_wait3A_100 : memref<512xf32, #tpu.memory_space<hbm>>) dst(%arg10 : memref<512xf32, #tpu.memory_space<vmem>>)
      tpu.yield
    }) : () -> ()
    %dma_wait3A = arith.constant 0 : i32
    %dma_wait3A_38 = tpu.memref_slice %arg5[%mul3A_2, %dma_wait3A] : memref<16384x64xf32, #tpu.memory_space<hbm>> -> memref<512x64xf32, #tpu.memory_space<hbm>>
    %dma_wait3A_39 = arith.constant 0 : i32
    %dma_wait3A_40 = tpu.memref_slice %arg5[%mul3A_2, %dma_wait3A_39] : memref<16384x64xf32, #tpu.memory_space<hbm>> -> memref<512x64xf32, #tpu.memory_space<hbm>>
    tpu.wait_dma2 semaphore(%arg12 : memref<!tpu.dma_semaphore, #tpu.memory_space<semaphore_mem>>) src(%dma_wait3A_40 : memref<512x64xf32, #tpu.memory_space<hbm>>) dst(%arg9 : memref<512x64xf32, #tpu.memory_space<vmem>>)
    %dma_wait3A_41 = arith.constant 0 : i32
    %dma_wait3A_42 = arith.constant 0 : i32
    %dma_wait3A_43 = tpu.memref_slice %arg8[%dma_wait3A_41, %dma_wait3A_42] : memref<512x64xf32, #tpu.memory_space<vmem>> -> memref<128x64xf32, #tpu.memory_space<vmem>>
    %dma_wait3A_44 = arith.constant 0 : i32
    %dma_wait3A_45 = tpu.memref_slice %arg7[%dma_wait3A_44] : memref<512xi32, #tpu.memory_space<vmem>> -> memref<128xi32, #tpu.memory_space<vmem>>
    %dma_wait3A_46 = arith.constant 0 : i32
    %dma_wait3A_47 = arith.constant 0 : i32
    %dma_wait3A_48 = tpu.memref_slice %arg4[%dma_wait3A_46, %dma_wait3A_47] : memref<100000x64xf32, #tpu.memory_space<hbm>> -> memref<100000x64xf32, #tpu.memory_space<hbm>>
    tpu.wait_indirect_dma semaphore(%arg12 : memref<!tpu.dma_semaphore, #tpu.memory_space<semaphore_mem>>) src(%dma_wait3A_48 : memref<100000x64xf32, #tpu.memory_space<hbm>>) dst(%dma_wait3A_43 : memref<128x64xf32, #tpu.memory_space<vmem>>)
    %dma_wait3A_49 = arith.constant 128 : i32
    %dma_wait3A_50 = arith.constant 0 : i32
    %dma_wait3A_51 = tpu.memref_slice %arg8[%dma_wait3A_49, %dma_wait3A_50] : memref<512x64xf32, #tpu.memory_space<vmem>> -> memref<128x64xf32, #tpu.memory_space<vmem>>
    %dma_wait3A_52 = arith.constant 128 : i32
    %dma_wait3A_53 = tpu.memref_slice %arg7[%dma_wait3A_52] : memref<512xi32, #tpu.memory_space<vmem>> -> memref<128xi32, #tpu.memory_space<vmem>>
    %dma_wait3A_54 = arith.constant 0 : i32
    %dma_wait3A_55 = arith.constant 0 : i32
    %dma_wait3A_56 = tpu.memref_slice %arg4[%dma_wait3A_54, %dma_wait3A_55] : memref<100000x64xf32, #tpu.memory_space<hbm>> -> memref<100000x64xf32, #tpu.memory_space<hbm>>
    tpu.wait_indirect_dma semaphore(%arg12 : memref<!tpu.dma_semaphore, #tpu.memory_space<semaphore_mem>>) src(%dma_wait3A_56 : memref<100000x64xf32, #tpu.memory_space<hbm>>) dst(%dma_wait3A_51 : memref<128x64xf32, #tpu.memory_space<vmem>>)
    %dma_wait3A_57 = arith.constant 256 : i32
    %dma_wait3A_58 = arith.constant 0 : i32
    %dma_wait3A_59 = tpu.memref_slice %arg8[%dma_wait3A_57, %dma_wait3A_58] : memref<512x64xf32, #tpu.memory_space<vmem>> -> memref<128x64xf32, #tpu.memory_space<vmem>>
    %dma_wait3A_60 = arith.constant 256 : i32
    %dma_wait3A_61 = tpu.memref_slice %arg7[%dma_wait3A_60] : memref<512xi32, #tpu.memory_space<vmem>> -> memref<128xi32, #tpu.memory_space<vmem>>
    %dma_wait3A_62 = arith.constant 0 : i32
    %dma_wait3A_63 = arith.constant 0 : i32
    %dma_wait3A_64 = tpu.memref_slice %arg4[%dma_wait3A_62, %dma_wait3A_63] : memref<100000x64xf32, #tpu.memory_space<hbm>> -> memref<100000x64xf32, #tpu.memory_space<hbm>>
    tpu.wait_indirect_dma semaphore(%arg12 : memref<!tpu.dma_semaphore, #tpu.memory_space<semaphore_mem>>) src(%dma_wait3A_64 : memref<100000x64xf32, #tpu.memory_space<hbm>>) dst(%dma_wait3A_59 : memref<128x64xf32, #tpu.memory_space<vmem>>)
    %dma_wait3A_65 = arith.constant 384 : i32
    %dma_wait3A_66 = arith.constant 0 : i32
    %dma_wait3A_67 = tpu.memref_slice %arg8[%dma_wait3A_65, %dma_wait3A_66] : memref<512x64xf32, #tpu.memory_space<vmem>> -> memref<128x64xf32, #tpu.memory_space<vmem>>
    %dma_wait3A_68 = arith.constant 384 : i32
    %dma_wait3A_69 = tpu.memref_slice %arg7[%dma_wait3A_68] : memref<512xi32, #tpu.memory_space<vmem>> -> memref<128xi32, #tpu.memory_space<vmem>>
    %dma_wait3A_70 = arith.constant 0 : i32
    %dma_wait3A_71 = arith.constant 0 : i32
    %dma_wait3A_72 = tpu.memref_slice %arg4[%dma_wait3A_70, %dma_wait3A_71] : memref<100000x64xf32, #tpu.memory_space<hbm>> -> memref<100000x64xf32, #tpu.memory_space<hbm>>
    tpu.wait_indirect_dma semaphore(%arg12 : memref<!tpu.dma_semaphore, #tpu.memory_space<semaphore_mem>>) src(%dma_wait3A_72 : memref<100000x64xf32, #tpu.memory_space<hbm>>) dst(%dma_wait3A_67 : memref<128x64xf32, #tpu.memory_space<vmem>>)
    %broadcast_in_dim3A = arith.constant 0.000000e+00 : f32
    %broadcast_in_dim3A_73 = vector.broadcast %broadcast_in_dim3A : f32 to vector<16xf32>
    %scan3A = arith.constant 0.000000e+00 : f32
    %scan3A_74 = arith.constant 0 : i32
    %scan3A_75 = arith.constant 32 : i32
    %scan3A_76 = arith.addi %scan3A_74, %scan3A_75 : i32
    %scan3A_77 = arith.constant 1 : i32
    %scan3A_78:2 = scf.for %scan3A_97 = %scan3A_74 to %scan3A_76 step %scan3A_77 iter_args(%scan3A_98 = %scan3A, %scan3A_99 = %broadcast_in_dim3A_73) -> (f32, vector<16xf32>)  : i32 {
      %mul3A_100 = arith.constant 16 : i32
      %mul3A_101 = arith.muli %scan3A_97, %mul3A_100 : i32
      %get3A = arith.index_cast %mul3A_101 : i32 to index
      %get3A_102 = tpu.vector_load %arg10[%get3A] {strides = array<i32>} : memref<512xf32, #tpu.memory_space<vmem>>, vector<16xf32>,
      %mul3A_103 = arith.constant 16 : i32
      %mul3A_104 = arith.muli %scan3A_97, %mul3A_103 : i32
      %add3A_105 = arith.constant 0 : i32
      %add3A_106 = arith.addi %mul3A_104, %add3A_105 : i32
      %get3A_107 = arith.index_cast %add3A_106 : i32 to index
      %get3A_108 = arith.constant 0 : index
      %get3A_109 = tpu.vector_load %arg9[%get3A_107, %get3A_108] {strides = array<i32>} : memref<512x64xf32, #tpu.memory_space<vmem>>, vector<16xf32>,
      %get3A_110 = arith.index_cast %add3A_106 : i32 to index
      %get3A_111 = arith.constant 16 : index
      %get3A_112 = tpu.vector_load %arg9[%get3A_110, %get3A_111] {strides = array<i32>} : memref<512x64xf32, #tpu.memory_space<vmem>>, vector<16xf32>,
      %get3A_113 = arith.index_cast %add3A_106 : i32 to index
      %get3A_114 = arith.constant 32 : index
      %get3A_115 = tpu.vector_load %arg9[%get3A_113, %get3A_114] {strides = array<i32>} : memref<512x64xf32, #tpu.memory_space<vmem>>, vector<16xf32>,
      %get3A_116 = arith.index_cast %add3A_106 : i32 to index
      %get3A_117 = arith.constant 48 : index
      %get3A_118 = tpu.vector_load %arg9[%get3A_116, %get3A_117] {strides = array<i32>} : memref<512x64xf32, #tpu.memory_space<vmem>>, vector<16xf32>,
      %get3A_119 = arith.index_cast %add3A_106 : i32 to index
      %get3A_120 = arith.constant 0 : index
      %get3A_121 = tpu.vector_load %arg8[%get3A_119, %get3A_120] {strides = array<i32>} : memref<512x64xf32, #tpu.memory_space<vmem>>, vector<16xf32>,
      %get3A_122 = arith.index_cast %add3A_106 : i32 to index
      %get3A_123 = arith.constant 16 : index
      %get3A_124 = tpu.vector_load %arg8[%get3A_122, %get3A_123] {strides = array<i32>} : memref<512x64xf32, #tpu.memory_space<vmem>>, vector<16xf32>,
      %get3A_125 = arith.index_cast %add3A_106 : i32 to index
      %get3A_126 = arith.constant 32 : index
      %get3A_127 = tpu.vector_load %arg8[%get3A_125, %get3A_126] {strides = array<i32>} : memref<512x64xf32, #tpu.memory_space<vmem>>, vector<16xf32>,
      %get3A_128 = arith.index_cast %add3A_106 : i32 to index
      %get3A_129 = arith.constant 48 : index
      %get3A_130 = tpu.vector_load %arg8[%get3A_128, %get3A_129] {strides = array<i32>} : memref<512x64xf32, #tpu.memory_space<vmem>>, vector<16xf32>,
      %mul3A_131 = arith.mulf %get3A_109, %get3A_121 : vector<16xf32>
      %mul3A_132 = arith.mulf %get3A_112, %get3A_124 : vector<16xf32>
      %add3A_133 = arith.addf %mul3A_131, %mul3A_132 : vector<16xf32>
      %mul3A_134 = arith.mulf %get3A_115, %get3A_127 : vector<16xf32>
      %add3A_135 = arith.addf %add3A_133, %mul3A_134 : vector<16xf32>
      %mul3A_136 = arith.mulf %get3A_118, %get3A_130 : vector<16xf32>
      %add3A_137 = arith.addf %add3A_135, %mul3A_136 : vector<16xf32>
      %reduce_sum3A_138 = arith.constant true
      %reduce_sum3A_139 = vector.broadcast %reduce_sum3A_138 : i1 to vector<16xi1>
      %reduce_sum3A_140 = tpu.scan <sum>, %add3A_137 masked %reduce_sum3A_139 : vector<16xf32>, vector<16xi1> -> vector<16xf32>
      %reduce_sum3A_141 = vector.extract %reduce_sum3A_140[15] : f32 from vector<16xf32>
      %slice3A = vector.extract_strided_slice %get3A_102 {offsets = [0], sizes = [1], strides = [1]} : vector<16xf32> to vector<1xf32>
      %squeeze3A = vector.extract %slice3A[0] : f32 from vector<1xf32>
      %sub3A = arith.subf %reduce_sum3A_141, %squeeze3A : f32
      %mul3A_142 = arith.mulf %sub3A, %sub3A : f32
      %add3A_143 = arith.addf %scan3A_98, %mul3A_142 : f32
      %mul3A_144 = arith.mulf %get3A_121, %get3A_121 : vector<16xf32>
      %add3A_145 = arith.addf %scan3A_99, %mul3A_144 : vector<16xf32>
      %mul3A_146 = arith.mulf %get3A_124, %get3A_124 : vector<16xf32>
      %add3A_147 = arith.addf %add3A_145, %mul3A_146 : vector<16xf32>
      %mul3A_148 = arith.mulf %get3A_127, %get3A_127 : vector<16xf32>
      %add3A_149 = arith.addf %add3A_147, %mul3A_148 : vector<16xf32>
      %mul3A_150 = arith.mulf %get3A_130, %get3A_130 : vector<16xf32>
      %add3A_151 = arith.addf %add3A_149, %mul3A_150 : vector<16xf32>
      %mul3A_152 = arith.constant 16 : i32
      %mul3A_153 = arith.muli %scan3A_97, %mul3A_152 : i32
      %add3A_154 = arith.constant 1 : i32
      %add3A_155 = arith.addi %mul3A_153, %add3A_154 : i32
      %get3A_156 = arith.index_cast %add3A_155 : i32 to index
      %get3A_157 = arith.constant 0 : index
      %get3A_158 = tpu.vector_load %arg9[%get3A_156, %get3A_157] {strides = array<i32>} : memref<512x64xf32, #tpu.memory_space<vmem>>, vector<16xf32>,
      %get3A_159 = arith.index_cast %add3A_155 : i32 to index
      %get3A_160 = arith.constant 16 : index
      %get3A_161 = tpu.vector_load %arg9[%get3A_159, %get3A_160] {strides = array<i32>} : memref<512x64xf32, #tpu.memory_space<vmem>>, vector<16xf32>,
      %get3A_162 = arith.index_cast %add3A_155 : i32 to index
      %get3A_163 = arith.constant 32 : index
      %get3A_164 = tpu.vector_load %arg9[%get3A_162, %get3A_163] {strides = array<i32>} : memref<512x64xf32, #tpu.memory_space<vmem>>, vector<16xf32>,
      %get3A_165 = arith.index_cast %add3A_155 : i32 to index
      %get3A_166 = arith.constant 48 : index
      %get3A_167 = tpu.vector_load %arg9[%get3A_165, %get3A_166] {strides = array<i32>} : memref<512x64xf32, #tpu.memory_space<vmem>>, vector<16xf32>,
      %get3A_168 = arith.index_cast %add3A_155 : i32 to index
      %get3A_169 = arith.constant 0 : index
      %get3A_170 = tpu.vector_load %arg8[%get3A_168, %get3A_169] {strides = array<i32>} : memref<512x64xf32, #tpu.memory_space<vmem>>, vector<16xf32>,
      %get3A_171 = arith.index_cast %add3A_155 : i32 to index
      %get3A_172 = arith.constant 16 : index
      %get3A_173 = tpu.vector_load %arg8[%get3A_171, %get3A_172] {strides = array<i32>} : memref<512x64xf32, #tpu.memory_space<vmem>>, vector<16xf32>,
      %get3A_174 = arith.index_cast %add3A_155 : i32 to index
      %get3A_175 = arith.constant 32 : index
      %get3A_176 = tpu.vector_load %arg8[%get3A_174, %get3A_175] {strides = array<i32>} : memref<512x64xf32, #tpu.memory_space<vmem>>, vector<16xf32>,
      %get3A_177 = arith.index_cast %add3A_155 : i32 to index
      %get3A_178 = arith.constant 48 : index
      %get3A_179 = tpu.vector_load %arg8[%get3A_177, %get3A_178] {strides = array<i32>} : memref<512x64xf32, #tpu.memory_space<vmem>>, vector<16xf32>,
      %mul3A_180 = arith.mulf %get3A_158, %get3A_170 : vector<16xf32>
      %mul3A_181 = arith.mulf %get3A_161, %get3A_173 : vector<16xf32>
      %add3A_182 = arith.addf %mul3A_180, %mul3A_181 : vector<16xf32>
      %mul3A_183 = arith.mulf %get3A_164, %get3A_176 : vector<16xf32>
      %add3A_184 = arith.addf %add3A_182, %mul3A_183 : vector<16xf32>
      %mul3A_185 = arith.mulf %get3A_167, %get3A_179 : vector<16xf32>
      %add3A_186 = arith.addf %add3A_184, %mul3A_185 : vector<16xf32>
      %reduce_sum3A_187 = arith.constant true
      %reduce_sum3A_188 = vector.broadcast %reduce_sum3A_187 : i1 to vector<16xi1>
      %reduce_sum3A_189 = tpu.scan <sum>, %add3A_186 masked %reduce_sum3A_188 : vector<16xf32>, vector<16xi1> -> vector<16xf32>
      %reduce_sum3A_190 = vector.extract %reduce_sum3A_189[15] : f32 from vector<16xf32>
      %slice3A_191 = vector.extract_strided_slice %get3A_102 {offsets = [1], sizes = [1], strides = [1]} : vector<16xf32> to vector<1xf32>
      %squeeze3A_192 = vector.extract %slice3A_191[0] : f32 from vector<1xf32>
      %sub3A_193 = arith.subf %reduce_sum3A_190, %squeeze3A_192 : f32
      %mul3A_194 = arith.mulf %sub3A_193, %sub3A_193 : f32
      %add3A_195 = arith.addf %add3A_143, %mul3A_194 : f32
      %mul3A_196 = arith.mulf %get3A_170, %get3A_170 : vector<16xf32>
      %add3A_197 = arith.addf %add3A_151, %mul3A_196 : vector<16xf32>
      %mul3A_198 = arith.mulf %get3A_173, %get3A_173 : vector<16xf32>
      %add3A_199 = arith.addf %add3A_197, %mul3A_198 : vector<16xf32>
      %mul3A_200 = arith.mulf %get3A_176, %get3A_176 : vector<16xf32>
      %add3A_201 = arith.addf %add3A_199, %mul3A_200 : vector<16xf32>
      %mul3A_202 = arith.mulf %get3A_179, %get3A_179 : vector<16xf32>
      %add3A_203 = arith.addf %add3A_201, %mul3A_202 : vector<16xf32>
      %mul3A_204 = arith.constant 16 : i32
      %mul3A_205 = arith.muli %scan3A_97, %mul3A_204 : i32
      %add3A_206 = arith.constant 2 : i32
      %add3A_207 = arith.addi %mul3A_205, %add3A_206 : i32
      %get3A_208 = arith.index_cast %add3A_207 : i32 to index
      %get3A_209 = arith.constant 0 : index
      %get3A_210 = tpu.vector_load %arg9[%get3A_208, %get3A_209] {strides = array<i32>} : memref<512x64xf32, #tpu.memory_space<vmem>>, vector<16xf32>,
      %get3A_211 = arith.index_cast %add3A_207 : i32 to index
      %get3A_212 = arith.constant 16 : index
      %get3A_213 = tpu.vector_load %arg9[%get3A_211, %get3A_212] {strides = array<i32>} : memref<512x64xf32, #tpu.memory_space<vmem>>, vector<16xf32>,
      %get3A_214 = arith.index_cast %add3A_207 : i32 to index
      %get3A_215 = arith.constant 32 : index
      %get3A_216 = tpu.vector_load %arg9[%get3A_214, %get3A_215] {strides = array<i32>} : memref<512x64xf32, #tpu.memory_space<vmem>>, vector<16xf32>,
      %get3A_217 = arith.index_cast %add3A_207 : i32 to index
      %get3A_218 = arith.constant 48 : index
      %get3A_219 = tpu.vector_load %arg9[%get3A_217, %get3A_218] {strides = array<i32>} : memref<512x64xf32, #tpu.memory_space<vmem>>, vector<16xf32>,
      %get3A_220 = arith.index_cast %add3A_207 : i32 to index
      %get3A_221 = arith.constant 0 : index
      %get3A_222 = tpu.vector_load %arg8[%get3A_220, %get3A_221] {strides = array<i32>} : memref<512x64xf32, #tpu.memory_space<vmem>>, vector<16xf32>,
      %get3A_223 = arith.index_cast %add3A_207 : i32 to index
      %get3A_224 = arith.constant 16 : index
      %get3A_225 = tpu.vector_load %arg8[%get3A_223, %get3A_224] {strides = array<i32>} : memref<512x64xf32, #tpu.memory_space<vmem>>, vector<16xf32>,
      %get3A_226 = arith.index_cast %add3A_207 : i32 to index
      %get3A_227 = arith.constant 32 : index
      %get3A_228 = tpu.vector_load %arg8[%get3A_226, %get3A_227] {strides = array<i32>} : memref<512x64xf32, #tpu.memory_space<vmem>>, vector<16xf32>,
      %get3A_229 = arith.index_cast %add3A_207 : i32 to index
      %get3A_230 = arith.constant 48 : index
      %get3A_231 = tpu.vector_load %arg8[%get3A_229, %get3A_230] {strides = array<i32>} : memref<512x64xf32, #tpu.memory_space<vmem>>, vector<16xf32>,
      %mul3A_232 = arith.mulf %get3A_210, %get3A_222 : vector<16xf32>
      %mul3A_233 = arith.mulf %get3A_213, %get3A_225 : vector<16xf32>
      %add3A_234 = arith.addf %mul3A_232, %mul3A_233 : vector<16xf32>
      %mul3A_235 = arith.mulf %get3A_216, %get3A_228 : vector<16xf32>
      %add3A_236 = arith.addf %add3A_234, %mul3A_235 : vector<16xf32>
      %mul3A_237 = arith.mulf %get3A_219, %get3A_231 : vector<16xf32>
      %add3A_238 = arith.addf %add3A_236, %mul3A_237 : vector<16xf32>
      %reduce_sum3A_239 = arith.constant true
      %reduce_sum3A_240 = vector.broadcast %reduce_sum3A_239 : i1 to vector<16xi1>
      %reduce_sum3A_241 = tpu.scan <sum>, %add3A_238 masked %reduce_sum3A_240 : vector<16xf32>, vector<16xi1> -> vector<16xf32>
      %reduce_sum3A_242 = vector.extract %reduce_sum3A_241[15] : f32 from vector<16xf32>
      %slice3A_243 = vector.extract_strided_slice %get3A_102 {offsets = [2], sizes = [1], strides = [1]} : vector<16xf32> to vector<1xf32>
      %squeeze3A_244 = vector.extract %slice3A_243[0] : f32 from vector<1xf32>
      %sub3A_245 = arith.subf %reduce_sum3A_242, %squeeze3A_244 : f32
      %mul3A_246 = arith.mulf %sub3A_245, %sub3A_245 : f32
      %add3A_247 = arith.addf %add3A_195, %mul3A_246 : f32
      %mul3A_248 = arith.mulf %get3A_222, %get3A_222 : vector<16xf32>
      %add3A_249 = arith.addf %add3A_203, %mul3A_248 : vector<16xf32>
      %mul3A_250 = arith.mulf %get3A_225, %get3A_225 : vector<16xf32>
      %add3A_251 = arith.addf %add3A_249, %mul3A_250 : vector<16xf32>
      %mul3A_252 = arith.mulf %get3A_228, %get3A_228 : vector<16xf32>
      %add3A_253 = arith.addf %add3A_251, %mul3A_252 : vector<16xf32>
      %mul3A_254 = arith.mulf %get3A_231, %get3A_231 : vector<16xf32>
      %add3A_255 = arith.addf %add3A_253, %mul3A_254 : vector<16xf32>
      %mul3A_256 = arith.constant 16 : i32
      %mul3A_257 = arith.muli %scan3A_97, %mul3A_256 : i32
      %add3A_258 = arith.constant 3 : i32
      %add3A_259 = arith.addi %mul3A_257, %add3A_258 : i32
      %get3A_260 = arith.index_cast %add3A_259 : i32 to index
      %get3A_261 = arith.constant 0 : index
      %get3A_262 = tpu.vector_load %arg9[%get3A_260, %get3A_261] {strides = array<i32>} : memref<512x64xf32, #tpu.memory_space<vmem>>, vector<16xf32>,
      %get3A_263 = arith.index_cast %add3A_259 : i32 to index
      %get3A_264 = arith.constant 16 : index
      %get3A_265 = tpu.vector_load %arg9[%get3A_263, %get3A_264] {strides = array<i32>} : memref<512x64xf32, #tpu.memory_space<vmem>>, vector<16xf32>,
      %get3A_266 = arith.index_cast %add3A_259 : i32 to index
      %get3A_267 = arith.constant 32 : index
      %get3A_268 = tpu.vector_load %arg9[%get3A_266, %get3A_267] {strides = array<i32>} : memref<512x64xf32, #tpu.memory_space<vmem>>, vector<16xf32>,
      %get3A_269 = arith.index_cast %add3A_259 : i32 to index
      %get3A_270 = arith.constant 48 : index
      %get3A_271 = tpu.vector_load %arg9[%get3A_269, %get3A_270] {strides = array<i32>} : memref<512x64xf32, #tpu.memory_space<vmem>>, vector<16xf32>,
      %get3A_272 = arith.index_cast %add3A_259 : i32 to index
      %get3A_273 = arith.constant 0 : index
      %get3A_274 = tpu.vector_load %arg8[%get3A_272, %get3A_273] {strides = array<i32>} : memref<512x64xf32, #tpu.memory_space<vmem>>, vector<16xf32>,
      %get3A_275 = arith.index_cast %add3A_259 : i32 to index
      %get3A_276 = arith.constant 16 : index
      %get3A_277 = tpu.vector_load %arg8[%get3A_275, %get3A_276] {strides = array<i32>} : memref<512x64xf32, #tpu.memory_space<vmem>>, vector<16xf32>,
      %get3A_278 = arith.index_cast %add3A_259 : i32 to index
      %get3A_279 = arith.constant 32 : index
      %get3A_280 = tpu.vector_load %arg8[%get3A_278, %get3A_279] {strides = array<i32>} : memref<512x64xf32, #tpu.memory_space<vmem>>, vector<16xf32>,
      %get3A_281 = arith.index_cast %add3A_259 : i32 to index
      %get3A_282 = arith.constant 48 : index
      %get3A_283 = tpu.vector_load %arg8[%get3A_281, %get3A_282] {strides = array<i32>} : memref<512x64xf32, #tpu.memory_space<vmem>>, vector<16xf32>,
      %mul3A_284 = arith.mulf %get3A_262, %get3A_274 : vector<16xf32>
      %mul3A_285 = arith.mulf %get3A_265, %get3A_277 : vector<16xf32>
      %add3A_286 = arith.addf %mul3A_284, %mul3A_285 : vector<16xf32>
      %mul3A_287 = arith.mulf %get3A_268, %get3A_280 : vector<16xf32>
      %add3A_288 = arith.addf %add3A_286, %mul3A_287 : vector<16xf32>
      %mul3A_289 = arith.mulf %get3A_271, %get3A_283 : vector<16xf32>
      %add3A_290 = arith.addf %add3A_288, %mul3A_289 : vector<16xf32>
      %reduce_sum3A_291 = arith.constant true
      %reduce_sum3A_292 = vector.broadcast %reduce_sum3A_291 : i1 to vector<16xi1>
      %reduce_sum3A_293 = tpu.scan <sum>, %add3A_290 masked %reduce_sum3A_292 : vector<16xf32>, vector<16xi1> -> vector<16xf32>
      %reduce_sum3A_294 = vector.extract %reduce_sum3A_293[15] : f32 from vector<16xf32>
      %slice3A_295 = vector.extract_strided_slice %get3A_102 {offsets = [3], sizes = [1], strides = [1]} : vector<16xf32> to vector<1xf32>
      %squeeze3A_296 = vector.extract %slice3A_295[0] : f32 from vector<1xf32>
      %sub3A_297 = arith.subf %reduce_sum3A_294, %squeeze3A_296 : f32
      %mul3A_298 = arith.mulf %sub3A_297, %sub3A_297 : f32
      %add3A_299 = arith.addf %add3A_247, %mul3A_298 : f32
      %mul3A_300 = arith.mulf %get3A_274, %get3A_274 : vector<16xf32>
      %add3A_301 = arith.addf %add3A_255, %mul3A_300 : vector<16xf32>
      %mul3A_302 = arith.mulf %get3A_277, %get3A_277 : vector<16xf32>
      %add3A_303 = arith.addf %add3A_301, %mul3A_302 : vector<16xf32>
      %mul3A_304 = arith.mulf %get3A_280, %get3A_280 : vector<16xf32>
      %add3A_305 = arith.addf %add3A_303, %mul3A_304 : vector<16xf32>
      %mul3A_306 = arith.mulf %get3A_283, %get3A_283 : vector<16xf32>
      %add3A_307 = arith.addf %add3A_305, %mul3A_306 : vector<16xf32>
      %mul3A_308 = arith.constant 16 : i32
      %mul3A_309 = arith.muli %scan3A_97, %mul3A_308 : i32
      %add3A_310 = arith.constant 4 : i32
      %add3A_311 = arith.addi %mul3A_309, %add3A_310 : i32
      %get3A_312 = arith.index_cast %add3A_311 : i32 to index
      %get3A_313 = arith.constant 0 : index
      %get3A_314 = tpu.vector_load %arg9[%get3A_312, %get3A_313] {strides = array<i32>} : memref<512x64xf32, #tpu.memory_space<vmem>>, vector<16xf32>,
      %get3A_315 = arith.index_cast %add3A_311 : i32 to index
      %get3A_316 = arith.constant 16 : index
      %get3A_317 = tpu.vector_load %arg9[%get3A_315, %get3A_316] {strides = array<i32>} : memref<512x64xf32, #tpu.memory_space<vmem>>, vector<16xf32>,
      %get3A_318 = arith.index_cast %add3A_311 : i32 to index
      %get3A_319 = arith.constant 32 : index
      %get3A_320 = tpu.vector_load %arg9[%get3A_318, %get3A_319] {strides = array<i32>} : memref<512x64xf32, #tpu.memory_space<vmem>>, vector<16xf32>,
      %get3A_321 = arith.index_cast %add3A_311 : i32 to index
      %get3A_322 = arith.constant 48 : index
      %get3A_323 = tpu.vector_load %arg9[%get3A_321, %get3A_322] {strides = array<i32>} : memref<512x64xf32, #tpu.memory_space<vmem>>, vector<16xf32>,
      %get3A_324 = arith.index_cast %add3A_311 : i32 to index
      %get3A_325 = arith.constant 0 : index
      %get3A_326 = tpu.vector_load %arg8[%get3A_324, %get3A_325] {strides = array<i32>} : memref<512x64xf32, #tpu.memory_space<vmem>>, vector<16xf32>,
      %get3A_327 = arith.index_cast %add3A_311 : i32 to index
      %get3A_328 = arith.constant 16 : index
      %get3A_329 = tpu.vector_load %arg8[%get3A_327, %get3A_328] {strides = array<i32>} : memref<512x64xf32, #tpu.memory_space<vmem>>, vector<16xf32>,
      %get3A_330 = arith.index_cast %add3A_311 : i32 to index
      %get3A_331 = arith.constant 32 : index
      %get3A_332 = tpu.vector_load %arg8[%get3A_330, %get3A_331] {strides = array<i32>} : memref<512x64xf32, #tpu.memory_space<vmem>>, vector<16xf32>,
      %get3A_333 = arith.index_cast %add3A_311 : i32 to index
      %get3A_334 = arith.constant 48 : index
      %get3A_335 = tpu.vector_load %arg8[%get3A_333, %get3A_334] {strides = array<i32>} : memref<512x64xf32, #tpu.memory_space<vmem>>, vector<16xf32>,
      %mul3A_336 = arith.mulf %get3A_314, %get3A_326 : vector<16xf32>
      %mul3A_337 = arith.mulf %get3A_317, %get3A_329 : vector<16xf32>
      %add3A_338 = arith.addf %mul3A_336, %mul3A_337 : vector<16xf32>
      %mul3A_339 = arith.mulf %get3A_320, %get3A_332 : vector<16xf32>
      %add3A_340 = arith.addf %add3A_338, %mul3A_339 : vector<16xf32>
      %mul3A_341 = arith.mulf %get3A_323, %get3A_335 : vector<16xf32>
      %add3A_342 = arith.addf %add3A_340, %mul3A_341 : vector<16xf32>
      %reduce_sum3A_343 = arith.constant true
      %reduce_sum3A_344 = vector.broadcast %reduce_sum3A_343 : i1 to vector<16xi1>
      %reduce_sum3A_345 = tpu.scan <sum>, %add3A_342 masked %reduce_sum3A_344 : vector<16xf32>, vector<16xi1> -> vector<16xf32>
      %reduce_sum3A_346 = vector.extract %reduce_sum3A_345[15] : f32 from vector<16xf32>
      %slice3A_347 = vector.extract_strided_slice %get3A_102 {offsets = [4], sizes = [1], strides = [1]} : vector<16xf32> to vector<1xf32>
      %squeeze3A_348 = vector.extract %slice3A_347[0] : f32 from vector<1xf32>
      %sub3A_349 = arith.subf %reduce_sum3A_346, %squeeze3A_348 : f32
      %mul3A_350 = arith.mulf %sub3A_349, %sub3A_349 : f32
      %add3A_351 = arith.addf %add3A_299, %mul3A_350 : f32
      %mul3A_352 = arith.mulf %get3A_326, %get3A_326 : vector<16xf32>
      %add3A_353 = arith.addf %add3A_307, %mul3A_352 : vector<16xf32>
      %mul3A_354 = arith.mulf %get3A_329, %get3A_329 : vector<16xf32>
      %add3A_355 = arith.addf %add3A_353, %mul3A_354 : vector<16xf32>
      %mul3A_356 = arith.mulf %get3A_332, %get3A_332 : vector<16xf32>
      %add3A_357 = arith.addf %add3A_355, %mul3A_356 : vector<16xf32>
      %mul3A_358 = arith.mulf %get3A_335, %get3A_335 : vector<16xf32>
      %add3A_359 = arith.addf %add3A_357, %mul3A_358 : vector<16xf32>
      %mul3A_360 = arith.constant 16 : i32
      %mul3A_361 = arith.muli %scan3A_97, %mul3A_360 : i32
      %add3A_362 = arith.constant 5 : i32
      %add3A_363 = arith.addi %mul3A_361, %add3A_362 : i32
      %get3A_364 = arith.index_cast %add3A_363 : i32 to index
      %get3A_365 = arith.constant 0 : index
      %get3A_366 = tpu.vector_load %arg9[%get3A_364, %get3A_365] {strides = array<i32>} : memref<512x64xf32, #tpu.memory_space<vmem>>, vector<16xf32>,
      %get3A_367 = arith.index_cast %add3A_363 : i32 to index
      %get3A_368 = arith.constant 16 : index
      %get3A_369 = tpu.vector_load %arg9[%get3A_367, %get3A_368] {strides = array<i32>} : memref<512x64xf32, #tpu.memory_space<vmem>>, vector<16xf32>,
      %get3A_370 = arith.index_cast %add3A_363 : i32 to index
      %get3A_371 = arith.constant 32 : index
      %get3A_372 = tpu.vector_load %arg9[%get3A_370, %get3A_371] {strides = array<i32>} : memref<512x64xf32, #tpu.memory_space<vmem>>, vector<16xf32>,
      %get3A_373 = arith.index_cast %add3A_363 : i32 to index
      %get3A_374 = arith.constant 48 : index
      %get3A_375 = tpu.vector_load %arg9[%get3A_373, %get3A_374] {strides = array<i32>} : memref<512x64xf32, #tpu.memory_space<vmem>>, vector<16xf32>,
      %get3A_376 = arith.index_cast %add3A_363 : i32 to index
      %get3A_377 = arith.constant 0 : index
      %get3A_378 = tpu.vector_load %arg8[%get3A_376, %get3A_377] {strides = array<i32>} : memref<512x64xf32, #tpu.memory_space<vmem>>, vector<16xf32>,
      %get3A_379 = arith.index_cast %add3A_363 : i32 to index
      %get3A_380 = arith.constant 16 : index
      %get3A_381 = tpu.vector_load %arg8[%get3A_379, %get3A_380] {strides = array<i32>} : memref<512x64xf32, #tpu.memory_space<vmem>>, vector<16xf32>,
      %get3A_382 = arith.index_cast %add3A_363 : i32 to index
      %get3A_383 = arith.constant 32 : index
      %get3A_384 = tpu.vector_load %arg8[%get3A_382, %get3A_383] {strides = array<i32>} : memref<512x64xf32, #tpu.memory_space<vmem>>, vector<16xf32>,
      %get3A_385 = arith.index_cast %add3A_363 : i32 to index
      %get3A_386 = arith.constant 48 : index
      %get3A_387 = tpu.vector_load %arg8[%get3A_385, %get3A_386] {strides = array<i32>} : memref<512x64xf32, #tpu.memory_space<vmem>>, vector<16xf32>,
      %mul3A_388 = arith.mulf %get3A_366, %get3A_378 : vector<16xf32>
      %mul3A_389 = arith.mulf %get3A_369, %get3A_381 : vector<16xf32>
      %add3A_390 = arith.addf %mul3A_388, %mul3A_389 : vector<16xf32>
      %mul3A_391 = arith.mulf %get3A_372, %get3A_384 : vector<16xf32>
      %add3A_392 = arith.addf %add3A_390, %mul3A_391 : vector<16xf32>
      %mul3A_393 = arith.mulf %get3A_375, %get3A_387 : vector<16xf32>
      %add3A_394 = arith.addf %add3A_392, %mul3A_393 : vector<16xf32>
      %reduce_sum3A_395 = arith.constant true
      %reduce_sum3A_396 = vector.broadcast %reduce_sum3A_395 : i1 to vector<16xi1>
      %reduce_sum3A_397 = tpu.scan <sum>, %add3A_394 masked %reduce_sum3A_396 : vector<16xf32>, vector<16xi1> -> vector<16xf32>
      %reduce_sum3A_398 = vector.extract %reduce_sum3A_397[15] : f32 from vector<16xf32>
      %slice3A_399 = vector.extract_strided_slice %get3A_102 {offsets = [5], sizes = [1], strides = [1]} : vector<16xf32> to vector<1xf32>
      %squeeze3A_400 = vector.extract %slice3A_399[0] : f32 from vector<1xf32>
      %sub3A_401 = arith.subf %reduce_sum3A_398, %squeeze3A_400 : f32
      %mul3A_402 = arith.mulf %sub3A_401, %sub3A_401 : f32
      %add3A_403 = arith.addf %add3A_351, %mul3A_402 : f32
      %mul3A_404 = arith.mulf %get3A_378, %get3A_378 : vector<16xf32>
      %add3A_405 = arith.addf %add3A_359, %mul3A_404 : vector<16xf32>
      %mul3A_406 = arith.mulf %get3A_381, %get3A_381 : vector<16xf32>
      %add3A_407 = arith.addf %add3A_405, %mul3A_406 : vector<16xf32>
      %mul3A_408 = arith.mulf %get3A_384, %get3A_384 : vector<16xf32>
      %add3A_409 = arith.addf %add3A_407, %mul3A_408 : vector<16xf32>
      %mul3A_410 = arith.mulf %get3A_387, %get3A_387 : vector<16xf32>
      %add3A_411 = arith.addf %add3A_409, %mul3A_410 : vector<16xf32>
      %mul3A_412 = arith.constant 16 : i32
      %mul3A_413 = arith.muli %scan3A_97, %mul3A_412 : i32
      %add3A_414 = arith.constant 6 : i32
      %add3A_415 = arith.addi %mul3A_413, %add3A_414 : i32
      %get3A_416 = arith.index_cast %add3A_415 : i32 to index
      %get3A_417 = arith.constant 0 : index
      %get3A_418 = tpu.vector_load %arg9[%get3A_416, %get3A_417] {strides = array<i32>} : memref<512x64xf32, #tpu.memory_space<vmem>>, vector<16xf32>,
      %get3A_419 = arith.index_cast %add3A_415 : i32 to index
      %get3A_420 = arith.constant 16 : index
      %get3A_421 = tpu.vector_load %arg9[%get3A_419, %get3A_420] {strides = array<i32>} : memref<512x64xf32, #tpu.memory_space<vmem>>, vector<16xf32>,
      %get3A_422 = arith.index_cast %add3A_415 : i32 to index
      %get3A_423 = arith.constant 32 : index
      %get3A_424 = tpu.vector_load %arg9[%get3A_422, %get3A_423] {strides = array<i32>} : memref<512x64xf32, #tpu.memory_space<vmem>>, vector<16xf32>,
      %get3A_425 = arith.index_cast %add3A_415 : i32 to index
      %get3A_426 = arith.constant 48 : index
      %get3A_427 = tpu.vector_load %arg9[%get3A_425, %get3A_426] {strides = array<i32>} : memref<512x64xf32, #tpu.memory_space<vmem>>, vector<16xf32>,
      %get3A_428 = arith.index_cast %add3A_415 : i32 to index
      %get3A_429 = arith.constant 0 : index
      %get3A_430 = tpu.vector_load %arg8[%get3A_428, %get3A_429] {strides = array<i32>} : memref<512x64xf32, #tpu.memory_space<vmem>>, vector<16xf32>,
      %get3A_431 = arith.index_cast %add3A_415 : i32 to index
      %get3A_432 = arith.constant 16 : index
      %get3A_433 = tpu.vector_load %arg8[%get3A_431, %get3A_432] {strides = array<i32>} : memref<512x64xf32, #tpu.memory_space<vmem>>, vector<16xf32>,
      %get3A_434 = arith.index_cast %add3A_415 : i32 to index
      %get3A_435 = arith.constant 32 : index
      %get3A_436 = tpu.vector_load %arg8[%get3A_434, %get3A_435] {strides = array<i32>} : memref<512x64xf32, #tpu.memory_space<vmem>>, vector<16xf32>,
      %get3A_437 = arith.index_cast %add3A_415 : i32 to index
      %get3A_438 = arith.constant 48 : index
      %get3A_439 = tpu.vector_load %arg8[%get3A_437, %get3A_438] {strides = array<i32>} : memref<512x64xf32, #tpu.memory_space<vmem>>, vector<16xf32>,
      %mul3A_440 = arith.mulf %get3A_418, %get3A_430 : vector<16xf32>
      %mul3A_441 = arith.mulf %get3A_421, %get3A_433 : vector<16xf32>
      %add3A_442 = arith.addf %mul3A_440, %mul3A_441 : vector<16xf32>
      %mul3A_443 = arith.mulf %get3A_424, %get3A_436 : vector<16xf32>
      %add3A_444 = arith.addf %add3A_442, %mul3A_443 : vector<16xf32>
      %mul3A_445 = arith.mulf %get3A_427, %get3A_439 : vector<16xf32>
      %add3A_446 = arith.addf %add3A_444, %mul3A_445 : vector<16xf32>
      %reduce_sum3A_447 = arith.constant true
      %reduce_sum3A_448 = vector.broadcast %reduce_sum3A_447 : i1 to vector<16xi1>
      %reduce_sum3A_449 = tpu.scan <sum>, %add3A_446 masked %reduce_sum3A_448 : vector<16xf32>, vector<16xi1> -> vector<16xf32>
      %reduce_sum3A_450 = vector.extract %reduce_sum3A_449[15] : f32 from vector<16xf32>
      %slice3A_451 = vector.extract_strided_slice %get3A_102 {offsets = [6], sizes = [1], strides = [1]} : vector<16xf32> to vector<1xf32>
      %squeeze3A_452 = vector.extract %slice3A_451[0] : f32 from vector<1xf32>
      %sub3A_453 = arith.subf %reduce_sum3A_450, %squeeze3A_452 : f32
      %mul3A_454 = arith.mulf %sub3A_453, %sub3A_453 : f32
      %add3A_455 = arith.addf %add3A_403, %mul3A_454 : f32
      %mul3A_456 = arith.mulf %get3A_430, %get3A_430 : vector<16xf32>
      %add3A_457 = arith.addf %add3A_411, %mul3A_456 : vector<16xf32>
      %mul3A_458 = arith.mulf %get3A_433, %get3A_433 : vector<16xf32>
      %add3A_459 = arith.addf %add3A_457, %mul3A_458 : vector<16xf32>
      %mul3A_460 = arith.mulf %get3A_436, %get3A_436 : vector<16xf32>
      %add3A_461 = arith.addf %add3A_459, %mul3A_460 : vector<16xf32>
      %mul3A_462 = arith.mulf %get3A_439, %get3A_439 : vector<16xf32>
      %add3A_463 = arith.addf %add3A_461, %mul3A_462 : vector<16xf32>
      %mul3A_464 = arith.constant 16 : i32
      %mul3A_465 = arith.muli %scan3A_97, %mul3A_464 : i32
      %add3A_466 = arith.constant 7 : i32
      %add3A_467 = arith.addi %mul3A_465, %add3A_466 : i32
      %get3A_468 = arith.index_cast %add3A_467 : i32 to index
      %get3A_469 = arith.constant 0 : index
      %get3A_470 = tpu.vector_load %arg9[%get3A_468, %get3A_469] {strides = array<i32>} : memref<512x64xf32, #tpu.memory_space<vmem>>, vector<16xf32>,
      %get3A_471 = arith.index_cast %add3A_467 : i32 to index
      %get3A_472 = arith.constant 16 : index
      %get3A_473 = tpu.vector_load %arg9[%get3A_471, %get3A_472] {strides = array<i32>} : memref<512x64xf32, #tpu.memory_space<vmem>>, vector<16xf32>,
      %get3A_474 = arith.index_cast %add3A_467 : i32 to index
      %get3A_475 = arith.constant 32 : index
      %get3A_476 = tpu.vector_load %arg9[%get3A_474, %get3A_475] {strides = array<i32>} : memref<512x64xf32, #tpu.memory_space<vmem>>, vector<16xf32>,
      %get3A_477 = arith.index_cast %add3A_467 : i32 to index
      %get3A_478 = arith.constant 48 : index
      %get3A_479 = tpu.vector_load %arg9[%get3A_477, %get3A_478] {strides = array<i32>} : memref<512x64xf32, #tpu.memory_space<vmem>>, vector<16xf32>,
      %get3A_480 = arith.index_cast %add3A_467 : i32 to index
      %get3A_481 = arith.constant 0 : index
      %get3A_482 = tpu.vector_load %arg8[%get3A_480, %get3A_481] {strides = array<i32>} : memref<512x64xf32, #tpu.memory_space<vmem>>, vector<16xf32>,
      %get3A_483 = arith.index_cast %add3A_467 : i32 to index
      %get3A_484 = arith.constant 16 : index
      %get3A_485 = tpu.vector_load %arg8[%get3A_483, %get3A_484] {strides = array<i32>} : memref<512x64xf32, #tpu.memory_space<vmem>>, vector<16xf32>,
      %get3A_486 = arith.index_cast %add3A_467 : i32 to index
      %get3A_487 = arith.constant 32 : index
      %get3A_488 = tpu.vector_load %arg8[%get3A_486, %get3A_487] {strides = array<i32>} : memref<512x64xf32, #tpu.memory_space<vmem>>, vector<16xf32>,
      %get3A_489 = arith.index_cast %add3A_467 : i32 to index
      %get3A_490 = arith.constant 48 : index
      %get3A_491 = tpu.vector_load %arg8[%get3A_489, %get3A_490] {strides = array<i32>} : memref<512x64xf32, #tpu.memory_space<vmem>>, vector<16xf32>,
      %mul3A_492 = arith.mulf %get3A_470, %get3A_482 : vector<16xf32>
      %mul3A_493 = arith.mulf %get3A_473, %get3A_485 : vector<16xf32>
      %add3A_494 = arith.addf %mul3A_492, %mul3A_493 : vector<16xf32>
      %mul3A_495 = arith.mulf %get3A_476, %get3A_488 : vector<16xf32>
      %add3A_496 = arith.addf %add3A_494, %mul3A_495 : vector<16xf32>
      %mul3A_497 = arith.mulf %get3A_479, %get3A_491 : vector<16xf32>
      %add3A_498 = arith.addf %add3A_496, %mul3A_497 : vector<16xf32>
      %reduce_sum3A_499 = arith.constant true
      %reduce_sum3A_500 = vector.broadcast %reduce_sum3A_499 : i1 to vector<16xi1>
      %reduce_sum3A_501 = tpu.scan <sum>, %add3A_498 masked %reduce_sum3A_500 : vector<16xf32>, vector<16xi1> -> vector<16xf32>
      %reduce_sum3A_502 = vector.extract %reduce_sum3A_501[15] : f32 from vector<16xf32>
      %slice3A_503 = vector.extract_strided_slice %get3A_102 {offsets = [7], sizes = [1], strides = [1]} : vector<16xf32> to vector<1xf32>
      %squeeze3A_504 = vector.extract %slice3A_503[0] : f32 from vector<1xf32>
      %sub3A_505 = arith.subf %reduce_sum3A_502, %squeeze3A_504 : f32
      %mul3A_506 = arith.mulf %sub3A_505, %sub3A_505 : f32
      %add3A_507 = arith.addf %add3A_455, %mul3A_506 : f32
      %mul3A_508 = arith.mulf %get3A_482, %get3A_482 : vector<16xf32>
      %add3A_509 = arith.addf %add3A_463, %mul3A_508 : vector<16xf32>
      %mul3A_510 = arith.mulf %get3A_485, %get3A_485 : vector<16xf32>
      %add3A_511 = arith.addf %add3A_509, %mul3A_510 : vector<16xf32>
      %mul3A_512 = arith.mulf %get3A_488, %get3A_488 : vector<16xf32>
      %add3A_513 = arith.addf %add3A_511, %mul3A_512 : vector<16xf32>
      %mul3A_514 = arith.mulf %get3A_491, %get3A_491 : vector<16xf32>
      %add3A_515 = arith.addf %add3A_513, %mul3A_514 : vector<16xf32>
      %mul3A_516 = arith.constant 16 : i32
      %mul3A_517 = arith.muli %scan3A_97, %mul3A_516 : i32
      %add3A_518 = arith.constant 8 : i32
      %add3A_519 = arith.addi %mul3A_517, %add3A_518 : i32
      %get3A_520 = arith.index_cast %add3A_519 : i32 to index
      %get3A_521 = arith.constant 0 : index
      %get3A_522 = tpu.vector_load %arg9[%get3A_520, %get3A_521] {strides = array<i32>} : memref<512x64xf32, #tpu.memory_space<vmem>>, vector<16xf32>,
      %get3A_523 = arith.index_cast %add3A_519 : i32 to index
      %get3A_524 = arith.constant 16 : index
      %get3A_525 = tpu.vector_load %arg9[%get3A_523, %get3A_524] {strides = array<i32>} : memref<512x64xf32, #tpu.memory_space<vmem>>, vector<16xf32>,
      %get3A_526 = arith.index_cast %add3A_519 : i32 to index
      %get3A_527 = arith.constant 32 : index
      %get3A_528 = tpu.vector_load %arg9[%get3A_526, %get3A_527] {strides = array<i32>} : memref<512x64xf32, #tpu.memory_space<vmem>>, vector<16xf32>,
      %get3A_529 = arith.index_cast %add3A_519 : i32 to index
      %get3A_530 = arith.constant 48 : index
      %get3A_531 = tpu.vector_load %arg9[%get3A_529, %get3A_530] {strides = array<i32>} : memref<512x64xf32, #tpu.memory_space<vmem>>, vector<16xf32>,
      %get3A_532 = arith.index_cast %add3A_519 : i32 to index
      %get3A_533 = arith.constant 0 : index
      %get3A_534 = tpu.vector_load %arg8[%get3A_532, %get3A_533] {strides = array<i32>} : memref<512x64xf32, #tpu.memory_space<vmem>>, vector<16xf32>,
      %get3A_535 = arith.index_cast %add3A_519 : i32 to index
      %get3A_536 = arith.constant 16 : index
      %get3A_537 = tpu.vector_load %arg8[%get3A_535, %get3A_536] {strides = array<i32>} : memref<512x64xf32, #tpu.memory_space<vmem>>, vector<16xf32>,
      %get3A_538 = arith.index_cast %add3A_519 : i32 to index
      %get3A_539 = arith.constant 32 : index
      %get3A_540 = tpu.vector_load %arg8[%get3A_538, %get3A_539] {strides = array<i32>} : memref<512x64xf32, #tpu.memory_space<vmem>>, vector<16xf32>,
      %get3A_541 = arith.index_cast %add3A_519 : i32 to index
      %get3A_542 = arith.constant 48 : index
      %get3A_543 = tpu.vector_load %arg8[%get3A_541, %get3A_542] {strides = array<i32>} : memref<512x64xf32, #tpu.memory_space<vmem>>, vector<16xf32>,
      %mul3A_544 = arith.mulf %get3A_522, %get3A_534 : vector<16xf32>
      %mul3A_545 = arith.mulf %get3A_525, %get3A_537 : vector<16xf32>
      %add3A_546 = arith.addf %mul3A_544, %mul3A_545 : vector<16xf32>
      %mul3A_547 = arith.mulf %get3A_528, %get3A_540 : vector<16xf32>
      %add3A_548 = arith.addf %add3A_546, %mul3A_547 : vector<16xf32>
      %mul3A_549 = arith.mulf %get3A_531, %get3A_543 : vector<16xf32>
      %add3A_550 = arith.addf %add3A_548, %mul3A_549 : vector<16xf32>
      %reduce_sum3A_551 = arith.constant true
      %reduce_sum3A_552 = vector.broadcast %reduce_sum3A_551 : i1 to vector<16xi1>
      %reduce_sum3A_553 = tpu.scan <sum>, %add3A_550 masked %reduce_sum3A_552 : vector<16xf32>, vector<16xi1> -> vector<16xf32>
      %reduce_sum3A_554 = vector.extract %reduce_sum3A_553[15] : f32 from vector<16xf32>
      %slice3A_555 = vector.extract_strided_slice %get3A_102 {offsets = [8], sizes = [1], strides = [1]} : vector<16xf32> to vector<1xf32>
      %squeeze3A_556 = vector.extract %slice3A_555[0] : f32 from vector<1xf32>
      %sub3A_557 = arith.subf %reduce_sum3A_554, %squeeze3A_556 : f32
      %mul3A_558 = arith.mulf %sub3A_557, %sub3A_557 : f32
      %add3A_559 = arith.addf %add3A_507, %mul3A_558 : f32
      %mul3A_560 = arith.mulf %get3A_534, %get3A_534 : vector<16xf32>
      %add3A_561 = arith.addf %add3A_515, %mul3A_560 : vector<16xf32>
      %mul3A_562 = arith.mulf %get3A_537, %get3A_537 : vector<16xf32>
      %add3A_563 = arith.addf %add3A_561, %mul3A_562 : vector<16xf32>
      %mul3A_564 = arith.mulf %get3A_540, %get3A_540 : vector<16xf32>
      %add3A_565 = arith.addf %add3A_563, %mul3A_564 : vector<16xf32>
      %mul3A_566 = arith.mulf %get3A_543, %get3A_543 : vector<16xf32>
      %add3A_567 = arith.addf %add3A_565, %mul3A_566 : vector<16xf32>
      %mul3A_568 = arith.constant 16 : i32
      %mul3A_569 = arith.muli %scan3A_97, %mul3A_568 : i32
      %add3A_570 = arith.constant 9 : i32
      %add3A_571 = arith.addi %mul3A_569, %add3A_570 : i32
      %get3A_572 = arith.index_cast %add3A_571 : i32 to index
      %get3A_573 = arith.constant 0 : index
      %get3A_574 = tpu.vector_load %arg9[%get3A_572, %get3A_573] {strides = array<i32>} : memref<512x64xf32, #tpu.memory_space<vmem>>, vector<16xf32>,
      %get3A_575 = arith.index_cast %add3A_571 : i32 to index
      %get3A_576 = arith.constant 16 : index
      %get3A_577 = tpu.vector_load %arg9[%get3A_575, %get3A_576] {strides = array<i32>} : memref<512x64xf32, #tpu.memory_space<vmem>>, vector<16xf32>,
      %get3A_578 = arith.index_cast %add3A_571 : i32 to index
      %get3A_579 = arith.constant 32 : index
      %get3A_580 = tpu.vector_load %arg9[%get3A_578, %get3A_579] {strides = array<i32>} : memref<512x64xf32, #tpu.memory_space<vmem>>, vector<16xf32>,
      %get3A_581 = arith.index_cast %add3A_571 : i32 to index
      %get3A_582 = arith.constant 48 : index
      %get3A_583 = tpu.vector_load %arg9[%get3A_581, %get3A_582] {strides = array<i32>} : memref<512x64xf32, #tpu.memory_space<vmem>>, vector<16xf32>,
      %get3A_584 = arith.index_cast %add3A_571 : i32 to index
      %get3A_585 = arith.constant 0 : index
      %get3A_586 = tpu.vector_load %arg8[%get3A_584, %get3A_585] {strides = array<i32>} : memref<512x64xf32, #tpu.memory_space<vmem>>, vector<16xf32>,
      %get3A_587 = arith.index_cast %add3A_571 : i32 to index
      %get3A_588 = arith.constant 16 : index
      %get3A_589 = tpu.vector_load %arg8[%get3A_587, %get3A_588] {strides = array<i32>} : memref<512x64xf32, #tpu.memory_space<vmem>>, vector<16xf32>,
      %get3A_590 = arith.index_cast %add3A_571 : i32 to index
      %get3A_591 = arith.constant 32 : index
      %get3A_592 = tpu.vector_load %arg8[%get3A_590, %get3A_591] {strides = array<i32>} : memref<512x64xf32, #tpu.memory_space<vmem>>, vector<16xf32>,
      %get3A_593 = arith.index_cast %add3A_571 : i32 to index
      %get3A_594 = arith.constant 48 : index
      %get3A_595 = tpu.vector_load %arg8[%get3A_593, %get3A_594] {strides = array<i32>} : memref<512x64xf32, #tpu.memory_space<vmem>>, vector<16xf32>,
      %mul3A_596 = arith.mulf %get3A_574, %get3A_586 : vector<16xf32>
      %mul3A_597 = arith.mulf %get3A_577, %get3A_589 : vector<16xf32>
      %add3A_598 = arith.addf %mul3A_596, %mul3A_597 : vector<16xf32>
      %mul3A_599 = arith.mulf %get3A_580, %get3A_592 : vector<16xf32>
      %add3A_600 = arith.addf %add3A_598, %mul3A_599 : vector<16xf32>
      %mul3A_601 = arith.mulf %get3A_583, %get3A_595 : vector<16xf32>
      %add3A_602 = arith.addf %add3A_600, %mul3A_601 : vector<16xf32>
      %reduce_sum3A_603 = arith.constant true
      %reduce_sum3A_604 = vector.broadcast %reduce_sum3A_603 : i1 to vector<16xi1>
      %reduce_sum3A_605 = tpu.scan <sum>, %add3A_602 masked %reduce_sum3A_604 : vector<16xf32>, vector<16xi1> -> vector<16xf32>
      %reduce_sum3A_606 = vector.extract %reduce_sum3A_605[15] : f32 from vector<16xf32>
      %slice3A_607 = vector.extract_strided_slice %get3A_102 {offsets = [9], sizes = [1], strides = [1]} : vector<16xf32> to vector<1xf32>
      %squeeze3A_608 = vector.extract %slice3A_607[0] : f32 from vector<1xf32>
      %sub3A_609 = arith.subf %reduce_sum3A_606, %squeeze3A_608 : f32
      %mul3A_610 = arith.mulf %sub3A_609, %sub3A_609 : f32
      %add3A_611 = arith.addf %add3A_559, %mul3A_610 : f32
      %mul3A_612 = arith.mulf %get3A_586, %get3A_586 : vector<16xf32>
      %add3A_613 = arith.addf %add3A_567, %mul3A_612 : vector<16xf32>
      %mul3A_614 = arith.mulf %get3A_589, %get3A_589 : vector<16xf32>
      %add3A_615 = arith.addf %add3A_613, %mul3A_614 : vector<16xf32>
      %mul3A_616 = arith.mulf %get3A_592, %get3A_592 : vector<16xf32>
      %add3A_617 = arith.addf %add3A_615, %mul3A_616 : vector<16xf32>
      %mul3A_618 = arith.mulf %get3A_595, %get3A_595 : vector<16xf32>
      %add3A_619 = arith.addf %add3A_617, %mul3A_618 : vector<16xf32>
      %mul3A_620 = arith.constant 16 : i32
      %mul3A_621 = arith.muli %scan3A_97, %mul3A_620 : i32
      %add3A_622 = arith.constant 10 : i32
      %add3A_623 = arith.addi %mul3A_621, %add3A_622 : i32
      %get3A_624 = arith.index_cast %add3A_623 : i32 to index
      %get3A_625 = arith.constant 0 : index
      %get3A_626 = tpu.vector_load %arg9[%get3A_624, %get3A_625] {strides = array<i32>} : memref<512x64xf32, #tpu.memory_space<vmem>>, vector<16xf32>,
      %get3A_627 = arith.index_cast %add3A_623 : i32 to index
      %get3A_628 = arith.constant 16 : index
      %get3A_629 = tpu.vector_load %arg9[%get3A_627, %get3A_628] {strides = array<i32>} : memref<512x64xf32, #tpu.memory_space<vmem>>, vector<16xf32>,
      %get3A_630 = arith.index_cast %add3A_623 : i32 to index
      %get3A_631 = arith.constant 32 : index
      %get3A_632 = tpu.vector_load %arg9[%get3A_630, %get3A_631] {strides = array<i32>} : memref<512x64xf32, #tpu.memory_space<vmem>>, vector<16xf32>,
      %get3A_633 = arith.index_cast %add3A_623 : i32 to index
      %get3A_634 = arith.constant 48 : index
      %get3A_635 = tpu.vector_load %arg9[%get3A_633, %get3A_634] {strides = array<i32>} : memref<512x64xf32, #tpu.memory_space<vmem>>, vector<16xf32>,
      %get3A_636 = arith.index_cast %add3A_623 : i32 to index
      %get3A_637 = arith.constant 0 : index
      %get3A_638 = tpu.vector_load %arg8[%get3A_636, %get3A_637] {strides = array<i32>} : memref<512x64xf32, #tpu.memory_space<vmem>>, vector<16xf32>,
      %get3A_639 = arith.index_cast %add3A_623 : i32 to index
      %get3A_640 = arith.constant 16 : index
      %get3A_641 = tpu.vector_load %arg8[%get3A_639, %get3A_640] {strides = array<i32>} : memref<512x64xf32, #tpu.memory_space<vmem>>, vector<16xf32>,
      %get3A_642 = arith.index_cast %add3A_623 : i32 to index
      %get3A_643 = arith.constant 32 : index
      %get3A_644 = tpu.vector_load %arg8[%get3A_642, %get3A_643] {strides = array<i32>} : memref<512x64xf32, #tpu.memory_space<vmem>>, vector<16xf32>,
      %get3A_645 = arith.index_cast %add3A_623 : i32 to index
      %get3A_646 = arith.constant 48 : index
      %get3A_647 = tpu.vector_load %arg8[%get3A_645, %get3A_646] {strides = array<i32>} : memref<512x64xf32, #tpu.memory_space<vmem>>, vector<16xf32>,
      %mul3A_648 = arith.mulf %get3A_626, %get3A_638 : vector<16xf32>
      %mul3A_649 = arith.mulf %get3A_629, %get3A_641 : vector<16xf32>
      %add3A_650 = arith.addf %mul3A_648, %mul3A_649 : vector<16xf32>
      %mul3A_651 = arith.mulf %get3A_632, %get3A_644 : vector<16xf32>
      %add3A_652 = arith.addf %add3A_650, %mul3A_651 : vector<16xf32>
      %mul3A_653 = arith.mulf %get3A_635, %get3A_647 : vector<16xf32>
      %add3A_654 = arith.addf %add3A_652, %mul3A_653 : vector<16xf32>
      %reduce_sum3A_655 = arith.constant true
      %reduce_sum3A_656 = vector.broadcast %reduce_sum3A_655 : i1 to vector<16xi1>
      %reduce_sum3A_657 = tpu.scan <sum>, %add3A_654 masked %reduce_sum3A_656 : vector<16xf32>, vector<16xi1> -> vector<16xf32>
      %reduce_sum3A_658 = vector.extract %reduce_sum3A_657[15] : f32 from vector<16xf32>
      %slice3A_659 = vector.extract_strided_slice %get3A_102 {offsets = [10], sizes = [1], strides = [1]} : vector<16xf32> to vector<1xf32>
      %squeeze3A_660 = vector.extract %slice3A_659[0] : f32 from vector<1xf32>
      %sub3A_661 = arith.subf %reduce_sum3A_658, %squeeze3A_660 : f32
      %mul3A_662 = arith.mulf %sub3A_661, %sub3A_661 : f32
      %add3A_663 = arith.addf %add3A_611, %mul3A_662 : f32
      %mul3A_664 = arith.mulf %get3A_638, %get3A_638 : vector<16xf32>
      %add3A_665 = arith.addf %add3A_619, %mul3A_664 : vector<16xf32>
      %mul3A_666 = arith.mulf %get3A_641, %get3A_641 : vector<16xf32>
      %add3A_667 = arith.addf %add3A_665, %mul3A_666 : vector<16xf32>
      %mul3A_668 = arith.mulf %get3A_644, %get3A_644 : vector<16xf32>
      %add3A_669 = arith.addf %add3A_667, %mul3A_668 : vector<16xf32>
      %mul3A_670 = arith.mulf %get3A_647, %get3A_647 : vector<16xf32>
      %add3A_671 = arith.addf %add3A_669, %mul3A_670 : vector<16xf32>
      %mul3A_672 = arith.constant 16 : i32
      %mul3A_673 = arith.muli %scan3A_97, %mul3A_672 : i32
      %add3A_674 = arith.constant 11 : i32
      %add3A_675 = arith.addi %mul3A_673, %add3A_674 : i32
      %get3A_676 = arith.index_cast %add3A_675 : i32 to index
      %get3A_677 = arith.constant 0 : index
      %get3A_678 = tpu.vector_load %arg9[%get3A_676, %get3A_677] {strides = array<i32>} : memref<512x64xf32, #tpu.memory_space<vmem>>, vector<16xf32>,
      %get3A_679 = arith.index_cast %add3A_675 : i32 to index
      %get3A_680 = arith.constant 16 : index
      %get3A_681 = tpu.vector_load %arg9[%get3A_679, %get3A_680] {strides = array<i32>} : memref<512x64xf32, #tpu.memory_space<vmem>>, vector<16xf32>,
      %get3A_682 = arith.index_cast %add3A_675 : i32 to index
      %get3A_683 = arith.constant 32 : index
      %get3A_684 = tpu.vector_load %arg9[%get3A_682, %get3A_683] {strides = array<i32>} : memref<512x64xf32, #tpu.memory_space<vmem>>, vector<16xf32>,
      %get3A_685 = arith.index_cast %add3A_675 : i32 to index
      %get3A_686 = arith.constant 48 : index
      %get3A_687 = tpu.vector_load %arg9[%get3A_685, %get3A_686] {strides = array<i32>} : memref<512x64xf32, #tpu.memory_space<vmem>>, vector<16xf32>,
      %get3A_688 = arith.index_cast %add3A_675 : i32 to index
      %get3A_689 = arith.constant 0 : index
      %get3A_690 = tpu.vector_load %arg8[%get3A_688, %get3A_689] {strides = array<i32>} : memref<512x64xf32, #tpu.memory_space<vmem>>, vector<16xf32>,
      %get3A_691 = arith.index_cast %add3A_675 : i32 to index
      %get3A_692 = arith.constant 16 : index
      %get3A_693 = tpu.vector_load %arg8[%get3A_691, %get3A_692] {strides = array<i32>} : memref<512x64xf32, #tpu.memory_space<vmem>>, vector<16xf32>,
      %get3A_694 = arith.index_cast %add3A_675 : i32 to index
      %get3A_695 = arith.constant 32 : index
      %get3A_696 = tpu.vector_load %arg8[%get3A_694, %get3A_695] {strides = array<i32>} : memref<512x64xf32, #tpu.memory_space<vmem>>, vector<16xf32>,
      %get3A_697 = arith.index_cast %add3A_675 : i32 to index
      %get3A_698 = arith.constant 48 : index
      %get3A_699 = tpu.vector_load %arg8[%get3A_697, %get3A_698] {strides = array<i32>} : memref<512x64xf32, #tpu.memory_space<vmem>>, vector<16xf32>,
      %mul3A_700 = arith.mulf %get3A_678, %get3A_690 : vector<16xf32>
      %mul3A_701 = arith.mulf %get3A_681, %get3A_693 : vector<16xf32>
      %add3A_702 = arith.addf %mul3A_700, %mul3A_701 : vector<16xf32>
      %mul3A_703 = arith.mulf %get3A_684, %get3A_696 : vector<16xf32>
      %add3A_704 = arith.addf %add3A_702, %mul3A_703 : vector<16xf32>
      %mul3A_705 = arith.mulf %get3A_687, %get3A_699 : vector<16xf32>
      %add3A_706 = arith.addf %add3A_704, %mul3A_705 : vector<16xf32>
      %reduce_sum3A_707 = arith.constant true
      %reduce_sum3A_708 = vector.broadcast %reduce_sum3A_707 : i1 to vector<16xi1>
      %reduce_sum3A_709 = tpu.scan <sum>, %add3A_706 masked %reduce_sum3A_708 : vector<16xf32>, vector<16xi1> -> vector<16xf32>
      %reduce_sum3A_710 = vector.extract %reduce_sum3A_709[15] : f32 from vector<16xf32>
      %slice3A_711 = vector.extract_strided_slice %get3A_102 {offsets = [11], sizes = [1], strides = [1]} : vector<16xf32> to vector<1xf32>
      %squeeze3A_712 = vector.extract %slice3A_711[0] : f32 from vector<1xf32>
      %sub3A_713 = arith.subf %reduce_sum3A_710, %squeeze3A_712 : f32
      %mul3A_714 = arith.mulf %sub3A_713, %sub3A_713 : f32
      %add3A_715 = arith.addf %add3A_663, %mul3A_714 : f32
      %mul3A_716 = arith.mulf %get3A_690, %get3A_690 : vector<16xf32>
      %add3A_717 = arith.addf %add3A_671, %mul3A_716 : vector<16xf32>
      %mul3A_718 = arith.mulf %get3A_693, %get3A_693 : vector<16xf32>
      %add3A_719 = arith.addf %add3A_717, %mul3A_718 : vector<16xf32>
      %mul3A_720 = arith.mulf %get3A_696, %get3A_696 : vector<16xf32>
      %add3A_721 = arith.addf %add3A_719, %mul3A_720 : vector<16xf32>
      %mul3A_722 = arith.mulf %get3A_699, %get3A_699 : vector<16xf32>
      %add3A_723 = arith.addf %add3A_721, %mul3A_722 : vector<16xf32>
      %mul3A_724 = arith.constant 16 : i32
      %mul3A_725 = arith.muli %scan3A_97, %mul3A_724 : i32
      %add3A_726 = arith.constant 12 : i32
      %add3A_727 = arith.addi %mul3A_725, %add3A_726 : i32
      %get3A_728 = arith.index_cast %add3A_727 : i32 to index
      %get3A_729 = arith.constant 0 : index
      %get3A_730 = tpu.vector_load %arg9[%get3A_728, %get3A_729] {strides = array<i32>} : memref<512x64xf32, #tpu.memory_space<vmem>>, vector<16xf32>,
      %get3A_731 = arith.index_cast %add3A_727 : i32 to index
      %get3A_732 = arith.constant 16 : index
      %get3A_733 = tpu.vector_load %arg9[%get3A_731, %get3A_732] {strides = array<i32>} : memref<512x64xf32, #tpu.memory_space<vmem>>, vector<16xf32>,
      %get3A_734 = arith.index_cast %add3A_727 : i32 to index
      %get3A_735 = arith.constant 32 : index
      %get3A_736 = tpu.vector_load %arg9[%get3A_734, %get3A_735] {strides = array<i32>} : memref<512x64xf32, #tpu.memory_space<vmem>>, vector<16xf32>,
      %get3A_737 = arith.index_cast %add3A_727 : i32 to index
      %get3A_738 = arith.constant 48 : index
      %get3A_739 = tpu.vector_load %arg9[%get3A_737, %get3A_738] {strides = array<i32>} : memref<512x64xf32, #tpu.memory_space<vmem>>, vector<16xf32>,
      %get3A_740 = arith.index_cast %add3A_727 : i32 to index
      %get3A_741 = arith.constant 0 : index
      %get3A_742 = tpu.vector_load %arg8[%get3A_740, %get3A_741] {strides = array<i32>} : memref<512x64xf32, #tpu.memory_space<vmem>>, vector<16xf32>,
      %get3A_743 = arith.index_cast %add3A_727 : i32 to index
      %get3A_744 = arith.constant 16 : index
      %get3A_745 = tpu.vector_load %arg8[%get3A_743, %get3A_744] {strides = array<i32>} : memref<512x64xf32, #tpu.memory_space<vmem>>, vector<16xf32>,
      %get3A_746 = arith.index_cast %add3A_727 : i32 to index
      %get3A_747 = arith.constant 32 : index
      %get3A_748 = tpu.vector_load %arg8[%get3A_746, %get3A_747] {strides = array<i32>} : memref<512x64xf32, #tpu.memory_space<vmem>>, vector<16xf32>,
      %get3A_749 = arith.index_cast %add3A_727 : i32 to index
      %get3A_750 = arith.constant 48 : index
      %get3A_751 = tpu.vector_load %arg8[%get3A_749, %get3A_750] {strides = array<i32>} : memref<512x64xf32, #tpu.memory_space<vmem>>, vector<16xf32>,
      %mul3A_752 = arith.mulf %get3A_730, %get3A_742 : vector<16xf32>
      %mul3A_753 = arith.mulf %get3A_733, %get3A_745 : vector<16xf32>
      %add3A_754 = arith.addf %mul3A_752, %mul3A_753 : vector<16xf32>
      %mul3A_755 = arith.mulf %get3A_736, %get3A_748 : vector<16xf32>
      %add3A_756 = arith.addf %add3A_754, %mul3A_755 : vector<16xf32>
      %mul3A_757 = arith.mulf %get3A_739, %get3A_751 : vector<16xf32>
      %add3A_758 = arith.addf %add3A_756, %mul3A_757 : vector<16xf32>
      %reduce_sum3A_759 = arith.constant true
      %reduce_sum3A_760 = vector.broadcast %reduce_sum3A_759 : i1 to vector<16xi1>
      %reduce_sum3A_761 = tpu.scan <sum>, %add3A_758 masked %reduce_sum3A_760 : vector<16xf32>, vector<16xi1> -> vector<16xf32>
      %reduce_sum3A_762 = vector.extract %reduce_sum3A_761[15] : f32 from vector<16xf32>
      %slice3A_763 = vector.extract_strided_slice %get3A_102 {offsets = [12], sizes = [1], strides = [1]} : vector<16xf32> to vector<1xf32>
      %squeeze3A_764 = vector.extract %slice3A_763[0] : f32 from vector<1xf32>
      %sub3A_765 = arith.subf %reduce_sum3A_762, %squeeze3A_764 : f32
      %mul3A_766 = arith.mulf %sub3A_765, %sub3A_765 : f32
      %add3A_767 = arith.addf %add3A_715, %mul3A_766 : f32
      %mul3A_768 = arith.mulf %get3A_742, %get3A_742 : vector<16xf32>
      %add3A_769 = arith.addf %add3A_723, %mul3A_768 : vector<16xf32>
      %mul3A_770 = arith.mulf %get3A_745, %get3A_745 : vector<16xf32>
      %add3A_771 = arith.addf %add3A_769, %mul3A_770 : vector<16xf32>
      %mul3A_772 = arith.mulf %get3A_748, %get3A_748 : vector<16xf32>
      %add3A_773 = arith.addf %add3A_771, %mul3A_772 : vector<16xf32>
      %mul3A_774 = arith.mulf %get3A_751, %get3A_751 : vector<16xf32>
      %add3A_775 = arith.addf %add3A_773, %mul3A_774 : vector<16xf32>
      %mul3A_776 = arith.constant 16 : i32
      %mul3A_777 = arith.muli %scan3A_97, %mul3A_776 : i32
      %add3A_778 = arith.constant 13 : i32
      %add3A_779 = arith.addi %mul3A_777, %add3A_778 : i32
      %get3A_780 = arith.index_cast %add3A_779 : i32 to index
      %get3A_781 = arith.constant 0 : index
      %get3A_782 = tpu.vector_load %arg9[%get3A_780, %get3A_781] {strides = array<i32>} : memref<512x64xf32, #tpu.memory_space<vmem>>, vector<16xf32>,
      %get3A_783 = arith.index_cast %add3A_779 : i32 to index
      %get3A_784 = arith.constant 16 : index
      %get3A_785 = tpu.vector_load %arg9[%get3A_783, %get3A_784] {strides = array<i32>} : memref<512x64xf32, #tpu.memory_space<vmem>>, vector<16xf32>,
      %get3A_786 = arith.index_cast %add3A_779 : i32 to index
      %get3A_787 = arith.constant 32 : index
      %get3A_788 = tpu.vector_load %arg9[%get3A_786, %get3A_787] {strides = array<i32>} : memref<512x64xf32, #tpu.memory_space<vmem>>, vector<16xf32>,
      %get3A_789 = arith.index_cast %add3A_779 : i32 to index
      %get3A_790 = arith.constant 48 : index
      %get3A_791 = tpu.vector_load %arg9[%get3A_789, %get3A_790] {strides = array<i32>} : memref<512x64xf32, #tpu.memory_space<vmem>>, vector<16xf32>,
      %get3A_792 = arith.index_cast %add3A_779 : i32 to index
      %get3A_793 = arith.constant 0 : index
      %get3A_794 = tpu.vector_load %arg8[%get3A_792, %get3A_793] {strides = array<i32>} : memref<512x64xf32, #tpu.memory_space<vmem>>, vector<16xf32>,
      %get3A_795 = arith.index_cast %add3A_779 : i32 to index
      %get3A_796 = arith.constant 16 : index
      %get3A_797 = tpu.vector_load %arg8[%get3A_795, %get3A_796] {strides = array<i32>} : memref<512x64xf32, #tpu.memory_space<vmem>>, vector<16xf32>,
      %get3A_798 = arith.index_cast %add3A_779 : i32 to index
      %get3A_799 = arith.constant 32 : index
      %get3A_800 = tpu.vector_load %arg8[%get3A_798, %get3A_799] {strides = array<i32>} : memref<512x64xf32, #tpu.memory_space<vmem>>, vector<16xf32>,
      %get3A_801 = arith.index_cast %add3A_779 : i32 to index
      %get3A_802 = arith.constant 48 : index
      %get3A_803 = tpu.vector_load %arg8[%get3A_801, %get3A_802] {strides = array<i32>} : memref<512x64xf32, #tpu.memory_space<vmem>>, vector<16xf32>,
      %mul3A_804 = arith.mulf %get3A_782, %get3A_794 : vector<16xf32>
      %mul3A_805 = arith.mulf %get3A_785, %get3A_797 : vector<16xf32>
      %add3A_806 = arith.addf %mul3A_804, %mul3A_805 : vector<16xf32>
      %mul3A_807 = arith.mulf %get3A_788, %get3A_800 : vector<16xf32>
      %add3A_808 = arith.addf %add3A_806, %mul3A_807 : vector<16xf32>
      %mul3A_809 = arith.mulf %get3A_791, %get3A_803 : vector<16xf32>
      %add3A_810 = arith.addf %add3A_808, %mul3A_809 : vector<16xf32>
      %reduce_sum3A_811 = arith.constant true
      %reduce_sum3A_812 = vector.broadcast %reduce_sum3A_811 : i1 to vector<16xi1>
      %reduce_sum3A_813 = tpu.scan <sum>, %add3A_810 masked %reduce_sum3A_812 : vector<16xf32>, vector<16xi1> -> vector<16xf32>
      %reduce_sum3A_814 = vector.extract %reduce_sum3A_813[15] : f32 from vector<16xf32>
      %slice3A_815 = vector.extract_strided_slice %get3A_102 {offsets = [13], sizes = [1], strides = [1]} : vector<16xf32> to vector<1xf32>
      %squeeze3A_816 = vector.extract %slice3A_815[0] : f32 from vector<1xf32>
      %sub3A_817 = arith.subf %reduce_sum3A_814, %squeeze3A_816 : f32
      %mul3A_818 = arith.mulf %sub3A_817, %sub3A_817 : f32
      %add3A_819 = arith.addf %add3A_767, %mul3A_818 : f32
      %mul3A_820 = arith.mulf %get3A_794, %get3A_794 : vector<16xf32>
      %add3A_821 = arith.addf %add3A_775, %mul3A_820 : vector<16xf32>
      %mul3A_822 = arith.mulf %get3A_797, %get3A_797 : vector<16xf32>
      %add3A_823 = arith.addf %add3A_821, %mul3A_822 : vector<16xf32>
      %mul3A_824 = arith.mulf %get3A_800, %get3A_800 : vector<16xf32>
      %add3A_825 = arith.addf %add3A_823, %mul3A_824 : vector<16xf32>
      %mul3A_826 = arith.mulf %get3A_803, %get3A_803 : vector<16xf32>
      %add3A_827 = arith.addf %add3A_825, %mul3A_826 : vector<16xf32>
      %mul3A_828 = arith.constant 16 : i32
      %mul3A_829 = arith.muli %scan3A_97, %mul3A_828 : i32
      %add3A_830 = arith.constant 14 : i32
      %add3A_831 = arith.addi %mul3A_829, %add3A_830 : i32
      %get3A_832 = arith.index_cast %add3A_831 : i32 to index
      %get3A_833 = arith.constant 0 : index
      %get3A_834 = tpu.vector_load %arg9[%get3A_832, %get3A_833] {strides = array<i32>} : memref<512x64xf32, #tpu.memory_space<vmem>>, vector<16xf32>,
      %get3A_835 = arith.index_cast %add3A_831 : i32 to index
      %get3A_836 = arith.constant 16 : index
      %get3A_837 = tpu.vector_load %arg9[%get3A_835, %get3A_836] {strides = array<i32>} : memref<512x64xf32, #tpu.memory_space<vmem>>, vector<16xf32>,
      %get3A_838 = arith.index_cast %add3A_831 : i32 to index
      %get3A_839 = arith.constant 32 : index
      %get3A_840 = tpu.vector_load %arg9[%get3A_838, %get3A_839] {strides = array<i32>} : memref<512x64xf32, #tpu.memory_space<vmem>>, vector<16xf32>,
      %get3A_841 = arith.index_cast %add3A_831 : i32 to index
      %get3A_842 = arith.constant 48 : index
      %get3A_843 = tpu.vector_load %arg9[%get3A_841, %get3A_842] {strides = array<i32>} : memref<512x64xf32, #tpu.memory_space<vmem>>, vector<16xf32>,
      %get3A_844 = arith.index_cast %add3A_831 : i32 to index
      %get3A_845 = arith.constant 0 : index
      %get3A_846 = tpu.vector_load %arg8[%get3A_844, %get3A_845] {strides = array<i32>} : memref<512x64xf32, #tpu.memory_space<vmem>>, vector<16xf32>,
      %get3A_847 = arith.index_cast %add3A_831 : i32 to index
      %get3A_848 = arith.constant 16 : index
      %get3A_849 = tpu.vector_load %arg8[%get3A_847, %get3A_848] {strides = array<i32>} : memref<512x64xf32, #tpu.memory_space<vmem>>, vector<16xf32>,
      %get3A_850 = arith.index_cast %add3A_831 : i32 to index
      %get3A_851 = arith.constant 32 : index
      %get3A_852 = tpu.vector_load %arg8[%get3A_850, %get3A_851] {strides = array<i32>} : memref<512x64xf32, #tpu.memory_space<vmem>>, vector<16xf32>,
      %get3A_853 = arith.index_cast %add3A_831 : i32 to index
      %get3A_854 = arith.constant 48 : index
      %get3A_855 = tpu.vector_load %arg8[%get3A_853, %get3A_854] {strides = array<i32>} : memref<512x64xf32, #tpu.memory_space<vmem>>, vector<16xf32>,
      %mul3A_856 = arith.mulf %get3A_834, %get3A_846 : vector<16xf32>
      %mul3A_857 = arith.mulf %get3A_837, %get3A_849 : vector<16xf32>
      %add3A_858 = arith.addf %mul3A_856, %mul3A_857 : vector<16xf32>
      %mul3A_859 = arith.mulf %get3A_840, %get3A_852 : vector<16xf32>
      %add3A_860 = arith.addf %add3A_858, %mul3A_859 : vector<16xf32>
      %mul3A_861 = arith.mulf %get3A_843, %get3A_855 : vector<16xf32>
      %add3A_862 = arith.addf %add3A_860, %mul3A_861 : vector<16xf32>
      %reduce_sum3A_863 = arith.constant true
      %reduce_sum3A_864 = vector.broadcast %reduce_sum3A_863 : i1 to vector<16xi1>
      %reduce_sum3A_865 = tpu.scan <sum>, %add3A_862 masked %reduce_sum3A_864 : vector<16xf32>, vector<16xi1> -> vector<16xf32>
      %reduce_sum3A_866 = vector.extract %reduce_sum3A_865[15] : f32 from vector<16xf32>
      %slice3A_867 = vector.extract_strided_slice %get3A_102 {offsets = [14], sizes = [1], strides = [1]} : vector<16xf32> to vector<1xf32>
      %squeeze3A_868 = vector.extract %slice3A_867[0] : f32 from vector<1xf32>
      %sub3A_869 = arith.subf %reduce_sum3A_866, %squeeze3A_868 : f32
      %mul3A_870 = arith.mulf %sub3A_869, %sub3A_869 : f32
      %add3A_871 = arith.addf %add3A_819, %mul3A_870 : f32
      %mul3A_872 = arith.mulf %get3A_846, %get3A_846 : vector<16xf32>
      %add3A_873 = arith.addf %add3A_827, %mul3A_872 : vector<16xf32>
      %mul3A_874 = arith.mulf %get3A_849, %get3A_849 : vector<16xf32>
      %add3A_875 = arith.addf %add3A_873, %mul3A_874 : vector<16xf32>
      %mul3A_876 = arith.mulf %get3A_852, %get3A_852 : vector<16xf32>
      %add3A_877 = arith.addf %add3A_875, %mul3A_876 : vector<16xf32>
      %mul3A_878 = arith.mulf %get3A_855, %get3A_855 : vector<16xf32>
      %add3A_879 = arith.addf %add3A_877, %mul3A_878 : vector<16xf32>
      %mul3A_880 = arith.constant 16 : i32
      %mul3A_881 = arith.muli %scan3A_97, %mul3A_880 : i32
      %add3A_882 = arith.constant 15 : i32
      %add3A_883 = arith.addi %mul3A_881, %add3A_882 : i32
      %get3A_884 = arith.index_cast %add3A_883 : i32 to index
      %get3A_885 = arith.constant 0 : index
      %get3A_886 = tpu.vector_load %arg9[%get3A_884, %get3A_885] {strides = array<i32>} : memref<512x64xf32, #tpu.memory_space<vmem>>, vector<16xf32>,
      %get3A_887 = arith.index_cast %add3A_883 : i32 to index
      %get3A_888 = arith.constant 16 : index
      %get3A_889 = tpu.vector_load %arg9[%get3A_887, %get3A_888] {strides = array<i32>} : memref<512x64xf32, #tpu.memory_space<vmem>>, vector<16xf32>,
      %get3A_890 = arith.index_cast %add3A_883 : i32 to index
      %get3A_891 = arith.constant 32 : index
      %get3A_892 = tpu.vector_load %arg9[%get3A_890, %get3A_891] {strides = array<i32>} : memref<512x64xf32, #tpu.memory_space<vmem>>, vector<16xf32>,
      %get3A_893 = arith.index_cast %add3A_883 : i32 to index
      %get3A_894 = arith.constant 48 : index
      %get3A_895 = tpu.vector_load %arg9[%get3A_893, %get3A_894] {strides = array<i32>} : memref<512x64xf32, #tpu.memory_space<vmem>>, vector<16xf32>,
      %get3A_896 = arith.index_cast %add3A_883 : i32 to index
      %get3A_897 = arith.constant 0 : index
      %get3A_898 = tpu.vector_load %arg8[%get3A_896, %get3A_897] {strides = array<i32>} : memref<512x64xf32, #tpu.memory_space<vmem>>, vector<16xf32>,
      %get3A_899 = arith.index_cast %add3A_883 : i32 to index
      %get3A_900 = arith.constant 16 : index
      %get3A_901 = tpu.vector_load %arg8[%get3A_899, %get3A_900] {strides = array<i32>} : memref<512x64xf32, #tpu.memory_space<vmem>>, vector<16xf32>,
      %get3A_902 = arith.index_cast %add3A_883 : i32 to index
      %get3A_903 = arith.constant 32 : index
      %get3A_904 = tpu.vector_load %arg8[%get3A_902, %get3A_903] {strides = array<i32>} : memref<512x64xf32, #tpu.memory_space<vmem>>, vector<16xf32>,
      %get3A_905 = arith.index_cast %add3A_883 : i32 to index
      %get3A_906 = arith.constant 48 : index
      %get3A_907 = tpu.vector_load %arg8[%get3A_905, %get3A_906] {strides = array<i32>} : memref<512x64xf32, #tpu.memory_space<vmem>>, vector<16xf32>,
      %mul3A_908 = arith.mulf %get3A_886, %get3A_898 : vector<16xf32>
      %mul3A_909 = arith.mulf %get3A_889, %get3A_901 : vector<16xf32>
      %add3A_910 = arith.addf %mul3A_908, %mul3A_909 : vector<16xf32>
      %mul3A_911 = arith.mulf %get3A_892, %get3A_904 : vector<16xf32>
      %add3A_912 = arith.addf %add3A_910, %mul3A_911 : vector<16xf32>
      %mul3A_913 = arith.mulf %get3A_895, %get3A_907 : vector<16xf32>
      %add3A_914 = arith.addf %add3A_912, %mul3A_913 : vector<16xf32>
      %reduce_sum3A_915 = arith.constant true
      %reduce_sum3A_916 = vector.broadcast %reduce_sum3A_915 : i1 to vector<16xi1>
      %reduce_sum3A_917 = tpu.scan <sum>, %add3A_914 masked %reduce_sum3A_916 : vector<16xf32>, vector<16xi1> -> vector<16xf32>
      %reduce_sum3A_918 = vector.extract %reduce_sum3A_917[15] : f32 from vector<16xf32>
      %slice3A_919 = vector.extract_strided_slice %get3A_102 {offsets = [15], sizes = [1], strides = [1]} : vector<16xf32> to vector<1xf32>
      %squeeze3A_920 = vector.extract %slice3A_919[0] : f32 from vector<1xf32>
      %sub3A_921 = arith.subf %reduce_sum3A_918, %squeeze3A_920 : f32
      %mul3A_922 = arith.mulf %sub3A_921, %sub3A_921 : f32
      %add3A_923 = arith.addf %add3A_871, %mul3A_922 : f32
      %mul3A_924 = arith.mulf %get3A_898, %get3A_898 : vector<16xf32>
      %add3A_925 = arith.addf %add3A_879, %mul3A_924 : vector<16xf32>
      %mul3A_926 = arith.mulf %get3A_901, %get3A_901 : vector<16xf32>
      %add3A_927 = arith.addf %add3A_925, %mul3A_926 : vector<16xf32>
      %mul3A_928 = arith.mulf %get3A_904, %get3A_904 : vector<16xf32>
      %add3A_929 = arith.addf %add3A_927, %mul3A_928 : vector<16xf32>
      %mul3A_930 = arith.mulf %get3A_907, %get3A_907 : vector<16xf32>
      %add3A_931 = arith.addf %add3A_929, %mul3A_930 : vector<16xf32>
      scf.yield %add3A_923, %add3A_931 : f32, vector<16xf32>
    }
    %scan3A_79 = arith.constant 32 : i32
    %mul3A_80 = arith.constant 6.10351563E-5 : f32
    %mul3A_81 = arith.mulf %scan3A_78#0, %mul3A_80 : f32
    %reduce_sum3A = arith.constant true
    %reduce_sum3A_82 = vector.broadcast %reduce_sum3A : i1 to vector<16xi1>
    %reduce_sum3A_83 = tpu.scan <sum>, %scan3A_78#1 masked %reduce_sum3A_82 : vector<16xf32>, vector<16xi1> -> vector<16xf32>
    %reduce_sum3A_84 = vector.extract %reduce_sum3A_83[15] : f32 from vector<16xf32>
    %mul3A_85 = arith.constant 9.53674361E-10 : f32
    %mul3A_86 = arith.mulf %reduce_sum3A_84, %mul3A_85 : f32
    %iota3A = tpu.iota {dimensions = array<i32: 0>} : vector<16xi32>
    %eq3A = arith.constant 0 : i32
    %eq3A_87 = vector.broadcast %eq3A : i32 to vector<16xi32>
    %eq3A_88 = arith.cmpi eq, %iota3A, %eq3A_87 : vector<16xi32>
    %broadcast_in_dim3A_89 = vector.broadcast %mul3A_81 : f32 to vector<16xf32>
    %select_n3A = arith.select %eq3A_88, %broadcast_in_dim3A_89, %broadcast_in_dim3A_73 : vector<16xi1>, vector<16xf32>
    %eq3A_90 = arith.constant 1 : i32
    %eq3A_91 = vector.broadcast %eq3A_90 : i32 to vector<16xi32>
    %eq3A_92 = arith.cmpi eq, %iota3A, %eq3A_91 : vector<16xi32>
    %broadcast_in_dim3A_93 = vector.broadcast %mul3A_86 : f32 to vector<16xf32>
    %select_n3A_94 = arith.select %eq3A_92, %broadcast_in_dim3A_93, %broadcast_in_dim3A_73 : vector<16xi1>, vector<16xf32>
    %add3A_95 = arith.addf %select_n3A, %select_n3A_94 : vector<16xf32>
    %swap3A = arith.constant 0 : index
    %swap3A_96 = tpu.vector_load %arg11[%swap3A] {strides = array<i32>} : memref<16xf32, #tpu.memory_space<vmem>>, vector<16xf32>,
    tpu.vector_store %arg11[%swap3A], %add3A_95 {strides = array<i32>} : memref<16xf32, #tpu.memory_space<vmem>>, vector<16xf32>,
    "tpu.region"() ({
      %run_scoped3A = tpu.sem_alloc : memref<!tpu.dma_semaphore, #tpu.memory_space<semaphore_mem>>
      %dma_start3A_97 = arith.constant 0 : i32
      %dma_start3A_98 = tpu.memref_slice %arg6[%add3A, %dma_start3A_97] : memref<32x16xf32, #tpu.memory_space<hbm>> -> memref<1x16xf32, #tpu.memory_space<hbm>>
      %dma_start3A_99 = tpu.memref_squeeze %dma_start3A_98 : memref<1x16xf32, #tpu.memory_space<hbm>> -> memref<16xf32, #tpu.memory_space<hbm>>
      %dma_start3A_100 = arith.constant 0 : i32
      %dma_start3A_101 = tpu.memref_slice %arg6[%add3A, %dma_start3A_100] : memref<32x16xf32, #tpu.memory_space<hbm>> -> memref<1x16xf32, #tpu.memory_space<hbm>>
      %dma_start3A_102 = tpu.memref_squeeze %dma_start3A_101 : memref<1x16xf32, #tpu.memory_space<hbm>> -> memref<16xf32, #tpu.memory_space<hbm>>
      tpu.enqueue_dma source(%arg11 : memref<16xf32, #tpu.memory_space<vmem>>) target(%dma_start3A_102 : memref<16xf32, #tpu.memory_space<hbm>>) target_semaphore(%run_scoped3A : memref<!tpu.dma_semaphore, #tpu.memory_space<semaphore_mem>>)
      %dma_wait3A_103 = arith.constant 0 : i32
      %dma_wait3A_104 = tpu.memref_slice %arg6[%add3A, %dma_wait3A_103] : memref<32x16xf32, #tpu.memory_space<hbm>> -> memref<1x16xf32, #tpu.memory_space<hbm>>
      %dma_wait3A_105 = tpu.memref_squeeze %dma_wait3A_104 : memref<1x16xf32, #tpu.memory_space<hbm>> -> memref<16xf32, #tpu.memory_space<hbm>>
      %dma_wait3A_106 = arith.constant 0 : i32
      %dma_wait3A_107 = tpu.memref_slice %arg6[%add3A, %dma_wait3A_106] : memref<32x16xf32, #tpu.memory_space<hbm>> -> memref<1x16xf32, #tpu.memory_space<hbm>>
      %dma_wait3A_108 = tpu.memref_squeeze %dma_wait3A_107 : memref<1x16xf32, #tpu.memory_space<hbm>> -> memref<16xf32, #tpu.memory_space<hbm>>
      tpu.wait_dma2 semaphore(%run_scoped3A : memref<!tpu.dma_semaphore, #tpu.memory_space<semaphore_mem>>) src(%arg11 : memref<16xf32, #tpu.memory_space<vmem>>) dst(%dma_wait3A_108 : memref<16xf32, #tpu.memory_space<hbm>>)
      tpu.yield
    }) : () -> ()
    return
  }
}

#map = affine_map<(d0, d1) -> (0)>
#map1 = affine_map<(d0, d1) -> (0, 0)>
module attributes {stable_mosaic.version = 14 : i64} {
  func.func @_gather_body(%arg0: i32, %arg1: i32, %arg2: memref<16384xi32, #tpu.memory_space<hbm>>, %arg3: memref<100000x64xf32, #tpu.memory_space<hbm>>, %arg4: memref<16384x64xf32, #tpu.memory_space<hbm>>, %arg5: memref<32x16xf32, #tpu.memory_space<hbm>>, %arg6: memref<512xi32, #tpu.memory_space<vmem>>, %arg7: memref<512x64xf32, #tpu.memory_space<vmem>>, %arg8: memref<16xf32, #tpu.memory_space<vmem>>, %arg9: memref<!tpu.dma_semaphore, #tpu.memory_space<semaphore_mem>>) attributes {dimension_semantics = [#tpu.dimension_semantics<core_parallel>, #tpu.dimension_semantics<subcore_parallel>], iteration_bounds = array<i64: 2, 16>, scalar_prefetch = 0 : i64, scratch_operands = 4 : i64, tpu.core_type = #tpu.core_type<sc_vector_subcore>, window_params = [{transform_indices = #map}, {transform_indices = #map1}, {transform_indices = #map1}, {transform_indices = #map1}]} {
    %mul3A = arith.constant 2 : i32
    %mul3A_0 = arith.muli %arg1, %mul3A : i32
    %add3A = arith.addi %mul3A_0, %arg0 : i32
    %mul3A_1 = arith.constant 512 : i32
    %mul3A_2 = arith.muli %add3A, %mul3A_1 : i32
    "tpu.region"() ({
      %run_scoped3A = tpu.sem_alloc : memref<!tpu.dma_semaphore, #tpu.memory_space<semaphore_mem>>
      %dma_start3A_80 = tpu.memref_slice %arg2[%mul3A_2] : memref<16384xi32, #tpu.memory_space<hbm>> -> memref<512xi32, #tpu.memory_space<hbm>>
      %dma_start3A_81 = tpu.memref_slice %arg2[%mul3A_2] : memref<16384xi32, #tpu.memory_space<hbm>> -> memref<512xi32, #tpu.memory_space<hbm>>
      tpu.enqueue_dma source(%dma_start3A_81 : memref<512xi32, #tpu.memory_space<hbm>>) target(%arg6 : memref<512xi32, #tpu.memory_space<vmem>>) target_semaphore(%run_scoped3A : memref<!tpu.dma_semaphore, #tpu.memory_space<semaphore_mem>>)
      %dma_wait3A_82 = tpu.memref_slice %arg2[%mul3A_2] : memref<16384xi32, #tpu.memory_space<hbm>> -> memref<512xi32, #tpu.memory_space<hbm>>
      %dma_wait3A_83 = tpu.memref_slice %arg2[%mul3A_2] : memref<16384xi32, #tpu.memory_space<hbm>> -> memref<512xi32, #tpu.memory_space<hbm>>
      tpu.wait_dma2 semaphore(%run_scoped3A : memref<!tpu.dma_semaphore, #tpu.memory_space<semaphore_mem>>) src(%dma_wait3A_83 : memref<512xi32, #tpu.memory_space<hbm>>) dst(%arg6 : memref<512xi32, #tpu.memory_space<vmem>>)
      tpu.yield
    }) : () -> ()
    %dma_start3A = arith.constant 0 : i32
    %dma_start3A_3 = arith.constant 0 : i32
    %dma_start3A_4 = tpu.memref_slice %arg7[%dma_start3A, %dma_start3A_3] : memref<512x64xf32, #tpu.memory_space<vmem>> -> memref<128x64xf32, #tpu.memory_space<vmem>>
    %dma_start3A_5 = arith.constant 0 : i32
    %dma_start3A_6 = tpu.memref_slice %arg6[%dma_start3A_5] : memref<512xi32, #tpu.memory_space<vmem>> -> memref<128xi32, #tpu.memory_space<vmem>>
    %dma_start3A_7 = arith.constant 0 : i32
    %dma_start3A_8 = arith.constant 0 : i32
    %dma_start3A_9 = tpu.memref_slice %arg3[%dma_start3A_7, %dma_start3A_8] : memref<100000x64xf32, #tpu.memory_space<hbm>> -> memref<100000x64xf32, #tpu.memory_space<hbm>>
    tpu.enqueue_indirect_dma source(%dma_start3A_9 : memref<100000x64xf32, #tpu.memory_space<hbm>>) target(%dma_start3A_4 : memref<128x64xf32, #tpu.memory_space<vmem>>) offsets(%dma_start3A_6 : memref<128xi32, #tpu.memory_space<vmem>>) semaphore(%arg9 : memref<!tpu.dma_semaphore, #tpu.memory_space<semaphore_mem>>)
    %dma_start3A_10 = arith.constant 128 : i32
    %dma_start3A_11 = arith.constant 0 : i32
    %dma_start3A_12 = tpu.memref_slice %arg7[%dma_start3A_10, %dma_start3A_11] : memref<512x64xf32, #tpu.memory_space<vmem>> -> memref<128x64xf32, #tpu.memory_space<vmem>>
    %dma_start3A_13 = arith.constant 128 : i32
    %dma_start3A_14 = tpu.memref_slice %arg6[%dma_start3A_13] : memref<512xi32, #tpu.memory_space<vmem>> -> memref<128xi32, #tpu.memory_space<vmem>>
    %dma_start3A_15 = arith.constant 0 : i32
    %dma_start3A_16 = arith.constant 0 : i32
    %dma_start3A_17 = tpu.memref_slice %arg3[%dma_start3A_15, %dma_start3A_16] : memref<100000x64xf32, #tpu.memory_space<hbm>> -> memref<100000x64xf32, #tpu.memory_space<hbm>>
    tpu.enqueue_indirect_dma source(%dma_start3A_17 : memref<100000x64xf32, #tpu.memory_space<hbm>>) target(%dma_start3A_12 : memref<128x64xf32, #tpu.memory_space<vmem>>) offsets(%dma_start3A_14 : memref<128xi32, #tpu.memory_space<vmem>>) semaphore(%arg9 : memref<!tpu.dma_semaphore, #tpu.memory_space<semaphore_mem>>)
    %dma_start3A_18 = arith.constant 256 : i32
    %dma_start3A_19 = arith.constant 0 : i32
    %dma_start3A_20 = tpu.memref_slice %arg7[%dma_start3A_18, %dma_start3A_19] : memref<512x64xf32, #tpu.memory_space<vmem>> -> memref<128x64xf32, #tpu.memory_space<vmem>>
    %dma_start3A_21 = arith.constant 256 : i32
    %dma_start3A_22 = tpu.memref_slice %arg6[%dma_start3A_21] : memref<512xi32, #tpu.memory_space<vmem>> -> memref<128xi32, #tpu.memory_space<vmem>>
    %dma_start3A_23 = arith.constant 0 : i32
    %dma_start3A_24 = arith.constant 0 : i32
    %dma_start3A_25 = tpu.memref_slice %arg3[%dma_start3A_23, %dma_start3A_24] : memref<100000x64xf32, #tpu.memory_space<hbm>> -> memref<100000x64xf32, #tpu.memory_space<hbm>>
    tpu.enqueue_indirect_dma source(%dma_start3A_25 : memref<100000x64xf32, #tpu.memory_space<hbm>>) target(%dma_start3A_20 : memref<128x64xf32, #tpu.memory_space<vmem>>) offsets(%dma_start3A_22 : memref<128xi32, #tpu.memory_space<vmem>>) semaphore(%arg9 : memref<!tpu.dma_semaphore, #tpu.memory_space<semaphore_mem>>)
    %dma_start3A_26 = arith.constant 384 : i32
    %dma_start3A_27 = arith.constant 0 : i32
    %dma_start3A_28 = tpu.memref_slice %arg7[%dma_start3A_26, %dma_start3A_27] : memref<512x64xf32, #tpu.memory_space<vmem>> -> memref<128x64xf32, #tpu.memory_space<vmem>>
    %dma_start3A_29 = arith.constant 384 : i32
    %dma_start3A_30 = tpu.memref_slice %arg6[%dma_start3A_29] : memref<512xi32, #tpu.memory_space<vmem>> -> memref<128xi32, #tpu.memory_space<vmem>>
    %dma_start3A_31 = arith.constant 0 : i32
    %dma_start3A_32 = arith.constant 0 : i32
    %dma_start3A_33 = tpu.memref_slice %arg3[%dma_start3A_31, %dma_start3A_32] : memref<100000x64xf32, #tpu.memory_space<hbm>> -> memref<100000x64xf32, #tpu.memory_space<hbm>>
    tpu.enqueue_indirect_dma source(%dma_start3A_33 : memref<100000x64xf32, #tpu.memory_space<hbm>>) target(%dma_start3A_28 : memref<128x64xf32, #tpu.memory_space<vmem>>) offsets(%dma_start3A_30 : memref<128xi32, #tpu.memory_space<vmem>>) semaphore(%arg9 : memref<!tpu.dma_semaphore, #tpu.memory_space<semaphore_mem>>)
    %dma_wait3A = arith.constant 0 : i32
    %dma_wait3A_34 = arith.constant 0 : i32
    %dma_wait3A_35 = tpu.memref_slice %arg7[%dma_wait3A, %dma_wait3A_34] : memref<512x64xf32, #tpu.memory_space<vmem>> -> memref<128x64xf32, #tpu.memory_space<vmem>>
    %dma_wait3A_36 = arith.constant 0 : i32
    %dma_wait3A_37 = tpu.memref_slice %arg6[%dma_wait3A_36] : memref<512xi32, #tpu.memory_space<vmem>> -> memref<128xi32, #tpu.memory_space<vmem>>
    %dma_wait3A_38 = arith.constant 0 : i32
    %dma_wait3A_39 = arith.constant 0 : i32
    %dma_wait3A_40 = tpu.memref_slice %arg3[%dma_wait3A_38, %dma_wait3A_39] : memref<100000x64xf32, #tpu.memory_space<hbm>> -> memref<100000x64xf32, #tpu.memory_space<hbm>>
    tpu.wait_indirect_dma semaphore(%arg9 : memref<!tpu.dma_semaphore, #tpu.memory_space<semaphore_mem>>) src(%dma_wait3A_40 : memref<100000x64xf32, #tpu.memory_space<hbm>>) dst(%dma_wait3A_35 : memref<128x64xf32, #tpu.memory_space<vmem>>)
    %dma_wait3A_41 = arith.constant 128 : i32
    %dma_wait3A_42 = arith.constant 0 : i32
    %dma_wait3A_43 = tpu.memref_slice %arg7[%dma_wait3A_41, %dma_wait3A_42] : memref<512x64xf32, #tpu.memory_space<vmem>> -> memref<128x64xf32, #tpu.memory_space<vmem>>
    %dma_wait3A_44 = arith.constant 128 : i32
    %dma_wait3A_45 = tpu.memref_slice %arg6[%dma_wait3A_44] : memref<512xi32, #tpu.memory_space<vmem>> -> memref<128xi32, #tpu.memory_space<vmem>>
    %dma_wait3A_46 = arith.constant 0 : i32
    %dma_wait3A_47 = arith.constant 0 : i32
    %dma_wait3A_48 = tpu.memref_slice %arg3[%dma_wait3A_46, %dma_wait3A_47] : memref<100000x64xf32, #tpu.memory_space<hbm>> -> memref<100000x64xf32, #tpu.memory_space<hbm>>
    tpu.wait_indirect_dma semaphore(%arg9 : memref<!tpu.dma_semaphore, #tpu.memory_space<semaphore_mem>>) src(%dma_wait3A_48 : memref<100000x64xf32, #tpu.memory_space<hbm>>) dst(%dma_wait3A_43 : memref<128x64xf32, #tpu.memory_space<vmem>>)
    %dma_wait3A_49 = arith.constant 256 : i32
    %dma_wait3A_50 = arith.constant 0 : i32
    %dma_wait3A_51 = tpu.memref_slice %arg7[%dma_wait3A_49, %dma_wait3A_50] : memref<512x64xf32, #tpu.memory_space<vmem>> -> memref<128x64xf32, #tpu.memory_space<vmem>>
    %dma_wait3A_52 = arith.constant 256 : i32
    %dma_wait3A_53 = tpu.memref_slice %arg6[%dma_wait3A_52] : memref<512xi32, #tpu.memory_space<vmem>> -> memref<128xi32, #tpu.memory_space<vmem>>
    %dma_wait3A_54 = arith.constant 0 : i32
    %dma_wait3A_55 = arith.constant 0 : i32
    %dma_wait3A_56 = tpu.memref_slice %arg3[%dma_wait3A_54, %dma_wait3A_55] : memref<100000x64xf32, #tpu.memory_space<hbm>> -> memref<100000x64xf32, #tpu.memory_space<hbm>>
    tpu.wait_indirect_dma semaphore(%arg9 : memref<!tpu.dma_semaphore, #tpu.memory_space<semaphore_mem>>) src(%dma_wait3A_56 : memref<100000x64xf32, #tpu.memory_space<hbm>>) dst(%dma_wait3A_51 : memref<128x64xf32, #tpu.memory_space<vmem>>)
    %dma_wait3A_57 = arith.constant 384 : i32
    %dma_wait3A_58 = arith.constant 0 : i32
    %dma_wait3A_59 = tpu.memref_slice %arg7[%dma_wait3A_57, %dma_wait3A_58] : memref<512x64xf32, #tpu.memory_space<vmem>> -> memref<128x64xf32, #tpu.memory_space<vmem>>
    %dma_wait3A_60 = arith.constant 384 : i32
    %dma_wait3A_61 = tpu.memref_slice %arg6[%dma_wait3A_60] : memref<512xi32, #tpu.memory_space<vmem>> -> memref<128xi32, #tpu.memory_space<vmem>>
    %dma_wait3A_62 = arith.constant 0 : i32
    %dma_wait3A_63 = arith.constant 0 : i32
    %dma_wait3A_64 = tpu.memref_slice %arg3[%dma_wait3A_62, %dma_wait3A_63] : memref<100000x64xf32, #tpu.memory_space<hbm>> -> memref<100000x64xf32, #tpu.memory_space<hbm>>
    tpu.wait_indirect_dma semaphore(%arg9 : memref<!tpu.dma_semaphore, #tpu.memory_space<semaphore_mem>>) src(%dma_wait3A_64 : memref<100000x64xf32, #tpu.memory_space<hbm>>) dst(%dma_wait3A_59 : memref<128x64xf32, #tpu.memory_space<vmem>>)
    %broadcast_in_dim3A = arith.constant 0.000000e+00 : f32
    %broadcast_in_dim3A_65 = vector.broadcast %broadcast_in_dim3A : f32 to vector<16xf32>
    %scan3A = arith.constant 0 : i32
    %scan3A_66 = arith.constant 32 : i32
    %scan3A_67 = arith.addi %scan3A, %scan3A_66 : i32
    %scan3A_68 = arith.constant 1 : i32
    %scan3A_69 = scf.for %scan3A_80 = %scan3A to %scan3A_67 step %scan3A_68 iter_args(%scan3A_81 = %broadcast_in_dim3A_65) -> (vector<16xf32>)  : i32 {
      %mul3A_82 = arith.constant 16 : i32
      %mul3A_83 = arith.muli %scan3A_80, %mul3A_82 : i32
      %add3A_84 = arith.constant 0 : i32
      %add3A_85 = arith.addi %mul3A_83, %add3A_84 : i32
      %get3A = arith.index_cast %add3A_85 : i32 to index
      %get3A_86 = arith.constant 0 : index
      %get3A_87 = tpu.vector_load %arg7[%get3A, %get3A_86] {strides = array<i32>} : memref<512x64xf32, #tpu.memory_space<vmem>>, vector<16xf32>,
      %mul3A_88 = arith.mulf %get3A_87, %get3A_87 : vector<16xf32>
      %add3A_89 = arith.addf %scan3A_81, %mul3A_88 : vector<16xf32>
      %get3A_90 = arith.index_cast %add3A_85 : i32 to index
      %get3A_91 = arith.constant 16 : index
      %get3A_92 = tpu.vector_load %arg7[%get3A_90, %get3A_91] {strides = array<i32>} : memref<512x64xf32, #tpu.memory_space<vmem>>, vector<16xf32>,
      %mul3A_93 = arith.mulf %get3A_92, %get3A_92 : vector<16xf32>
      %add3A_94 = arith.addf %add3A_89, %mul3A_93 : vector<16xf32>
      %get3A_95 = arith.index_cast %add3A_85 : i32 to index
      %get3A_96 = arith.constant 32 : index
      %get3A_97 = tpu.vector_load %arg7[%get3A_95, %get3A_96] {strides = array<i32>} : memref<512x64xf32, #tpu.memory_space<vmem>>, vector<16xf32>,
      %mul3A_98 = arith.mulf %get3A_97, %get3A_97 : vector<16xf32>
      %add3A_99 = arith.addf %add3A_94, %mul3A_98 : vector<16xf32>
      %get3A_100 = arith.index_cast %add3A_85 : i32 to index
      %get3A_101 = arith.constant 48 : index
      %get3A_102 = tpu.vector_load %arg7[%get3A_100, %get3A_101] {strides = array<i32>} : memref<512x64xf32, #tpu.memory_space<vmem>>, vector<16xf32>,
      %mul3A_103 = arith.mulf %get3A_102, %get3A_102 : vector<16xf32>
      %add3A_104 = arith.addf %add3A_99, %mul3A_103 : vector<16xf32>
      %mul3A_105 = arith.constant 16 : i32
      %mul3A_106 = arith.muli %scan3A_80, %mul3A_105 : i32
      %add3A_107 = arith.constant 1 : i32
      %add3A_108 = arith.addi %mul3A_106, %add3A_107 : i32
      %get3A_109 = arith.index_cast %add3A_108 : i32 to index
      %get3A_110 = arith.constant 0 : index
      %get3A_111 = tpu.vector_load %arg7[%get3A_109, %get3A_110] {strides = array<i32>} : memref<512x64xf32, #tpu.memory_space<vmem>>, vector<16xf32>,
      %mul3A_112 = arith.mulf %get3A_111, %get3A_111 : vector<16xf32>
      %add3A_113 = arith.addf %add3A_104, %mul3A_112 : vector<16xf32>
      %get3A_114 = arith.index_cast %add3A_108 : i32 to index
      %get3A_115 = arith.constant 16 : index
      %get3A_116 = tpu.vector_load %arg7[%get3A_114, %get3A_115] {strides = array<i32>} : memref<512x64xf32, #tpu.memory_space<vmem>>, vector<16xf32>,
      %mul3A_117 = arith.mulf %get3A_116, %get3A_116 : vector<16xf32>
      %add3A_118 = arith.addf %add3A_113, %mul3A_117 : vector<16xf32>
      %get3A_119 = arith.index_cast %add3A_108 : i32 to index
      %get3A_120 = arith.constant 32 : index
      %get3A_121 = tpu.vector_load %arg7[%get3A_119, %get3A_120] {strides = array<i32>} : memref<512x64xf32, #tpu.memory_space<vmem>>, vector<16xf32>,
      %mul3A_122 = arith.mulf %get3A_121, %get3A_121 : vector<16xf32>
      %add3A_123 = arith.addf %add3A_118, %mul3A_122 : vector<16xf32>
      %get3A_124 = arith.index_cast %add3A_108 : i32 to index
      %get3A_125 = arith.constant 48 : index
      %get3A_126 = tpu.vector_load %arg7[%get3A_124, %get3A_125] {strides = array<i32>} : memref<512x64xf32, #tpu.memory_space<vmem>>, vector<16xf32>,
      %mul3A_127 = arith.mulf %get3A_126, %get3A_126 : vector<16xf32>
      %add3A_128 = arith.addf %add3A_123, %mul3A_127 : vector<16xf32>
      %mul3A_129 = arith.constant 16 : i32
      %mul3A_130 = arith.muli %scan3A_80, %mul3A_129 : i32
      %add3A_131 = arith.constant 2 : i32
      %add3A_132 = arith.addi %mul3A_130, %add3A_131 : i32
      %get3A_133 = arith.index_cast %add3A_132 : i32 to index
      %get3A_134 = arith.constant 0 : index
      %get3A_135 = tpu.vector_load %arg7[%get3A_133, %get3A_134] {strides = array<i32>} : memref<512x64xf32, #tpu.memory_space<vmem>>, vector<16xf32>,
      %mul3A_136 = arith.mulf %get3A_135, %get3A_135 : vector<16xf32>
      %add3A_137 = arith.addf %add3A_128, %mul3A_136 : vector<16xf32>
      %get3A_138 = arith.index_cast %add3A_132 : i32 to index
      %get3A_139 = arith.constant 16 : index
      %get3A_140 = tpu.vector_load %arg7[%get3A_138, %get3A_139] {strides = array<i32>} : memref<512x64xf32, #tpu.memory_space<vmem>>, vector<16xf32>,
      %mul3A_141 = arith.mulf %get3A_140, %get3A_140 : vector<16xf32>
      %add3A_142 = arith.addf %add3A_137, %mul3A_141 : vector<16xf32>
      %get3A_143 = arith.index_cast %add3A_132 : i32 to index
      %get3A_144 = arith.constant 32 : index
      %get3A_145 = tpu.vector_load %arg7[%get3A_143, %get3A_144] {strides = array<i32>} : memref<512x64xf32, #tpu.memory_space<vmem>>, vector<16xf32>,
      %mul3A_146 = arith.mulf %get3A_145, %get3A_145 : vector<16xf32>
      %add3A_147 = arith.addf %add3A_142, %mul3A_146 : vector<16xf32>
      %get3A_148 = arith.index_cast %add3A_132 : i32 to index
      %get3A_149 = arith.constant 48 : index
      %get3A_150 = tpu.vector_load %arg7[%get3A_148, %get3A_149] {strides = array<i32>} : memref<512x64xf32, #tpu.memory_space<vmem>>, vector<16xf32>,
      %mul3A_151 = arith.mulf %get3A_150, %get3A_150 : vector<16xf32>
      %add3A_152 = arith.addf %add3A_147, %mul3A_151 : vector<16xf32>
      %mul3A_153 = arith.constant 16 : i32
      %mul3A_154 = arith.muli %scan3A_80, %mul3A_153 : i32
      %add3A_155 = arith.constant 3 : i32
      %add3A_156 = arith.addi %mul3A_154, %add3A_155 : i32
      %get3A_157 = arith.index_cast %add3A_156 : i32 to index
      %get3A_158 = arith.constant 0 : index
      %get3A_159 = tpu.vector_load %arg7[%get3A_157, %get3A_158] {strides = array<i32>} : memref<512x64xf32, #tpu.memory_space<vmem>>, vector<16xf32>,
      %mul3A_160 = arith.mulf %get3A_159, %get3A_159 : vector<16xf32>
      %add3A_161 = arith.addf %add3A_152, %mul3A_160 : vector<16xf32>
      %get3A_162 = arith.index_cast %add3A_156 : i32 to index
      %get3A_163 = arith.constant 16 : index
      %get3A_164 = tpu.vector_load %arg7[%get3A_162, %get3A_163] {strides = array<i32>} : memref<512x64xf32, #tpu.memory_space<vmem>>, vector<16xf32>,
      %mul3A_165 = arith.mulf %get3A_164, %get3A_164 : vector<16xf32>
      %add3A_166 = arith.addf %add3A_161, %mul3A_165 : vector<16xf32>
      %get3A_167 = arith.index_cast %add3A_156 : i32 to index
      %get3A_168 = arith.constant 32 : index
      %get3A_169 = tpu.vector_load %arg7[%get3A_167, %get3A_168] {strides = array<i32>} : memref<512x64xf32, #tpu.memory_space<vmem>>, vector<16xf32>,
      %mul3A_170 = arith.mulf %get3A_169, %get3A_169 : vector<16xf32>
      %add3A_171 = arith.addf %add3A_166, %mul3A_170 : vector<16xf32>
      %get3A_172 = arith.index_cast %add3A_156 : i32 to index
      %get3A_173 = arith.constant 48 : index
      %get3A_174 = tpu.vector_load %arg7[%get3A_172, %get3A_173] {strides = array<i32>} : memref<512x64xf32, #tpu.memory_space<vmem>>, vector<16xf32>,
      %mul3A_175 = arith.mulf %get3A_174, %get3A_174 : vector<16xf32>
      %add3A_176 = arith.addf %add3A_171, %mul3A_175 : vector<16xf32>
      %mul3A_177 = arith.constant 16 : i32
      %mul3A_178 = arith.muli %scan3A_80, %mul3A_177 : i32
      %add3A_179 = arith.constant 4 : i32
      %add3A_180 = arith.addi %mul3A_178, %add3A_179 : i32
      %get3A_181 = arith.index_cast %add3A_180 : i32 to index
      %get3A_182 = arith.constant 0 : index
      %get3A_183 = tpu.vector_load %arg7[%get3A_181, %get3A_182] {strides = array<i32>} : memref<512x64xf32, #tpu.memory_space<vmem>>, vector<16xf32>,
      %mul3A_184 = arith.mulf %get3A_183, %get3A_183 : vector<16xf32>
      %add3A_185 = arith.addf %add3A_176, %mul3A_184 : vector<16xf32>
      %get3A_186 = arith.index_cast %add3A_180 : i32 to index
      %get3A_187 = arith.constant 16 : index
      %get3A_188 = tpu.vector_load %arg7[%get3A_186, %get3A_187] {strides = array<i32>} : memref<512x64xf32, #tpu.memory_space<vmem>>, vector<16xf32>,
      %mul3A_189 = arith.mulf %get3A_188, %get3A_188 : vector<16xf32>
      %add3A_190 = arith.addf %add3A_185, %mul3A_189 : vector<16xf32>
      %get3A_191 = arith.index_cast %add3A_180 : i32 to index
      %get3A_192 = arith.constant 32 : index
      %get3A_193 = tpu.vector_load %arg7[%get3A_191, %get3A_192] {strides = array<i32>} : memref<512x64xf32, #tpu.memory_space<vmem>>, vector<16xf32>,
      %mul3A_194 = arith.mulf %get3A_193, %get3A_193 : vector<16xf32>
      %add3A_195 = arith.addf %add3A_190, %mul3A_194 : vector<16xf32>
      %get3A_196 = arith.index_cast %add3A_180 : i32 to index
      %get3A_197 = arith.constant 48 : index
      %get3A_198 = tpu.vector_load %arg7[%get3A_196, %get3A_197] {strides = array<i32>} : memref<512x64xf32, #tpu.memory_space<vmem>>, vector<16xf32>,
      %mul3A_199 = arith.mulf %get3A_198, %get3A_198 : vector<16xf32>
      %add3A_200 = arith.addf %add3A_195, %mul3A_199 : vector<16xf32>
      %mul3A_201 = arith.constant 16 : i32
      %mul3A_202 = arith.muli %scan3A_80, %mul3A_201 : i32
      %add3A_203 = arith.constant 5 : i32
      %add3A_204 = arith.addi %mul3A_202, %add3A_203 : i32
      %get3A_205 = arith.index_cast %add3A_204 : i32 to index
      %get3A_206 = arith.constant 0 : index
      %get3A_207 = tpu.vector_load %arg7[%get3A_205, %get3A_206] {strides = array<i32>} : memref<512x64xf32, #tpu.memory_space<vmem>>, vector<16xf32>,
      %mul3A_208 = arith.mulf %get3A_207, %get3A_207 : vector<16xf32>
      %add3A_209 = arith.addf %add3A_200, %mul3A_208 : vector<16xf32>
      %get3A_210 = arith.index_cast %add3A_204 : i32 to index
      %get3A_211 = arith.constant 16 : index
      %get3A_212 = tpu.vector_load %arg7[%get3A_210, %get3A_211] {strides = array<i32>} : memref<512x64xf32, #tpu.memory_space<vmem>>, vector<16xf32>,
      %mul3A_213 = arith.mulf %get3A_212, %get3A_212 : vector<16xf32>
      %add3A_214 = arith.addf %add3A_209, %mul3A_213 : vector<16xf32>
      %get3A_215 = arith.index_cast %add3A_204 : i32 to index
      %get3A_216 = arith.constant 32 : index
      %get3A_217 = tpu.vector_load %arg7[%get3A_215, %get3A_216] {strides = array<i32>} : memref<512x64xf32, #tpu.memory_space<vmem>>, vector<16xf32>,
      %mul3A_218 = arith.mulf %get3A_217, %get3A_217 : vector<16xf32>
      %add3A_219 = arith.addf %add3A_214, %mul3A_218 : vector<16xf32>
      %get3A_220 = arith.index_cast %add3A_204 : i32 to index
      %get3A_221 = arith.constant 48 : index
      %get3A_222 = tpu.vector_load %arg7[%get3A_220, %get3A_221] {strides = array<i32>} : memref<512x64xf32, #tpu.memory_space<vmem>>, vector<16xf32>,
      %mul3A_223 = arith.mulf %get3A_222, %get3A_222 : vector<16xf32>
      %add3A_224 = arith.addf %add3A_219, %mul3A_223 : vector<16xf32>
      %mul3A_225 = arith.constant 16 : i32
      %mul3A_226 = arith.muli %scan3A_80, %mul3A_225 : i32
      %add3A_227 = arith.constant 6 : i32
      %add3A_228 = arith.addi %mul3A_226, %add3A_227 : i32
      %get3A_229 = arith.index_cast %add3A_228 : i32 to index
      %get3A_230 = arith.constant 0 : index
      %get3A_231 = tpu.vector_load %arg7[%get3A_229, %get3A_230] {strides = array<i32>} : memref<512x64xf32, #tpu.memory_space<vmem>>, vector<16xf32>,
      %mul3A_232 = arith.mulf %get3A_231, %get3A_231 : vector<16xf32>
      %add3A_233 = arith.addf %add3A_224, %mul3A_232 : vector<16xf32>
      %get3A_234 = arith.index_cast %add3A_228 : i32 to index
      %get3A_235 = arith.constant 16 : index
      %get3A_236 = tpu.vector_load %arg7[%get3A_234, %get3A_235] {strides = array<i32>} : memref<512x64xf32, #tpu.memory_space<vmem>>, vector<16xf32>,
      %mul3A_237 = arith.mulf %get3A_236, %get3A_236 : vector<16xf32>
      %add3A_238 = arith.addf %add3A_233, %mul3A_237 : vector<16xf32>
      %get3A_239 = arith.index_cast %add3A_228 : i32 to index
      %get3A_240 = arith.constant 32 : index
      %get3A_241 = tpu.vector_load %arg7[%get3A_239, %get3A_240] {strides = array<i32>} : memref<512x64xf32, #tpu.memory_space<vmem>>, vector<16xf32>,
      %mul3A_242 = arith.mulf %get3A_241, %get3A_241 : vector<16xf32>
      %add3A_243 = arith.addf %add3A_238, %mul3A_242 : vector<16xf32>
      %get3A_244 = arith.index_cast %add3A_228 : i32 to index
      %get3A_245 = arith.constant 48 : index
      %get3A_246 = tpu.vector_load %arg7[%get3A_244, %get3A_245] {strides = array<i32>} : memref<512x64xf32, #tpu.memory_space<vmem>>, vector<16xf32>,
      %mul3A_247 = arith.mulf %get3A_246, %get3A_246 : vector<16xf32>
      %add3A_248 = arith.addf %add3A_243, %mul3A_247 : vector<16xf32>
      %mul3A_249 = arith.constant 16 : i32
      %mul3A_250 = arith.muli %scan3A_80, %mul3A_249 : i32
      %add3A_251 = arith.constant 7 : i32
      %add3A_252 = arith.addi %mul3A_250, %add3A_251 : i32
      %get3A_253 = arith.index_cast %add3A_252 : i32 to index
      %get3A_254 = arith.constant 0 : index
      %get3A_255 = tpu.vector_load %arg7[%get3A_253, %get3A_254] {strides = array<i32>} : memref<512x64xf32, #tpu.memory_space<vmem>>, vector<16xf32>,
      %mul3A_256 = arith.mulf %get3A_255, %get3A_255 : vector<16xf32>
      %add3A_257 = arith.addf %add3A_248, %mul3A_256 : vector<16xf32>
      %get3A_258 = arith.index_cast %add3A_252 : i32 to index
      %get3A_259 = arith.constant 16 : index
      %get3A_260 = tpu.vector_load %arg7[%get3A_258, %get3A_259] {strides = array<i32>} : memref<512x64xf32, #tpu.memory_space<vmem>>, vector<16xf32>,
      %mul3A_261 = arith.mulf %get3A_260, %get3A_260 : vector<16xf32>
      %add3A_262 = arith.addf %add3A_257, %mul3A_261 : vector<16xf32>
      %get3A_263 = arith.index_cast %add3A_252 : i32 to index
      %get3A_264 = arith.constant 32 : index
      %get3A_265 = tpu.vector_load %arg7[%get3A_263, %get3A_264] {strides = array<i32>} : memref<512x64xf32, #tpu.memory_space<vmem>>, vector<16xf32>,
      %mul3A_266 = arith.mulf %get3A_265, %get3A_265 : vector<16xf32>
      %add3A_267 = arith.addf %add3A_262, %mul3A_266 : vector<16xf32>
      %get3A_268 = arith.index_cast %add3A_252 : i32 to index
      %get3A_269 = arith.constant 48 : index
      %get3A_270 = tpu.vector_load %arg7[%get3A_268, %get3A_269] {strides = array<i32>} : memref<512x64xf32, #tpu.memory_space<vmem>>, vector<16xf32>,
      %mul3A_271 = arith.mulf %get3A_270, %get3A_270 : vector<16xf32>
      %add3A_272 = arith.addf %add3A_267, %mul3A_271 : vector<16xf32>
      %mul3A_273 = arith.constant 16 : i32
      %mul3A_274 = arith.muli %scan3A_80, %mul3A_273 : i32
      %add3A_275 = arith.constant 8 : i32
      %add3A_276 = arith.addi %mul3A_274, %add3A_275 : i32
      %get3A_277 = arith.index_cast %add3A_276 : i32 to index
      %get3A_278 = arith.constant 0 : index
      %get3A_279 = tpu.vector_load %arg7[%get3A_277, %get3A_278] {strides = array<i32>} : memref<512x64xf32, #tpu.memory_space<vmem>>, vector<16xf32>,
      %mul3A_280 = arith.mulf %get3A_279, %get3A_279 : vector<16xf32>
      %add3A_281 = arith.addf %add3A_272, %mul3A_280 : vector<16xf32>
      %get3A_282 = arith.index_cast %add3A_276 : i32 to index
      %get3A_283 = arith.constant 16 : index
      %get3A_284 = tpu.vector_load %arg7[%get3A_282, %get3A_283] {strides = array<i32>} : memref<512x64xf32, #tpu.memory_space<vmem>>, vector<16xf32>,
      %mul3A_285 = arith.mulf %get3A_284, %get3A_284 : vector<16xf32>
      %add3A_286 = arith.addf %add3A_281, %mul3A_285 : vector<16xf32>
      %get3A_287 = arith.index_cast %add3A_276 : i32 to index
      %get3A_288 = arith.constant 32 : index
      %get3A_289 = tpu.vector_load %arg7[%get3A_287, %get3A_288] {strides = array<i32>} : memref<512x64xf32, #tpu.memory_space<vmem>>, vector<16xf32>,
      %mul3A_290 = arith.mulf %get3A_289, %get3A_289 : vector<16xf32>
      %add3A_291 = arith.addf %add3A_286, %mul3A_290 : vector<16xf32>
      %get3A_292 = arith.index_cast %add3A_276 : i32 to index
      %get3A_293 = arith.constant 48 : index
      %get3A_294 = tpu.vector_load %arg7[%get3A_292, %get3A_293] {strides = array<i32>} : memref<512x64xf32, #tpu.memory_space<vmem>>, vector<16xf32>,
      %mul3A_295 = arith.mulf %get3A_294, %get3A_294 : vector<16xf32>
      %add3A_296 = arith.addf %add3A_291, %mul3A_295 : vector<16xf32>
      %mul3A_297 = arith.constant 16 : i32
      %mul3A_298 = arith.muli %scan3A_80, %mul3A_297 : i32
      %add3A_299 = arith.constant 9 : i32
      %add3A_300 = arith.addi %mul3A_298, %add3A_299 : i32
      %get3A_301 = arith.index_cast %add3A_300 : i32 to index
      %get3A_302 = arith.constant 0 : index
      %get3A_303 = tpu.vector_load %arg7[%get3A_301, %get3A_302] {strides = array<i32>} : memref<512x64xf32, #tpu.memory_space<vmem>>, vector<16xf32>,
      %mul3A_304 = arith.mulf %get3A_303, %get3A_303 : vector<16xf32>
      %add3A_305 = arith.addf %add3A_296, %mul3A_304 : vector<16xf32>
      %get3A_306 = arith.index_cast %add3A_300 : i32 to index
      %get3A_307 = arith.constant 16 : index
      %get3A_308 = tpu.vector_load %arg7[%get3A_306, %get3A_307] {strides = array<i32>} : memref<512x64xf32, #tpu.memory_space<vmem>>, vector<16xf32>,
      %mul3A_309 = arith.mulf %get3A_308, %get3A_308 : vector<16xf32>
      %add3A_310 = arith.addf %add3A_305, %mul3A_309 : vector<16xf32>
      %get3A_311 = arith.index_cast %add3A_300 : i32 to index
      %get3A_312 = arith.constant 32 : index
      %get3A_313 = tpu.vector_load %arg7[%get3A_311, %get3A_312] {strides = array<i32>} : memref<512x64xf32, #tpu.memory_space<vmem>>, vector<16xf32>,
      %mul3A_314 = arith.mulf %get3A_313, %get3A_313 : vector<16xf32>
      %add3A_315 = arith.addf %add3A_310, %mul3A_314 : vector<16xf32>
      %get3A_316 = arith.index_cast %add3A_300 : i32 to index
      %get3A_317 = arith.constant 48 : index
      %get3A_318 = tpu.vector_load %arg7[%get3A_316, %get3A_317] {strides = array<i32>} : memref<512x64xf32, #tpu.memory_space<vmem>>, vector<16xf32>,
      %mul3A_319 = arith.mulf %get3A_318, %get3A_318 : vector<16xf32>
      %add3A_320 = arith.addf %add3A_315, %mul3A_319 : vector<16xf32>
      %mul3A_321 = arith.constant 16 : i32
      %mul3A_322 = arith.muli %scan3A_80, %mul3A_321 : i32
      %add3A_323 = arith.constant 10 : i32
      %add3A_324 = arith.addi %mul3A_322, %add3A_323 : i32
      %get3A_325 = arith.index_cast %add3A_324 : i32 to index
      %get3A_326 = arith.constant 0 : index
      %get3A_327 = tpu.vector_load %arg7[%get3A_325, %get3A_326] {strides = array<i32>} : memref<512x64xf32, #tpu.memory_space<vmem>>, vector<16xf32>,
      %mul3A_328 = arith.mulf %get3A_327, %get3A_327 : vector<16xf32>
      %add3A_329 = arith.addf %add3A_320, %mul3A_328 : vector<16xf32>
      %get3A_330 = arith.index_cast %add3A_324 : i32 to index
      %get3A_331 = arith.constant 16 : index
      %get3A_332 = tpu.vector_load %arg7[%get3A_330, %get3A_331] {strides = array<i32>} : memref<512x64xf32, #tpu.memory_space<vmem>>, vector<16xf32>,
      %mul3A_333 = arith.mulf %get3A_332, %get3A_332 : vector<16xf32>
      %add3A_334 = arith.addf %add3A_329, %mul3A_333 : vector<16xf32>
      %get3A_335 = arith.index_cast %add3A_324 : i32 to index
      %get3A_336 = arith.constant 32 : index
      %get3A_337 = tpu.vector_load %arg7[%get3A_335, %get3A_336] {strides = array<i32>} : memref<512x64xf32, #tpu.memory_space<vmem>>, vector<16xf32>,
      %mul3A_338 = arith.mulf %get3A_337, %get3A_337 : vector<16xf32>
      %add3A_339 = arith.addf %add3A_334, %mul3A_338 : vector<16xf32>
      %get3A_340 = arith.index_cast %add3A_324 : i32 to index
      %get3A_341 = arith.constant 48 : index
      %get3A_342 = tpu.vector_load %arg7[%get3A_340, %get3A_341] {strides = array<i32>} : memref<512x64xf32, #tpu.memory_space<vmem>>, vector<16xf32>,
      %mul3A_343 = arith.mulf %get3A_342, %get3A_342 : vector<16xf32>
      %add3A_344 = arith.addf %add3A_339, %mul3A_343 : vector<16xf32>
      %mul3A_345 = arith.constant 16 : i32
      %mul3A_346 = arith.muli %scan3A_80, %mul3A_345 : i32
      %add3A_347 = arith.constant 11 : i32
      %add3A_348 = arith.addi %mul3A_346, %add3A_347 : i32
      %get3A_349 = arith.index_cast %add3A_348 : i32 to index
      %get3A_350 = arith.constant 0 : index
      %get3A_351 = tpu.vector_load %arg7[%get3A_349, %get3A_350] {strides = array<i32>} : memref<512x64xf32, #tpu.memory_space<vmem>>, vector<16xf32>,
      %mul3A_352 = arith.mulf %get3A_351, %get3A_351 : vector<16xf32>
      %add3A_353 = arith.addf %add3A_344, %mul3A_352 : vector<16xf32>
      %get3A_354 = arith.index_cast %add3A_348 : i32 to index
      %get3A_355 = arith.constant 16 : index
      %get3A_356 = tpu.vector_load %arg7[%get3A_354, %get3A_355] {strides = array<i32>} : memref<512x64xf32, #tpu.memory_space<vmem>>, vector<16xf32>,
      %mul3A_357 = arith.mulf %get3A_356, %get3A_356 : vector<16xf32>
      %add3A_358 = arith.addf %add3A_353, %mul3A_357 : vector<16xf32>
      %get3A_359 = arith.index_cast %add3A_348 : i32 to index
      %get3A_360 = arith.constant 32 : index
      %get3A_361 = tpu.vector_load %arg7[%get3A_359, %get3A_360] {strides = array<i32>} : memref<512x64xf32, #tpu.memory_space<vmem>>, vector<16xf32>,
      %mul3A_362 = arith.mulf %get3A_361, %get3A_361 : vector<16xf32>
      %add3A_363 = arith.addf %add3A_358, %mul3A_362 : vector<16xf32>
      %get3A_364 = arith.index_cast %add3A_348 : i32 to index
      %get3A_365 = arith.constant 48 : index
      %get3A_366 = tpu.vector_load %arg7[%get3A_364, %get3A_365] {strides = array<i32>} : memref<512x64xf32, #tpu.memory_space<vmem>>, vector<16xf32>,
      %mul3A_367 = arith.mulf %get3A_366, %get3A_366 : vector<16xf32>
      %add3A_368 = arith.addf %add3A_363, %mul3A_367 : vector<16xf32>
      %mul3A_369 = arith.constant 16 : i32
      %mul3A_370 = arith.muli %scan3A_80, %mul3A_369 : i32
      %add3A_371 = arith.constant 12 : i32
      %add3A_372 = arith.addi %mul3A_370, %add3A_371 : i32
      %get3A_373 = arith.index_cast %add3A_372 : i32 to index
      %get3A_374 = arith.constant 0 : index
      %get3A_375 = tpu.vector_load %arg7[%get3A_373, %get3A_374] {strides = array<i32>} : memref<512x64xf32, #tpu.memory_space<vmem>>, vector<16xf32>,
      %mul3A_376 = arith.mulf %get3A_375, %get3A_375 : vector<16xf32>
      %add3A_377 = arith.addf %add3A_368, %mul3A_376 : vector<16xf32>
      %get3A_378 = arith.index_cast %add3A_372 : i32 to index
      %get3A_379 = arith.constant 16 : index
      %get3A_380 = tpu.vector_load %arg7[%get3A_378, %get3A_379] {strides = array<i32>} : memref<512x64xf32, #tpu.memory_space<vmem>>, vector<16xf32>,
      %mul3A_381 = arith.mulf %get3A_380, %get3A_380 : vector<16xf32>
      %add3A_382 = arith.addf %add3A_377, %mul3A_381 : vector<16xf32>
      %get3A_383 = arith.index_cast %add3A_372 : i32 to index
      %get3A_384 = arith.constant 32 : index
      %get3A_385 = tpu.vector_load %arg7[%get3A_383, %get3A_384] {strides = array<i32>} : memref<512x64xf32, #tpu.memory_space<vmem>>, vector<16xf32>,
      %mul3A_386 = arith.mulf %get3A_385, %get3A_385 : vector<16xf32>
      %add3A_387 = arith.addf %add3A_382, %mul3A_386 : vector<16xf32>
      %get3A_388 = arith.index_cast %add3A_372 : i32 to index
      %get3A_389 = arith.constant 48 : index
      %get3A_390 = tpu.vector_load %arg7[%get3A_388, %get3A_389] {strides = array<i32>} : memref<512x64xf32, #tpu.memory_space<vmem>>, vector<16xf32>,
      %mul3A_391 = arith.mulf %get3A_390, %get3A_390 : vector<16xf32>
      %add3A_392 = arith.addf %add3A_387, %mul3A_391 : vector<16xf32>
      %mul3A_393 = arith.constant 16 : i32
      %mul3A_394 = arith.muli %scan3A_80, %mul3A_393 : i32
      %add3A_395 = arith.constant 13 : i32
      %add3A_396 = arith.addi %mul3A_394, %add3A_395 : i32
      %get3A_397 = arith.index_cast %add3A_396 : i32 to index
      %get3A_398 = arith.constant 0 : index
      %get3A_399 = tpu.vector_load %arg7[%get3A_397, %get3A_398] {strides = array<i32>} : memref<512x64xf32, #tpu.memory_space<vmem>>, vector<16xf32>,
      %mul3A_400 = arith.mulf %get3A_399, %get3A_399 : vector<16xf32>
      %add3A_401 = arith.addf %add3A_392, %mul3A_400 : vector<16xf32>
      %get3A_402 = arith.index_cast %add3A_396 : i32 to index
      %get3A_403 = arith.constant 16 : index
      %get3A_404 = tpu.vector_load %arg7[%get3A_402, %get3A_403] {strides = array<i32>} : memref<512x64xf32, #tpu.memory_space<vmem>>, vector<16xf32>,
      %mul3A_405 = arith.mulf %get3A_404, %get3A_404 : vector<16xf32>
      %add3A_406 = arith.addf %add3A_401, %mul3A_405 : vector<16xf32>
      %get3A_407 = arith.index_cast %add3A_396 : i32 to index
      %get3A_408 = arith.constant 32 : index
      %get3A_409 = tpu.vector_load %arg7[%get3A_407, %get3A_408] {strides = array<i32>} : memref<512x64xf32, #tpu.memory_space<vmem>>, vector<16xf32>,
      %mul3A_410 = arith.mulf %get3A_409, %get3A_409 : vector<16xf32>
      %add3A_411 = arith.addf %add3A_406, %mul3A_410 : vector<16xf32>
      %get3A_412 = arith.index_cast %add3A_396 : i32 to index
      %get3A_413 = arith.constant 48 : index
      %get3A_414 = tpu.vector_load %arg7[%get3A_412, %get3A_413] {strides = array<i32>} : memref<512x64xf32, #tpu.memory_space<vmem>>, vector<16xf32>,
      %mul3A_415 = arith.mulf %get3A_414, %get3A_414 : vector<16xf32>
      %add3A_416 = arith.addf %add3A_411, %mul3A_415 : vector<16xf32>
      %mul3A_417 = arith.constant 16 : i32
      %mul3A_418 = arith.muli %scan3A_80, %mul3A_417 : i32
      %add3A_419 = arith.constant 14 : i32
      %add3A_420 = arith.addi %mul3A_418, %add3A_419 : i32
      %get3A_421 = arith.index_cast %add3A_420 : i32 to index
      %get3A_422 = arith.constant 0 : index
      %get3A_423 = tpu.vector_load %arg7[%get3A_421, %get3A_422] {strides = array<i32>} : memref<512x64xf32, #tpu.memory_space<vmem>>, vector<16xf32>,
      %mul3A_424 = arith.mulf %get3A_423, %get3A_423 : vector<16xf32>
      %add3A_425 = arith.addf %add3A_416, %mul3A_424 : vector<16xf32>
      %get3A_426 = arith.index_cast %add3A_420 : i32 to index
      %get3A_427 = arith.constant 16 : index
      %get3A_428 = tpu.vector_load %arg7[%get3A_426, %get3A_427] {strides = array<i32>} : memref<512x64xf32, #tpu.memory_space<vmem>>, vector<16xf32>,
      %mul3A_429 = arith.mulf %get3A_428, %get3A_428 : vector<16xf32>
      %add3A_430 = arith.addf %add3A_425, %mul3A_429 : vector<16xf32>
      %get3A_431 = arith.index_cast %add3A_420 : i32 to index
      %get3A_432 = arith.constant 32 : index
      %get3A_433 = tpu.vector_load %arg7[%get3A_431, %get3A_432] {strides = array<i32>} : memref<512x64xf32, #tpu.memory_space<vmem>>, vector<16xf32>,
      %mul3A_434 = arith.mulf %get3A_433, %get3A_433 : vector<16xf32>
      %add3A_435 = arith.addf %add3A_430, %mul3A_434 : vector<16xf32>
      %get3A_436 = arith.index_cast %add3A_420 : i32 to index
      %get3A_437 = arith.constant 48 : index
      %get3A_438 = tpu.vector_load %arg7[%get3A_436, %get3A_437] {strides = array<i32>} : memref<512x64xf32, #tpu.memory_space<vmem>>, vector<16xf32>,
      %mul3A_439 = arith.mulf %get3A_438, %get3A_438 : vector<16xf32>
      %add3A_440 = arith.addf %add3A_435, %mul3A_439 : vector<16xf32>
      %mul3A_441 = arith.constant 16 : i32
      %mul3A_442 = arith.muli %scan3A_80, %mul3A_441 : i32
      %add3A_443 = arith.constant 15 : i32
      %add3A_444 = arith.addi %mul3A_442, %add3A_443 : i32
      %get3A_445 = arith.index_cast %add3A_444 : i32 to index
      %get3A_446 = arith.constant 0 : index
      %get3A_447 = tpu.vector_load %arg7[%get3A_445, %get3A_446] {strides = array<i32>} : memref<512x64xf32, #tpu.memory_space<vmem>>, vector<16xf32>,
      %mul3A_448 = arith.mulf %get3A_447, %get3A_447 : vector<16xf32>
      %add3A_449 = arith.addf %add3A_440, %mul3A_448 : vector<16xf32>
      %get3A_450 = arith.index_cast %add3A_444 : i32 to index
      %get3A_451 = arith.constant 16 : index
      %get3A_452 = tpu.vector_load %arg7[%get3A_450, %get3A_451] {strides = array<i32>} : memref<512x64xf32, #tpu.memory_space<vmem>>, vector<16xf32>,
      %mul3A_453 = arith.mulf %get3A_452, %get3A_452 : vector<16xf32>
      %add3A_454 = arith.addf %add3A_449, %mul3A_453 : vector<16xf32>
      %get3A_455 = arith.index_cast %add3A_444 : i32 to index
      %get3A_456 = arith.constant 32 : index
      %get3A_457 = tpu.vector_load %arg7[%get3A_455, %get3A_456] {strides = array<i32>} : memref<512x64xf32, #tpu.memory_space<vmem>>, vector<16xf32>,
      %mul3A_458 = arith.mulf %get3A_457, %get3A_457 : vector<16xf32>
      %add3A_459 = arith.addf %add3A_454, %mul3A_458 : vector<16xf32>
      %get3A_460 = arith.index_cast %add3A_444 : i32 to index
      %get3A_461 = arith.constant 48 : index
      %get3A_462 = tpu.vector_load %arg7[%get3A_460, %get3A_461] {strides = array<i32>} : memref<512x64xf32, #tpu.memory_space<vmem>>, vector<16xf32>,
      %mul3A_463 = arith.mulf %get3A_462, %get3A_462 : vector<16xf32>
      %add3A_464 = arith.addf %add3A_459, %mul3A_463 : vector<16xf32>
      scf.yield %add3A_464 : vector<16xf32>
    }
    %scan3A_70 = arith.constant 32 : i32
    %reduce_sum3A = arith.constant true
    %reduce_sum3A_71 = vector.broadcast %reduce_sum3A : i1 to vector<16xi1>
    %reduce_sum3A_72 = tpu.scan <sum>, %scan3A_69 masked %reduce_sum3A_71 : vector<16xf32>, vector<16xi1> -> vector<16xf32>
    %reduce_sum3A_73 = vector.extract %reduce_sum3A_72[15] : f32 from vector<16xf32>
    %mul3A_74 = arith.constant 9.53674361E-10 : f32
    %mul3A_75 = arith.mulf %reduce_sum3A_73, %mul3A_74 : f32
    "tpu.region"() ({
      %run_scoped3A = tpu.sem_alloc : memref<!tpu.dma_semaphore, #tpu.memory_space<semaphore_mem>>
      %dma_start3A_80 = arith.constant 0 : i32
      %dma_start3A_81 = tpu.memref_slice %arg4[%mul3A_2, %dma_start3A_80] : memref<16384x64xf32, #tpu.memory_space<hbm>> -> memref<512x64xf32, #tpu.memory_space<hbm>>
      %dma_start3A_82 = arith.constant 0 : i32
      %dma_start3A_83 = tpu.memref_slice %arg4[%mul3A_2, %dma_start3A_82] : memref<16384x64xf32, #tpu.memory_space<hbm>> -> memref<512x64xf32, #tpu.memory_space<hbm>>
      tpu.enqueue_dma source(%arg7 : memref<512x64xf32, #tpu.memory_space<vmem>>) target(%dma_start3A_83 : memref<512x64xf32, #tpu.memory_space<hbm>>) target_semaphore(%run_scoped3A : memref<!tpu.dma_semaphore, #tpu.memory_space<semaphore_mem>>)
      %dma_wait3A_84 = arith.constant 0 : i32
      %dma_wait3A_85 = tpu.memref_slice %arg4[%mul3A_2, %dma_wait3A_84] : memref<16384x64xf32, #tpu.memory_space<hbm>> -> memref<512x64xf32, #tpu.memory_space<hbm>>
      %dma_wait3A_86 = arith.constant 0 : i32
      %dma_wait3A_87 = tpu.memref_slice %arg4[%mul3A_2, %dma_wait3A_86] : memref<16384x64xf32, #tpu.memory_space<hbm>> -> memref<512x64xf32, #tpu.memory_space<hbm>>
      tpu.wait_dma2 semaphore(%run_scoped3A : memref<!tpu.dma_semaphore, #tpu.memory_space<semaphore_mem>>) src(%arg7 : memref<512x64xf32, #tpu.memory_space<vmem>>) dst(%dma_wait3A_87 : memref<512x64xf32, #tpu.memory_space<hbm>>)
      tpu.yield
    }) : () -> ()
    %iota3A = tpu.iota {dimensions = array<i32: 0>} : vector<16xi32>
    %eq3A = arith.constant 0 : i32
    %eq3A_76 = vector.broadcast %eq3A : i32 to vector<16xi32>
    %eq3A_77 = arith.cmpi eq, %iota3A, %eq3A_76 : vector<16xi32>
    %broadcast_in_dim3A_78 = vector.broadcast %mul3A_75 : f32 to vector<16xf32>
    %select_n3A = arith.select %eq3A_77, %broadcast_in_dim3A_78, %broadcast_in_dim3A_65 : vector<16xi1>, vector<16xf32>
    %swap3A = arith.constant 0 : index
    %swap3A_79 = tpu.vector_load %arg8[%swap3A] {strides = array<i32>} : memref<16xf32, #tpu.memory_space<vmem>>, vector<16xf32>,
    tpu.vector_store %arg8[%swap3A], %select_n3A {strides = array<i32>} : memref<16xf32, #tpu.memory_space<vmem>>, vector<16xf32>,
    "tpu.region"() ({
      %run_scoped3A = tpu.sem_alloc : memref<!tpu.dma_semaphore, #tpu.memory_space<semaphore_mem>>
      %dma_start3A_80 = arith.constant 0 : i32
      %dma_start3A_81 = tpu.memref_slice %arg5[%add3A, %dma_start3A_80] : memref<32x16xf32, #tpu.memory_space<hbm>> -> memref<1x16xf32, #tpu.memory_space<hbm>>
      %dma_start3A_82 = tpu.memref_squeeze %dma_start3A_81 : memref<1x16xf32, #tpu.memory_space<hbm>> -> memref<16xf32, #tpu.memory_space<hbm>>
      %dma_start3A_83 = arith.constant 0 : i32
      %dma_start3A_84 = tpu.memref_slice %arg5[%add3A, %dma_start3A_83] : memref<32x16xf32, #tpu.memory_space<hbm>> -> memref<1x16xf32, #tpu.memory_space<hbm>>
      %dma_start3A_85 = tpu.memref_squeeze %dma_start3A_84 : memref<1x16xf32, #tpu.memory_space<hbm>> -> memref<16xf32, #tpu.memory_space<hbm>>
      tpu.enqueue_dma source(%arg8 : memref<16xf32, #tpu.memory_space<vmem>>) target(%dma_start3A_85 : memref<16xf32, #tpu.memory_space<hbm>>) target_semaphore(%run_scoped3A : memref<!tpu.dma_semaphore, #tpu.memory_space<semaphore_mem>>)
      %dma_wait3A_86 = arith.constant 0 : i32
      %dma_wait3A_87 = tpu.memref_slice %arg5[%add3A, %dma_wait3A_86] : memref<32x16xf32, #tpu.memory_space<hbm>> -> memref<1x16xf32, #tpu.memory_space<hbm>>
      %dma_wait3A_88 = tpu.memref_squeeze %dma_wait3A_87 : memref<1x16xf32, #tpu.memory_space<hbm>> -> memref<16xf32, #tpu.memory_space<hbm>>
      %dma_wait3A_89 = arith.constant 0 : i32
      %dma_wait3A_90 = tpu.memref_slice %arg5[%add3A, %dma_wait3A_89] : memref<32x16xf32, #tpu.memory_space<hbm>> -> memref<1x16xf32, #tpu.memory_space<hbm>>
      %dma_wait3A_91 = tpu.memref_squeeze %dma_wait3A_90 : memref<1x16xf32, #tpu.memory_space<hbm>> -> memref<16xf32, #tpu.memory_space<hbm>>
      tpu.wait_dma2 semaphore(%run_scoped3A : memref<!tpu.dma_semaphore, #tpu.memory_space<semaphore_mem>>) src(%arg8 : memref<16xf32, #tpu.memory_space<vmem>>) dst(%dma_wait3A_91 : memref<16xf32, #tpu.memory_space<hbm>>)
      tpu.yield
    }) : () -> ()
    return
  }
}

</mosaic_0001>

<sc_bundles>
// kernel: kernel.4.cloned.1.call-start
scs
__scs_entry_jumppad:
0x0: {  	(pc) =	sbr.rel $0x88, $3  }
0x1: {  	(tag) =	ssettag $0x0;
	lr =	simm.s32 $0x1  }
0x2: {  	[smem:$0x3F9C] =	sst lr;
	_ =	strace $0xD0000000  }
0x3: {  	_ = 	snop  }
0x4: {  	_ = 	snop  }
0x5: {  	_ = 	snop  }
0x6: {  	_ = 	snop  }
0x7: {  	_ = 	snop  }
__scs_overlays_trampoline_lowered:
0x8: {  	[smem:$0x3FAB] =	sst s0  }
0x9: {  	[smem:$0x3FAC] =	sst s1  }
0xa: {  	[smem:$0x3FAD] =	sst s2  }
0xb: {  	[smem:$0x3FAE] =	sst s3  }
0xc: {  	[smem:$0x3FAF] =	sst s4  }
0xd: {  	[smem:$0x3FB0] =	sst s5  }
0xe: {  	[smem:$0x3FB1] =	sst s6  }
0xf: {  	[smem:$0x3FB2] =	sst s7  }
0x10: {  	[smem:$0x3FB3] =	sst s8  }
0x11: {  	[smem:$0x3FB4] =	sst s9;
	s0 =	simm.s32 @!p0 $0x0  }
0x12: {  	s1 =	sld [smem:$0x3F9A];
	s0 =	simm.s32 @p0 $0x1  }
0x13: {  	[smem:$0x3FB5] =	sst s0;
	s0 =	simm.s32 @!p1 $0x0  }
0x14: {  	s2 =	sld [smem:$0x3F99];
	s0 =	simm.s32 @p1 $0x1  }
0x15: {  	[smem:$0x3FB6] =	sst s0;
	s0 =	simm.s32 @!p2 $0x0  }
0x16: {  	s3 =	sld [smem:$0x3FDB];
	s0 =	simm.s32 @p2 $0x1  }
0x17: {  	s4 =	simm.s32 $0x1BF5;
	[smem:$0x3FB8] =	sst s0  }
0x18: {  	s0 =	sld [smem:$0x3F9B];
	_ =	swait.ge [sflag:s4], $0x0  }
0x19: {  	s7 =	sld [smem:$0x3F9C]  }
0x1a: {  	s8 =	sadd.s32 $0xFFFFE003, lr  }
0x1b: {  	s9 =	sadd.s32 $0xFFFFFEF7, lr;
	s5 =	simm.s32 $0xFFFFFFFF;
	p2 =	slt.u32 s8, $0xFFFFF086  }
0x1c: {  	p1 =	slt.u32 s9, $0xF7A;
	s5 =	simm.s32 @!p2 $0x0  }
0x1d: {  	s5 =	simm.s32 @p1 $0x1;
	p0 =	seq.s32 s7, s2  }
0x1e: {  	s7 =	smul.u32 @!p0 $0xF7A, s2;
	p2 =	seq.s32 @!p0 s5, $0x0  }
0x1f: {  	s9 =	smul.u32 $0xF7A, s1;
	s8 =	simm.s32 @!p0 $0x1BF5;
	p2 =	por !p2, p0  }
0x20: {  	[sflag:s8] =	ssyncset.s32 @!p0 $0xFFFFF086;
	s6 =	sadd.s32 @!p0 s3, s7;
	s7 =	simm.s32 @!p0 $0x108  }
0x21: {  	s3 =	sadd.s32 s3, s9;
	s6 =	sadd.s32 @!p0 $0x88, s6;
	s7 =	simm.s32 @p2 $0x1082  }
0x22: {  	[simem:s7], [sflag:s8] =	dma.local @!p0 [hbm:s6], $0xF7A  }
0x23: {  	s9 =	sor.u32 $0xD0000000, s2;
	s6 =	simm.s32 $0x108;
	_ =	swait.ge @!p0 [sflag:s8], $0x0  }
0x24: {  	s3 =	sadd.s32 $0x88, s3;
	s6 =	simm.s32 @!p1 $0x1082;
	[sflag:s4] =	ssyncset.s32 $0xFFFFF086  }
0x25: {  	[simem:s6], [sflag:s4] =	dma.local [hbm:s3], $0xF7A  }
0x26: {  	[smem:$0x3F9C] =	sst s1;
	(tag) =	ssettag s2;
	_ =	strace s9  }
0x27: {  	s1 =	sld [smem:$0x3FAC]  }
0x28: {  	s2 =	sld [smem:$0x3FAD]  }
0x29: {  	s4 =	sld [smem:$0x3FAF]  }
0x2a: {  	p0 =	seq.s32 s5, $0x0;
	s5 =	sld [smem:$0x3FB0]  }
0x2b: {  	s6 =	sld [smem:$0x3FB1]  }
0x2c: {  	s7 =	sld [smem:$0x3FB2]  }
0x2d: {  	s3 =	simm.s32 $0x108;
	s8 =	sld [smem:$0x3FB3]  }
0x2e: {  	s3 =	simm.s32 @!p0 $0x1082;
	s9 =	sld [smem:$0x3FB4]  }
0x2f: {  	lr =	sadd.s32 s0, s3;
	s0 =	sld [smem:$0x3FAB]  }
0x30: {  	s3 =	sld [smem:$0x3FAE]  }
0x31: {  	[smem:$0x3FB7] =	sst s10  }
0x32: {  	s10 =	sld [smem:$0x3FB5];
	_ =	sdelay $0x3  }
0x33: {  	p0 =	seq.s32 s10, $0x1;
	s10 =	sld [smem:$0x3FB7];
	_ =	sdelay $0x3  }
0x34: {  	[smem:$0x3FB7] =	sst s10  }
0x35: {  	s10 =	sld [smem:$0x3FB6];
	_ =	sdelay $0x3  }
0x36: {  	p1 =	seq.s32 s10, $0x1;
	s10 =	sld [smem:$0x3FB7];
	_ =	sdelay $0x3  }
0x37: {  	[smem:$0x3FB7] =	sst s10  }
0x38: {  	s10 =	sld [smem:$0x3FB8]  }
0x39: {  	_ = 	snop;
	(pc) =	sbr.ind lr, $3  }
0x3a: {  	_ = 	snop  }
0x3b: {  	_ = 	snop  }
0x3c: {  	p2 =	seq.s32 s10, $0x1;
	s10 =	sld [smem:$0x3FB7]  }
0x3d: {  	_ =	shalt  }
0x3e: {  	_ =	shalt  }
0x3f: {  	_ =	shalt  }
0x40: {  	_ =	shalt  }
0x41: {  	_ =	shalt  }
0x42: {  	_ =	shalt  }
0x43: {  	_ =	shalt  }
0x44: {  	_ =	shalt  }
0x45: {  	_ =	shalt  }
0x46: {  	_ =	shalt  }
0x47: {  	_ =	shalt  }
0x48: {  	_ =	shalt  }
0x49: {  	_ =	shalt  }
0x4a: {  	_ =	shalt  }
0x4b: {  	_ =	shalt  }
0x4c: {  	_ =	shalt  }
0x4d: {  	_ =	shalt  }
0x4e: {  	_ =	shalt  }
0x4f: {  	_ =	shalt  }
0x50: {  	_ =	shalt  }
0x51: {  	_ =	shalt  }
0x52: {  	_ =	shalt  }
0x53: {  	_ =	shalt  }
0x54: {  	_ =	shalt  }
0x55: {  	_ =	shalt  }
0x56: {  	_ =	shalt  }
0x57: {  	_ =	shalt  }
0x58: {  	_ =	shalt  }
0x59: {  	_ =	shalt  }
0x5a: {  	_ =	shalt  }
0x5b: {  	_ =	shalt  }
0x5c: {  	_ =	shalt  }
0x5d: {  	_ =	shalt  }
0x5e: {  	_ =	shalt  }
0x5f: {  	_ =	shalt  }
0x60: {  	_ =	shalt  }
0x61: {  	_ =	shalt  }
0x62: {  	_ =	shalt  }
0x63: {  	_ =	shalt  }
0x64: {  	_ =	shalt  }
0x65: {  	_ =	shalt  }
0x66: {  	_ =	shalt  }
0x67: {  	_ =	shalt  }
0x68: {  	_ =	shalt  }
0x69: {  	_ =	shalt  }
0x6a: {  	_ =	shalt  }
0x6b: {  	_ =	shalt  }
0x6c: {  	_ =	shalt  }
0x6d: {  	_ =	shalt  }
0x6e: {  	_ =	shalt  }
0x6f: {  	_ =	shalt  }
0x70: {  	_ =	shalt  }
0x71: {  	_ =	shalt  }
0x72: {  	_ =	shalt  }
0x73: {  	_ =	shalt  }
0x74: {  	_ =	shalt  }
0x75: {  	_ =	shalt  }
0x76: {  	_ =	shalt  }
0x77: {  	_ =	shalt  }
0x78: {  	_ =	shalt  }
0x79: {  	_ =	shalt  }
0x7a: {  	_ =	shalt  }
0x7b: {  	_ =	shalt  }
0x7c: {  	_ =	shalt  }
0x7d: {  	_ =	shalt  }
0x7e: {  	_ =	shalt  }
0x7f: {  	_ =	shalt  }
0x80: {  	_ =	shalt  }
0x81: {  	_ =	shalt  }
0x82: {  	_ =	shalt  }
0x83: {  	_ =	shalt  }
0x84: {  	_ =	shalt  }
0x85: {  	_ =	shalt  }
0x86: {  	_ =	shalt  }
0x87: {  	_ =	shalt  }
.Lfunc_end0:
.L_simem_size_0:
called_computation_lowered:
.L_overlay_start_0:
0x88: {  	s2 =	sld [smem:$0x3FD9]  }
0x89: {  	s3 =	sld [smem:$0x3FFE];
	_ =	sdelay $0x1  }
0x8a: {  	s1 =	srdreg.scid  }
0x8b: {  	s0 =	sand.u32 $0x1, s1  }
0x8c: {  	s17 =	sshll.u32 s0, $0xA;
	s2 =	sadd.s32 s3, s2  }
0x8d: {  	s2 =	sadd.s32 s2, s17  }
0x8e: {  	[smem:$0x3FC3] =	sst s2  }
0x8f: {  	_ = 	snop  }
0x90: {  	s2 =	sld [smem:$0x3FC9];
	(tm) =	ssettm $0x1  }
0x91: {  	s18 =	sld [smem:$0x3FFB];
	_ =	sdelay $0x3  }
0x92: {  	_ =	strace s18  }
0x93: {  	s3 =	sld [smem:$0x3FFC];
	_ =	sdelay $0x3  }
0x94: {  	_ =	strace s3  }
0x95: {  	s3 =	sld [smem:$0x3FFD];
	_ =	sdelay $0x3  }
0x96: {  	_ =	strace s3  }
0x97: {  	_ =	strace $0x8FFFFFFF  }
0x98: {  	s19 =	sld [smem:$0x3FDB];
	_ =	sdelay $0x1  }
0x99: {  	s4 =	simm.s32 $_scs_section_size  }
0x9a: {  	s5 =	simm.s32 $_size__tile_overlayer_lowered;
	s6 =	simm.s32 $_tile_overlayer_lowered  }
0x9b: {  	s22 =	simm.s32 $0x1BFF;
	s21 =	sshll.u32 s6, $0x1;
	s3 =	sadd.s32 s4, s19  }
0x9c: {  	s7 =	simm.s32 $0x0;
	s20 =	sshll.u32 s5, $0x1;
	s5 =	sadd.s32 s21, s3  }
0x9d: {  	[timem:s7], [sflag:s22] =	dma.local [hbm:s5], s20  }
0x9e: {  	_ =	swait.ge [sflag:s22], s20  }
0x9f: {  	s4 =	ssub.s32 $0x0, s20;
	[sflag:s22] =	ssyncset.done $0x0  }
0xa0: {  	[sflag:s22] =	ssyncadd.s32 s4;
	_ =	sdelay $0x1  }
0xa1: {  	s23 =	simm.s32 $0x1B8B  }
0xa2: {  	_ =	swait.ge [sflag:s23], $0x1  }
0xa3: {  	[sflag:s23] =	ssyncset.done $0x0  }
0xa4: {  	s25 =	simm.s32 $0x1B8E;
	s24 =	sld [smem:$0x3FFE];
	[sflag:s23] =	ssyncadd.s32 $0xFFFFFFFF  }
0xa5: {  	s26 =	simm.s32 $execute0_lowered;
	[smem:$0x3FD2] =	sst s25  }
0xa6: {  	s5 =	sshll.u32 s26, $0x1;
	_ =	strace $0x80000046;
	[dreg:$0x1] =	wrdreg $0xFFFFFFFF  }
0xa7: {  	s28 =	simm.s32 $_size_execute0_lowered;
	s3 =	sadd.s32 s3, s5;
	[dreg:$0x0] =	wrdreg $0x0  }
0xa8: {  	s5 =	sshll.u32 s28, $0x1;
	[dreg:$0x2] =	wrdreg s3  }
0xa9: {  	[dreg:$0x3] =	wrdreg s5  }
0xaa: {  	[dreg:$0x4] =	wrdreg $0xC0  }
0xab: {  	_ =	task [dreg:s7], $0x5FFFF  }
0xac: {  	[dreg:$0x1] =	wrdreg $0xFFFFFFFF  }
0xad: {  	[dreg:$0x0] =	wrdreg $0x60  }
0xae: {  	[dreg:$0x2] =	wrdreg s2  }
0xaf: {  	[dreg:$0x3] =	wrdreg s24  }
0xb0: {  	[dreg:$0x4] =	wrdreg $0x9  }
0xb1: {  	_ =	task.clear_ibuf [dreg:s7], $0x5FFFF;
	_ =	strace $0x90000046  }
0xb2: {  	s29 =	simm.s32 $0x9;
	_ =	strace $0x80000048  }
0xb3: {  	_ =	swait.ge [sflag:s29], $0x1  }
0xb4: {  	[sflag:s29] =	ssyncadd.s32 $0xFFFFFFFF  }
0xb5: {  	_ =	strace $0x90000048  }
0xb6: {  	_ =	sfence  }
0xb7: {  	s30 =	sld [smem:$0x0];
	_ =	sdelay $0x2  }
0xb8: {  	s31 =	sshll.u32 s1, $0xD;
	s1 =	sshrl.u32 s1, $0x2  }
0xb9: {  	s3 =	sand.u32 $0x4000, s31;
	s1 =	sadd.s32 s1, s30  }
0xba: {  	s0 =	sor.u32 s3, s0;
	s1 =	sshll.u32 s1, $0x11  }
0xbb: {  	s0 =	sor.u32 s1, s0  }
0xbc: {  	s0 =	sadd.s32 $0x8F2B, s0  }
0xbd: {  	[sflag:s0] =	ssyncadd.remote.s32 $0x1  }
0xbe: {  	_ =	sfence.sel $0xFFFF  }
0xbf: {  	[dreg:$0x0] =	wrdreg $0xFFFFFFFF;
	(pc) =	sbr.abs _section_cstart, $3  }
0xc0: {  	[dreg:$0x1] =	wrdreg $0xFFFFFFFF  }
0xc1: {  	_ =	task.clear_ibuf [dreg:s7], $0x2FFFF;
	_ =	strace $0x9FFFFFFF  }
0xc2: {  	(tm) =	ssettm $0x7FFFFFFF  }
0xc3: {  	_ =	shalt  }
tec
execute0_lowered:
.L_overlay_start_1:
0x0: {  	(tag) =	ssettag $0x1  }
0x1: {  	s4 =	rddreg [dreg:$0x0]  }
0x2: {  	s5 =	rddreg [dreg:$0x1]  }
0x3: {  	s0 =	rddreg [dreg:$0x2];
	s2 =	simm.s32 $0x0;
	s3 =	srdreg.scid  }
0x4: {  	s1 =	stileid.u32;
	s11 =	simm.s32 $0x2200;
	s12 =	simm.s32 $0x100  }
0x5: {  	s13 =	simm.s32 $0x4200;
	s14 =	simm.s32 $0x180;
	s15 =	simm.s32 $0x6200  }
0x6: {  	s16 =	simm.s32 $0x1;
	s17 =	simm.s32 $0x8200;
	s18 =	simm.s32 $0x0  }
0x7: {  	[smem:$0x7FF] =	sst s2;
	s6 =	sand.u32 $0x1, s3;
	s30 =	sshll.u32 s1, $0x1  }
0x8: {  	s3 =	sadd.s32 $0x188600, s5;
	_ =	strace $0x80000047;
	s7 =	sor.u32 s6, s30  }
0x9: {  	s6 =	ssub.s32 $0x2, s6;
	s8 =	sshll.u32 s7, $0xC;
	s9 =	sshll.u32 s7, $0x1  }
0xa: {  	s10 =	sshrl.u32 s6, $0x1;
	s31 =	sshll.u32 s7, $0x6;
	s8 =	sadd.s32 s8, s5  }
0xb: {  	s9 =	sadd.s32 s9, s5;
	s10 =	ssub.s32 s6, s10;
	s4 =	sadd.s32 s4, s31  }
0xc: {  	s5 =	sadd.s32 $0x1E00, s8;
	s6 =	sadd.s32 $0x1C00, s9;
	s7 =	smax.u32 s10, $0x1  }
0xd: {  	vm0 =	vcmask $0x300;
	s8 =	simm.s32 $0x2;
	s9 =	simm.s32 $0x80;
	s10 =	simm.s32 $0x200  }
.LBB2_1:
0xe: {  	[tilespmem:s2], [sflag:$0x2] =	stream.linear.gather [hbm4b:s4+s2], $0x200, $0x38;
	[tilespmem:$0x8210] =	vst v63  }
0xf: {  	_ =	swait.ge [sflag:s8], $0x200  }
0x10: {  	[sflag:s8] =	ssyncset.done $0x0  }
0x11: {  	[sflag:s8] =	ssyncadd.s32 $0xFFFFFE00  }
0x12: {  	[tilespmem:s10], [sflag:$0x1] =	stream.indirect.gather [hbm4b:s3+s9], $0x40, s2, s9, $0xb8;
	[tilespmem:$0x8210] =	vst v63  }
0x13: {  	_ = 	snop  }
0x14: {  	[tilespmem:s11], [sflag:$0x1] =	stream.indirect.gather [hbm4b:s3+s9], $0x40, s9, s9, $0xb8;
	[tilespmem:$0x8210] =	vst v63  }
0x15: {  	_ = 	snop  }
0x16: {  	[tilespmem:s13], [sflag:$0x1] =	stream.indirect.gather [hbm4b:s3+s9], $0x40, s12, s9, $0xb8;
	[tilespmem:$0x8210] =	vst v63  }
0x17: {  	_ = 	snop  }
0x18: {  	[tilespmem:s15], [sflag:$0x1] =	stream.indirect.gather [hbm4b:s3+s9], $0x40, s14, s9, $0xb8;
	[tilespmem:$0x8210] =	vst v63  }
0x19: {  	_ =	swait.ge [sflag:s16], $0x2000  }
0x1a: {  	[sflag:s16] =	ssyncset.done $0x0  }
0x1b: {  	[sflag:s16] =	ssyncadd.s32 $0xFFFFE000  }
0x1c: {  	_ =	swait.ge [sflag:s16], $0x2000  }
0x1d: {  	[sflag:s16] =	ssyncset.done $0x0  }
0x1e: {  	[sflag:s16] =	ssyncadd.s32 $0xFFFFE000  }
0x1f: {  	_ =	swait.ge [sflag:s16], $0x2000  }
0x20: {  	[sflag:s16] =	ssyncset.done $0x0  }
0x21: {  	[sflag:s16] =	ssyncadd.s32 $0xFFFFE000  }
0x22: {  	_ =	swait.ge [sflag:s16], $0x2000  }
0x23: {  	[sflag:s16] =	ssyncset.done $0x0  }
0x24: {  	s19 =	simm.s32 $0x0;
	[sflag:s16] =	ssyncadd.s32 $0xFFFFE000  }
0x25: {  	v0 =	vld [tilespmem:s19+$0x200];
	_ =	sdelay $0x1  }
0x26: {  	v1 =	vld [tilespmem:s19+$0x210];
	_ =	sdelay $0x1  }
0x27: {  	v2 =	vld [tilespmem:s19+$0x220]  }
0x28: {  	v0 =	vmul.f32 v0, v0  }
0x29: {  	v3 =	vimm.f32 $0.0e+00;
	v4 =	vld [tilespmem:s19+$0x230]  }
0x2a: {  	v1 =	vmul.f32 v1, v1;
	v0 =	vadd.f32 v0, v3  }
0x2b: {  	v3 =	vld [tilespmem:s19+$0x240]  }
0x2c: {  	v0 =	vadd.f32 v1, v0;
	v1 =	vmul.f32 v2, v2  }
0x2d: {  	v2 =	vld [tilespmem:s19+$0x250]  }
0x2e: {  	v0 =	vadd.f32 v1, v0;
	v1 =	vmul.f32 v4, v4  }
0x2f: {  	v4 =	vld [tilespmem:s19+$0x260]  }
0x30: {  	v0 =	vadd.f32 v1, v0;
	v1 =	vmul.f32 v3, v3  }
0x31: {  	v3 =	vld [tilespmem:s19+$0x270]  }
0x32: {  	v0 =	vadd.f32 v1, v0;
	v1 =	vmul.f32 v2, v2  }
0x33: {  	v2 =	vld [tilespmem:s19+$0x280]  }
0x34: {  	v0 =	vadd.f32 v1, v0;
	v1 =	vmul.f32 v4, v4  }
0x35: {  	v4 =	vld [tilespmem:s19+$0x290]  }
0x36: {  	v0 =	vadd.f32 v1, v0;
	v1 =	vmul.f32 v3, v3  }
0x37: {  	v3 =	vld [tilespmem:s19+$0x2A0]  }
0x38: {  	v0 =	vadd.f32 v1, v0;
	v1 =	vmul.f32 v2, v2  }
0x39: {  	v2 =	vld [tilespmem:s19+$0x2B0]  }
0x3a: {  	v0 =	vadd.f32 v1, v0;
	v1 =	vmul.f32 v4, v4  }
0x3b: {  	v4 =	vld [tilespmem:s19+$0x2C0]  }
0x3c: {  	v0 =	vadd.f32 v1, v0;
	v1 =	vmul.f32 v3, v3  }
0x3d: {  	v3 =	vld [tilespmem:s19+$0x2D0]  }
0x3e: {  	v0 =	vadd.f32 v1, v0;
	v1 =	vmul.f32 v2, v2  }
0x3f: {  	v2 =	vld [tilespmem:s19+$0x2E0]  }
0x40: {  	v0 =	vadd.f32 v1, v0;
	v1 =	vmul.f32 v4, v4  }
0x41: {  	v4 =	vld [tilespmem:s19+$0x2F0]  }
0x42: {  	v0 =	vadd.f32 v1, v0;
	v1 =	vmul.f32 v3, v3  }
0x43: {  	v3 =	vld [tilespmem:s19+$0x300]  }
0x44: {  	v0 =	vadd.f32 v1, v0;
	v1 =	vmul.f32 v2, v2  }
0x45: {  	v2 =	vld [tilespmem:s19+$0x310]  }
0x46: {  	v0 =	vadd.f32 v1, v0;
	v1 =	vmul.f32 v4, v4  }
0x47: {  	v4 =	vld [tilespmem:s19+$0x320]  }
0x48: {  	v0 =	vadd.f32 v1, v0;
	v1 =	vmul.f32 v3, v3  }
0x49: {  	v3 =	vld [tilespmem:s19+$0x330]  }
0x4a: {  	v0 =	vadd.f32 v1, v0;
	v1 =	vmul.f32 v2, v2  }
0x4b: {  	v2 =	vld [tilespmem:s19+$0x340]  }
0x4c: {  	v0 =	vadd.f32 v1, v0;
	v1 =	vmul.f32 v4, v4  }
0x4d: {  	v4 =	vld [tilespmem:s19+$0x350]  }
0x4e: {  	v0 =	vadd.f32 v1, v0;
	v1 =	vmul.f32 v3, v3  }
0x4f: {  	v3 =	vld [tilespmem:s19+$0x360]  }
0x50: {  	v0 =	vadd.f32 v1, v0;
	v1 =	vmul.f32 v2, v2  }
0x51: {  	v2 =	vld [tilespmem:s19+$0x370]  }
0x52: {  	v0 =	vadd.f32 v1, v0;
	v1 =	vmul.f32 v4, v4  }
0x53: {  	v4 =	vld [tilespmem:s19+$0x380]  }
0x54: {  	v0 =	vadd.f32 v1, v0;
	v1 =	vmul.f32 v3, v3  }
0x55: {  	v3 =	vld [tilespmem:s19+$0x390]  }
0x56: {  	v0 =	vadd.f32 v1, v0;
	v1 =	vmul.f32 v2, v2  }
0x57: {  	v2 =	vld [tilespmem:s19+$0x3A0]  }
0x58: {  	v0 =	vadd.f32 v1, v0;
	v1 =	vmul.f32 v4, v4  }
0x59: {  	v4 =	vld [tilespmem:s19+$0x3B0]  }
0x5a: {  	v0 =	vadd.f32 v1, v0;
	v1 =	vmul.f32 v3, v3  }
0x5b: {  	v3 =	vld [tilespmem:s19+$0x3C0]  }
0x5c: {  	v0 =	vadd.f32 v1, v0;
	v1 =	vmul.f32 v2, v2  }
0x5d: {  	v2 =	vld [tilespmem:s19+$0x3D0]  }
0x5e: {  	v0 =	vadd.f32 v1, v0;
	v1 =	vmul.f32 v4, v4  }
0x5f: {  	v4 =	vld [tilespmem:s19+$0x3E0]  }
0x60: {  	v0 =	vadd.f32 v1, v0;
	v1 =	vmul.f32 v3, v3  }
0x61: {  	v3 =	vld [tilespmem:s19+$0x3F0]  }
0x62: {  	v0 =	vadd.f32 v1, v0;
	v1 =	vmul.f32 v2, v2  }
0x63: {  	v2 =	vld [tilespmem:s19+$0x400]  }
0x64: {  	v0 =	vadd.f32 v1, v0;
	v1 =	vmul.f32 v4, v4  }
0x65: {  	v4 =	vld [tilespmem:s19+$0x410]  }
0x66: {  	v0 =	vadd.f32 v1, v0;
	v1 =	vmul.f32 v3, v3  }
0x67: {  	v3 =	vld [tilespmem:s19+$0x420]  }
0x68: {  	v0 =	vadd.f32 v1, v0;
	v1 =	vmul.f32 v2, v2  }
0x69: {  	v2 =	vld [tilespmem:s19+$0x430]  }
0x6a: {  	v0 =	vadd.f32 v1, v0;
	v1 =	vmul.f32 v4, v4  }
0x6b: {  	v4 =	vld [tilespmem:s19+$0x440]  }
0x6c: {  	v0 =	vadd.f32 v1, v0;
	v1 =	vmul.f32 v3, v3  }
0x6d: {  	v3 =	vld [tilespmem:s19+$0x450]  }
0x6e: {  	v0 =	vadd.f32 v1, v0;
	v1 =	vmul.f32 v2, v2  }
0x6f: {  	v2 =	vld [tilespmem:s19+$0x460]  }
0x70: {  	v0 =	vadd.f32 v1, v0;
	v1 =	vmul.f32 v4, v4  }
0x71: {  	v4 =	vld [tilespmem:s19+$0x470]  }
0x72: {  	v0 =	vadd.f32 v1, v0;
	v1 =	vmul.f32 v3, v3  }
0x73: {  	v3 =	vld [tilespmem:s19+$0x480]  }
0x74: {  	v0 =	vadd.f32 v1, v0;
	v1 =	vmul.f32 v2, v2  }
0x75: {  	v2 =	vld [tilespmem:s19+$0x490]  }
0x76: {  	v0 =	vadd.f32 v1, v0;
	v1 =	vmul.f32 v4, v4  }
0x77: {  	v4 =	vld [tilespmem:s19+$0x4A0]  }
0x78: {  	v0 =	vadd.f32 v1, v0;
	v1 =	vmul.f32 v3, v3  }
0x79: {  	v3 =	vld [tilespmem:s19+$0x4B0]  }
0x7a: {  	v0 =	vadd.f32 v1, v0;
	v1 =	vmul.f32 v2, v2  }
0x7b: {  	v2 =	vld [tilespmem:s19+$0x4C0]  }
0x7c: {  	v0 =	vadd.f32 v1, v0;
	v1 =	vmul.f32 v4, v4  }
0x7d: {  	v4 =	vld [tilespmem:s19+$0x4D0]  }
0x7e: {  	v0 =	vadd.f32 v1, v0;
	v1 =	vmul.f32 v3, v3  }
0x7f: {  	v3 =	vld [tilespmem:s19+$0x4E0]  }
0x80: {  	v0 =	vadd.f32 v1, v0;
	v1 =	vmul.f32 v2, v2  }
0x81: {  	v2 =	vld [tilespmem:s19+$0x4F0]  }
0x82: {  	v0 =	vadd.f32 v1, v0;
	v1 =	vmul.f32 v4, v4  }
0x83: {  	v4 =	vld [tilespmem:s19+$0x500]  }
0x84: {  	v0 =	vadd.f32 v1, v0;
	v1 =	vmul.f32 v3, v3  }
0x85: {  	v3 =	vld [tilespmem:s19+$0x510]  }
0x86: {  	v0 =	vadd.f32 v1, v0;
	v1 =	vmul.f32 v2, v2  }
0x87: {  	v2 =	vld [tilespmem:s19+$0x520]  }
0x88: {  	v0 =	vadd.f32 v1, v0;
	v1 =	vmul.f32 v4, v4  }
0x89: {  	v4 =	vld [tilespmem:s19+$0x530]  }
0x8a: {  	v0 =	vadd.f32 v1, v0;
	v1 =	vmul.f32 v3, v3  }
0x8b: {  	v3 =	vld [tilespmem:s19+$0x540]  }
0x8c: {  	v0 =	vadd.f32 v1, v0;
	v1 =	vmul.f32 v2, v2  }
0x8d: {  	v2 =	vld [tilespmem:s19+$0x550]  }
0x8e: {  	v0 =	vadd.f32 v1, v0;
	v1 =	vmul.f32 v4, v4  }
0x8f: {  	v4 =	vld [tilespmem:s19+$0x560]  }
0x90: {  	v0 =	vadd.f32 v1, v0;
	v1 =	vmul.f32 v3, v3  }
0x91: {  	v3 =	vld [tilespmem:s19+$0x570]  }
0x92: {  	v0 =	vadd.f32 v1, v0;
	v1 =	vmul.f32 v2, v2  }
0x93: {  	v2 =	vld [tilespmem:s19+$0x580]  }
0x94: {  	v0 =	vadd.f32 v1, v0;
	v1 =	vmul.f32 v4, v4  }
0x95: {  	v4 =	vld [tilespmem:s19+$0x590]  }
0x96: {  	v0 =	vadd.f32 v1, v0;
	v1 =	vmul.f32 v3, v3  }
0x97: {  	v3 =	vld [tilespmem:s19+$0x5A0]  }
0x98: {  	v0 =	vadd.f32 v1, v0;
	v1 =	vmul.f32 v2, v2  }
0x99: {  	v2 =	vld [tilespmem:s19+$0x5B0]  }
0x9a: {  	v0 =	vadd.f32 v1, v0;
	v1 =	vmul.f32 v4, v4;
	_ =	sdelay $0x1  }
0x9b: {  	v4 =	vld [tilespmem:s19+$0x5C0];
	v0 =	vadd.f32 v1, v0;
	v1 =	vmul.f32 v3, v3;
	_ =	sdelay $0x1  }
0x9c: {  	v3 =	vld [tilespmem:s19+$0x5D0];
	v0 =	vadd.f32 v1, v0;
	v1 =	vmul.f32 v2, v2;
	_ =	sdelay $0x1  }
0x9d: {  	v2 =	vadd.f32 v1, v0;
	v1 =	vld [tilespmem:s19+$0x5E0]  }
0x9e: {  	v4 =	vmul.f32 v4, v4  }
0x9f: {  	v0 =	vld [tilespmem:s19+$0x5F0]  }
0xa0: {  	s20 =	simm.s32 $0x2000;
	s19 =	simm.s32 $0x400;
	v3 =	vmul.f32 v3, v3;
	v2 =	vadd.f32 v4, v2  }
.LBB2_2:
0xa1: {  	p0 =	sne.s32 s20, $0x1F000;
	v4 =	vld [tilespmem:s19+$0x200]  }
0xa2: {  	v2 =	vadd.f32 v3, v2;
	v1 =	vmul.f32 v1, v1  }
0xa3: {  	v3 =	vld [tilespmem:s19+$0x210]  }
0xa4: {  	v1 =	vadd.f32 v1, v2;
	v0 =	vmul.f32 v0, v0  }
0xa5: {  	v2 =	vld [tilespmem:s19+$0x220]  }
0xa6: {  	v4 =	vmul.f32 v4, v4;
	v0 =	vadd.f32 v0, v1  }
0xa7: {  	v1 =	vld [tilespmem:s19+$0x230]  }
0xa8: {  	v0 =	vadd.f32 v4, v0;
	v3 =	vmul.f32 v3, v3  }
0xa9: {  	v4 =	vld [tilespmem:s19+$0x240]  }
0xaa: {  	v0 =	vadd.f32 v3, v0;
	v2 =	vmul.f32 v2, v2  }
0xab: {  	v3 =	vld [tilespmem:s19+$0x250]  }
0xac: {  	v0 =	vadd.f32 v2, v0;
	v1 =	vmul.f32 v1, v1  }
0xad: {  	v2 =	vld [tilespmem:s19+$0x260]  }
0xae: {  	v0 =	vadd.f32 v1, v0;
	v1 =	vmul.f32 v4, v4  }
0xaf: {  	v4 =	vld [tilespmem:s19+$0x270]  }
0xb0: {  	v0 =	vadd.f32 v1, v0;
	v1 =	vmul.f32 v3, v3  }
0xb1: {  	v3 =	vld [tilespmem:s19+$0x280]  }
0xb2: {  	v0 =	vadd.f32 v1, v0;
	v1 =	vmul.f32 v2, v2  }
0xb3: {  	v2 =	vld [tilespmem:s19+$0x290]  }
0xb4: {  	v0 =	vadd.f32 v1, v0;
	v1 =	vmul.f32 v4, v4  }
0xb5: {  	v4 =	vld [tilespmem:s19+$0x2A0]  }
0xb6: {  	v0 =	vadd.f32 v1, v0;
	v1 =	vmul.f32 v3, v3  }
0xb7: {  	v3 =	vld [tilespmem:s19+$0x2B0]  }
0xb8: {  	v0 =	vadd.f32 v1, v0;
	v1 =	vmul.f32 v2, v2  }
0xb9: {  	v2 =	vld [tilespmem:s19+$0x2C0]  }
0xba: {  	v0 =	vadd.f32 v1, v0;
	v1 =	vmul.f32 v4, v4  }
0xbb: {  	v4 =	vld [tilespmem:s19+$0x2D0]  }
0xbc: {  	v0 =	vadd.f32 v1, v0;
	v1 =	vmul.f32 v3, v3  }
0xbd: {  	v3 =	vld [tilespmem:s19+$0x2E0]  }
0xbe: {  	v0 =	vadd.f32 v1, v0;
	v1 =	vmul.f32 v2, v2  }
0xbf: {  	v2 =	vld [tilespmem:s19+$0x2F0]  }
0xc0: {  	v0 =	vadd.f32 v1, v0;
	v1 =	vmul.f32 v4, v4  }
0xc1: {  	v4 =	vld [tilespmem:s19+$0x300]  }
0xc2: {  	v0 =	vadd.f32 v1, v0;
	v1 =	vmul.f32 v3, v3  }
0xc3: {  	v3 =	vld [tilespmem:s19+$0x310]  }
0xc4: {  	v0 =	vadd.f32 v1, v0;
	v1 =	vmul.f32 v2, v2  }
0xc5: {  	v2 =	vld [tilespmem:s19+$0x320]  }
0xc6: {  	v0 =	vadd.f32 v1, v0;
	v1 =	vmul.f32 v4, v4  }
0xc7: {  	v4 =	vld [tilespmem:s19+$0x330]  }
0xc8: {  	v0 =	vadd.f32 v1, v0;
	v1 =	vmul.f32 v3, v3  }
0xc9: {  	v3 =	vld [tilespmem:s19+$0x340]  }
0xca: {  	v0 =	vadd.f32 v1, v0;
	v1 =	vmul.f32 v2, v2  }
0xcb: {  	v2 =	vld [tilespmem:s19+$0x350]  }
0xcc: {  	v0 =	vadd.f32 v1, v0;
	v1 =	vmul.f32 v4, v4  }
0xcd: {  	v4 =	vld [tilespmem:s19+$0x360]  }
0xce: {  	v0 =	vadd.f32 v1, v0;
	v1 =	vmul.f32 v3, v3  }
0xcf: {  	v3 =	vld [tilespmem:s19+$0x370]  }
0xd0: {  	v0 =	vadd.f32 v1, v0;
	v1 =	vmul.f32 v2, v2  }
0xd1: {  	v2 =	vld [tilespmem:s19+$0x380]  }
0xd2: {  	v0 =	vadd.f32 v1, v0;
	v1 =	vmul.f32 v4, v4  }
0xd3: {  	v4 =	vld [tilespmem:s19+$0x390]  }
0xd4: {  	v0 =	vadd.f32 v1, v0;
	v1 =	vmul.f32 v3, v3  }
0xd5: {  	v3 =	vld [tilespmem:s19+$0x3A0]  }
0xd6: {  	v0 =	vadd.f32 v1, v0;
	v1 =	vmul.f32 v2, v2  }
0xd7: {  	v2 =	vld [tilespmem:s19+$0x3B0]  }
0xd8: {  	v0 =	vadd.f32 v1, v0;
	v1 =	vmul.f32 v4, v4  }
0xd9: {  	v4 =	vld [tilespmem:s19+$0x3C0]  }
0xda: {  	v0 =	vadd.f32 v1, v0;
	v1 =	vmul.f32 v3, v3  }
0xdb: {  	v3 =	vld [tilespmem:s19+$0x3D0]  }
0xdc: {  	v0 =	vadd.f32 v1, v0;
	v1 =	vmul.f32 v2, v2  }
0xdd: {  	v2 =	vld [tilespmem:s19+$0x3E0]  }
0xde: {  	v0 =	vadd.f32 v1, v0;
	v1 =	vmul.f32 v4, v4  }
0xdf: {  	v4 =	vld [tilespmem:s19+$0x3F0]  }
0xe0: {  	v0 =	vadd.f32 v1, v0;
	v1 =	vmul.f32 v3, v3  }
0xe1: {  	v3 =	vld [tilespmem:s19+$0x400]  }
0xe2: {  	v0 =	vadd.f32 v1, v0;
	v1 =	vmul.f32 v2, v2  }
0xe3: {  	v2 =	vld [tilespmem:s19+$0x410]  }
0xe4: {  	v0 =	vadd.f32 v1, v0;
	v1 =	vmul.f32 v4, v4  }
0xe5: {  	v4 =	vld [tilespmem:s19+$0x420]  }
0xe6: {  	v0 =	vadd.f32 v1, v0;
	v1 =	vmul.f32 v3, v3  }
0xe7: {  	v3 =	vld [tilespmem:s19+$0x430]  }
0xe8: {  	v0 =	vadd.f32 v1, v0;
	v1 =	vmul.f32 v2, v2  }
0xe9: {  	v2 =	vld [tilespmem:s19+$0x440]  }
0xea: {  	v0 =	vadd.f32 v1, v0;
	v1 =	vmul.f32 v4, v4  }
0xeb: {  	v4 =	vld [tilespmem:s19+$0x450]  }
0xec: {  	v0 =	vadd.f32 v1, v0;
	v1 =	vmul.f32 v3, v3  }
0xed: {  	v3 =	vld [tilespmem:s19+$0x460]  }
0xee: {  	v0 =	vadd.f32 v1, v0;
	v1 =	vmul.f32 v2, v2  }
0xef: {  	v2 =	vld [tilespmem:s19+$0x470]  }
0xf0: {  	v0 =	vadd.f32 v1, v0;
	v1 =	vmul.f32 v4, v4  }
0xf1: {  	v4 =	vld [tilespmem:s19+$0x480]  }
0xf2: {  	v0 =	vadd.f32 v1, v0;
	v1 =	vmul.f32 v3, v3  }
0xf3: {  	v3 =	vld [tilespmem:s19+$0x490]  }
0xf4: {  	v0 =	vadd.f32 v1, v0;
	v1 =	vmul.f32 v2, v2  }
0xf5: {  	v2 =	vld [tilespmem:s19+$0x4A0]  }
0xf6: {  	v0 =	vadd.f32 v1, v0;
	v1 =	vmul.f32 v4, v4  }
0xf7: {  	v4 =	vld [tilespmem:s19+$0x4B0]  }
0xf8: {  	v0 =	vadd.f32 v1, v0;
	v1 =	vmul.f32 v3, v3  }
0xf9: {  	v3 =	vld [tilespmem:s19+$0x4C0]  }
0xfa: {  	v0 =	vadd.f32 v1, v0;
	v1 =	vmul.f32 v2, v2  }
0xfb: {  	v2 =	vld [tilespmem:s19+$0x4D0]  }
0xfc: {  	v0 =	vadd.f32 v1, v0;
	v1 =	vmul.f32 v4, v4  }
0xfd: {  	v4 =	vld [tilespmem:s19+$0x4E0]  }
0xfe: {  	v0 =	vadd.f32 v1, v0;
	v1 =	vmul.f32 v3, v3  }
0xff: {  	v3 =	vld [tilespmem:s19+$0x4F0]  }
0x100: {  	v0 =	vadd.f32 v1, v0;
	v1 =	vmul.f32 v2, v2  }
0x101: {  	v2 =	vld [tilespmem:s19+$0x500]  }
0x102: {  	v0 =	vadd.f32 v1, v0;
	v1 =	vmul.f32 v4, v4  }
0x103: {  	v4 =	vld [tilespmem:s19+$0x510]  }
0x104: {  	v0 =	vadd.f32 v1, v0;
	v1 =	vmul.f32 v3, v3  }
0x105: {  	v3 =	vld [tilespmem:s19+$0x520]  }
0x106: {  	v0 =	vadd.f32 v1, v0;
	v1 =	vmul.f32 v2, v2  }
0x107: {  	v2 =	vld [tilespmem:s19+$0x530]  }
0x108: {  	v0 =	vadd.f32 v1, v0;
	v1 =	vmul.f32 v4, v4  }
0x109: {  	v4 =	vld [tilespmem:s19+$0x540]  }
0x10a: {  	v0 =	vadd.f32 v1, v0;
	v1 =	vmul.f32 v3, v3  }
0x10b: {  	v3 =	vld [tilespmem:s19+$0x550]  }
0x10c: {  	v0 =	vadd.f32 v1, v0;
	v1 =	vmul.f32 v2, v2  }
0x10d: {  	v2 =	vld [tilespmem:s19+$0x560]  }
0x10e: {  	v0 =	vadd.f32 v1, v0;
	v1 =	vmul.f32 v4, v4  }
0x10f: {  	v4 =	vld [tilespmem:s19+$0x570]  }
0x110: {  	v0 =	vadd.f32 v1, v0;
	v1 =	vmul.f32 v3, v3  }
0x111: {  	v3 =	vld [tilespmem:s19+$0x580]  }
0x112: {  	v0 =	vadd.f32 v1, v0;
	v1 =	vmul.f32 v2, v2  }
0x113: {  	v2 =	vld [tilespmem:s19+$0x590]  }
0x114: {  	v0 =	vadd.f32 v1, v0;
	v1 =	vmul.f32 v4, v4  }
0x115: {  	v4 =	vld [tilespmem:s19+$0x5A0]  }
0x116: {  	v0 =	vadd.f32 v1, v0;
	v1 =	vmul.f32 v3, v3  }
0x117: {  	v3 =	vld [tilespmem:s19+$0x5B0]  }
0x118: {  	v0 =	vadd.f32 v1, v0;
	v1 =	vmul.f32 v2, v2  }
0x119: {  	v2 =	vld [tilespmem:s19+$0x5C0]  }
0x11a: {  	v0 =	vadd.f32 v1, v0;
	v1 =	vmul.f32 v4, v4  }
0x11b: {  	v4 =	vld [tilespmem:s19+$0x5D0]  }
.Ltmp0:
0x11c: {  	v0 =	vadd.f32 v1, v0;
	v3 =	vmul.f32 v3, v3;
	(pc) =	sbr.rel @p0 .LBB2_2-.Ltmp0, $4  }
0x11d: {  	v1 =	vld [tilespmem:s19+$0x5E0]  }
0x11e: {  	v3 =	vadd.f32 v3, v0;
	v2 =	vmul.f32 v2, v2  }
0x11f: {  	v0 =	vld [tilespmem:s19+$0x5F0]  }
0x120: {  	s19 =	sshra.s32 s20, $0x2;
	s20 =	sadd.s32 $0x1000, s20;
	v2 =	vadd.f32 v2, v3;
	v3 =	vmul.f32 v4, v4  }
0x121: {  	v4 =	vld [tilespmem:s19+$0x200]  }
0x122: {  	v2 =	vadd.f32 v3, v2;
	v1 =	vmul.f32 v1, v1  }
0x123: {  	v52 =	vld [tilespmem:s19+$0x210]  }
0x124: {  	v1 =	vadd.f32 v1, v2;
	v0 =	vmul.f32 v0, v0  }
0x125: {  	v53 =	vld [tilespmem:s19+$0x220]  }
0x126: {  	v4 =	vmul.f32 v4, v4;
	v0 =	vadd.f32 v0, v1  }
0x127: {  	v54 =	vld [tilespmem:s19+$0x230]  }
0x128: {  	v3 =	vmul.f32 v52, v52;
	v0 =	vadd.f32 v4, v0  }
0x129: {  	v55 =	vld [tilespmem:s19+$0x240]  }
0x12a: {  	v2 =	vmul.f32 v53, v53;
	v0 =	vadd.f32 v3, v0  }
0x12b: {  	v56 =	vld [tilespmem:s19+$0x250]  }
0x12c: {  	v1 =	vmul.f32 v54, v54;
	v0 =	vadd.f32 v2, v0  }
0x12d: {  	v57 =	vld [tilespmem:s19+$0x260]  }
0x12e: {  	v58 =	vmul.f32 v55, v55;
	v0 =	vadd.f32 v1, v0  }
0x12f: {  	v59 =	vld [tilespmem:s19+$0x270]  }
0x130: {  	v60 =	vmul.f32 v56, v56;
	v0 =	vadd.f32 v58, v0  }
0x131: {  	v61 =	vld [tilespmem:s19+$0x280]  }
0x132: {  	v62 =	vmul.f32 v57, v57;
	v0 =	vadd.f32 v60, v0  }
0x133: {  	v63 =	vld [tilespmem:s19+$0x290]  }
0x134: {  	v8 =	vmul.f32 v59, v59;
	v0 =	vadd.f32 v62, v0  }
0x135: {  	v9 =	vld [tilespmem:s19+$0x2A0]  }
0x136: {  	v10 =	vmul.f32 v61, v61;
	v0 =	vadd.f32 v8, v0  }
0x137: {  	v11 =	vld [tilespmem:s19+$0x2B0]  }
0x138: {  	v12 =	vmul.f32 v63, v63;
	v0 =	vadd.f32 v10, v0  }
0x139: {  	v13 =	vld [tilespmem:s19+$0x2C0]  }
0x13a: {  	v14 =	vmul.f32 v9, v9;
	v0 =	vadd.f32 v12, v0  }
0x13b: {  	v15 =	vld [tilespmem:s19+$0x2D0]  }
0x13c: {  	v16 =	vmul.f32 v11, v11;
	v0 =	vadd.f32 v14, v0  }
0x13d: {  	v17 =	vld [tilespmem:s19+$0x2E0]  }
0x13e: {  	v18 =	vmul.f32 v13, v13;
	v0 =	vadd.f32 v16, v0  }
0x13f: {  	v19 =	vld [tilespmem:s19+$0x2F0]  }
0x140: {  	v20 =	vmul.f32 v15, v15;
	v0 =	vadd.f32 v18, v0  }
0x141: {  	v21 =	vld [tilespmem:s19+$0x300]  }
0x142: {  	v22 =	vmul.f32 v17, v17;
	v0 =	vadd.f32 v20, v0  }
0x143: {  	v23 =	vld [tilespmem:s19+$0x310]  }
0x144: {  	v24 =	vmul.f32 v19, v19;
	v0 =	vadd.f32 v22, v0  }
0x145: {  	v25 =	vld [tilespmem:s19+$0x320]  }
0x146: {  	v26 =	vmul.f32 v21, v21;
	v0 =	vadd.f32 v24, v0  }
0x147: {  	v27 =	vld [tilespmem:s19+$0x330]  }
0x148: {  	v28 =	vmul.f32 v23, v23;
	v0 =	vadd.f32 v26, v0  }
0x149: {  	v29 =	vld [tilespmem:s19+$0x340]  }
0x14a: {  	v30 =	vmul.f32 v25, v25;
	v0 =	vadd.f32 v28, v0  }
0x14b: {  	v31 =	vld [tilespmem:s19+$0x350]  }
0x14c: {  	v32 =	vmul.f32 v27, v27;
	v0 =	vadd.f32 v30, v0  }
0x14d: {  	v33 =	vld [tilespmem:s19+$0x360]  }
0x14e: {  	v34 =	vmul.f32 v29, v29;
	v0 =	vadd.f32 v32, v0  }
0x14f: {  	v35 =	vld [tilespmem:s19+$0x370]  }
0x150: {  	v36 =	vmul.f32 v31, v31;
	v0 =	vadd.f32 v34, v0  }
0x151: {  	v37 =	vld [tilespmem:s19+$0x380]  }
0x152: {  	v38 =	vmul.f32 v33, v33;
	v0 =	vadd.f32 v36, v0  }
0x153: {  	v39 =	vld [tilespmem:s19+$0x390]  }
0x154: {  	v40 =	vmul.f32 v35, v35;
	v0 =	vadd.f32 v38, v0  }
0x155: {  	v41 =	vld [tilespmem:s19+$0x3A0]  }
0x156: {  	v42 =	vmul.f32 v37, v37;
	v0 =	vadd.f32 v40, v0  }
0x157: {  	v43 =	vld [tilespmem:s19+$0x3B0]  }
0x158: {  	v44 =	vmul.f32 v39, v39;
	v0 =	vadd.f32 v42, v0  }
0x159: {  	v45 =	vld [tilespmem:s19+$0x3C0]  }
0x15a: {  	v46 =	vmul.f32 v41, v41;
	v0 =	vadd.f32 v44, v0  }
0x15b: {  	v47 =	vld [tilespmem:s19+$0x3D0]  }
0x15c: {  	v48 =	vmul.f32 v43, v43;
	v0 =	vadd.f32 v46, v0  }
0x15d: {  	v49 =	vld [tilespmem:s19+$0x3E0]  }
0x15e: {  	v50 =	vmul.f32 v45, v45;
	v0 =	vadd.f32 v48, v0  }
0x15f: {  	v51 =	vld [tilespmem:s19+$0x3F0]  }
0x160: {  	v52 =	vmul.f32 v47, v47;
	v0 =	vadd.f32 v50, v0  }
0x161: {  	v53 =	vld [tilespmem:s19+$0x400]  }
0x162: {  	v54 =	vmul.f32 v49, v49;
	v0 =	vadd.f32 v52, v0  }
0x163: {  	v55 =	vld [tilespmem:s19+$0x410]  }
0x164: {  	v56 =	vmul.f32 v51, v51;
	v0 =	vadd.f32 v54, v0  }
0x165: {  	v57 =	vld [tilespmem:s19+$0x420]  }
0x166: {  	v58 =	vmul.f32 v53, v53;
	v0 =	vadd.f32 v56, v0  }
0x167: {  	v59 =	vld [tilespmem:s19+$0x430]  }
0x168: {  	v60 =	vmul.f32 v55, v55;
	v0 =	vadd.f32 v58, v0  }
0x169: {  	v61 =	vld [tilespmem:s19+$0x440]  }
0x16a: {  	v62 =	vmul.f32 v57, v57;
	v0 =	vadd.f32 v60, v0  }
0x16b: {  	v63 =	vld [tilespmem:s19+$0x450]  }
0x16c: {  	v8 =	vmul.f32 v59, v59;
	v0 =	vadd.f32 v62, v0  }
0x16d: {  	v9 =	vld [tilespmem:s19+$0x460]  }
0x16e: {  	v10 =	vmul.f32 v61, v61;
	v0 =	vadd.f32 v8, v0  }
0x16f: {  	v11 =	vld [tilespmem:s19+$0x470]  }
0x170: {  	v12 =	vmul.f32 v63, v63;
	v0 =	vadd.f32 v10, v0  }
0x171: {  	v13 =	vld [tilespmem:s19+$0x480]  }
0x172: {  	v14 =	vmul.f32 v9, v9;
	v0 =	vadd.f32 v12, v0  }
0x173: {  	v15 =	vld [tilespmem:s19+$0x490]  }
0x174: {  	v16 =	vmul.f32 v11, v11;
	v0 =	vadd.f32 v14, v0  }
0x175: {  	v17 =	vld [tilespmem:s19+$0x4A0]  }
0x176: {  	v18 =	vmul.f32 v13, v13;
	v0 =	vadd.f32 v16, v0  }
0x177: {  	v19 =	vld [tilespmem:s19+$0x4B0]  }
0x178: {  	v20 =	vmul.f32 v15, v15;
	v0 =	vadd.f32 v18, v0  }
0x179: {  	v21 =	vld [tilespmem:s19+$0x4C0]  }
0x17a: {  	v22 =	vmul.f32 v17, v17;
	v0 =	vadd.f32 v20, v0  }
0x17b: {  	v23 =	vld [tilespmem:s19+$0x4D0]  }
0x17c: {  	v24 =	vmul.f32 v19, v19;
	v0 =	vadd.f32 v22, v0  }
0x17d: {  	v25 =	vld [tilespmem:s19+$0x4E0]  }
0x17e: {  	v26 =	vmul.f32 v21, v21;
	v0 =	vadd.f32 v24, v0  }
0x17f: {  	v27 =	vld [tilespmem:s19+$0x4F0]  }
0x180: {  	v28 =	vmul.f32 v23, v23;
	v0 =	vadd.f32 v26, v0  }
0x181: {  	v29 =	vld [tilespmem:s19+$0x500]  }
0x182: {  	v30 =	vmul.f32 v25, v25;
	v0 =	vadd.f32 v28, v0  }
0x183: {  	v31 =	vld [tilespmem:s19+$0x510]  }
0x184: {  	v32 =	vmul.f32 v27, v27;
	v0 =	vadd.f32 v30, v0  }
0x185: {  	v33 =	vld [tilespmem:s19+$0x520]  }
0x186: {  	v34 =	vmul.f32 v29, v29;
	v0 =	vadd.f32 v32, v0  }
0x187: {  	v35 =	vld [tilespmem:s19+$0x530]  }
0x188: {  	v36 =	vmul.f32 v31, v31;
	v0 =	vadd.f32 v34, v0  }
0x189: {  	v37 =	vld [tilespmem:s19+$0x540]  }
0x18a: {  	v38 =	vmul.f32 v33, v33;
	v0 =	vadd.f32 v36, v0  }
0x18b: {  	v39 =	vld [tilespmem:s19+$0x550]  }
0x18c: {  	v40 =	vmul.f32 v35, v35;
	v0 =	vadd.f32 v38, v0  }
0x18d: {  	v41 =	vld [tilespmem:s19+$0x560]  }
0x18e: {  	v42 =	vmul.f32 v37, v37;
	v0 =	vadd.f32 v40, v0  }
0x18f: {  	v43 =	vld [tilespmem:s19+$0x570]  }
0x190: {  	v44 =	vmul.f32 v39, v39;
	v0 =	vadd.f32 v42, v0  }
0x191: {  	v45 =	vld [tilespmem:s19+$0x580]  }
0x192: {  	v46 =	vmul.f32 v41, v41;
	v0 =	vadd.f32 v44, v0  }
0x193: {  	v47 =	vld [tilespmem:s19+$0x590]  }
0x194: {  	v48 =	vmul.f32 v43, v43;
	v0 =	vadd.f32 v46, v0  }
0x195: {  	v49 =	vld [tilespmem:s19+$0x5A0]  }
0x196: {  	v50 =	vmul.f32 v45, v45;
	v0 =	vadd.f32 v48, v0  }
0x197: {  	v51 =	vld [tilespmem:s19+$0x5B0]  }
0x198: {  	v52 =	vmul.f32 v47, v47;
	v0 =	vadd.f32 v50, v0  }
0x199: {  	v53 =	vld [tilespmem:s19+$0x5C0]  }
0x19a: {  	v54 =	vmul.f32 v49, v49;
	v0 =	vadd.f32 v52, v0  }
0x19b: {  	v55 =	vld [tilespmem:s19+$0x5D0]  }
0x19c: {  	v56 =	vmul.f32 v51, v51;
	v0 =	vadd.f32 v54, v0  }
0x19d: {  	v57 =	vld [tilespmem:s19+$0x5E0]  }
0x19e: {  	v58 =	vmul.f32 v53, v53;
	v0 =	vadd.f32 v56, v0  }
0x19f: {  	v59 =	vld [tilespmem:s19+$0x5F0]  }
0x1a0: {  	v60 =	vmul.f32 v55, v55;
	v0 =	vadd.f32 v58, v0;
	_ =	sdelay $0x1  }
0x1a1: {  	v61 =	vmul.f32 v57, v57;
	v0 =	vadd.f32 v60, v0;
	_ =	sdelay $0x1  }
0x1a2: {  	v62 =	vmul.f32 v59, v59;
	v0 =	vadd.f32 v61, v0;
	_ =	sdelay $0x1  }
0x1a3: {  	v0 =	vadd.f32 v62, v0;
	_ =	sdelay $0x1  }
0x1a4: {  	(xrf2) =	vadd.scan.msk.f32 $0xffff, v0;
	_ =	sdelay $0x9  }
0x1a5: {  	v0, _, _ =	vpop (xrf2)  }
0x1a6: {  	(v2sf) =	vpush v0, $0xF;
	_ =	sdelay $0xd  }
0x1a7: {  	[hbm4b:s5+s2] =	stream.linear.scatter [tilespmem:s10], [sflag:$0x2], $0x8000, $0x38;
	[tilespmem:$0x8210] =	vst v63  }
0x1a8: {  	s31 =	spop (v2sf)  }
0x1a9: {  	s19 =	smul.f32 $9.536743610e-10, s31  }
0x1aa: {  	_ =	swait.ge [sflag:s8], $0x8000  }
0x1ab: {  	s18 =	sadd.s32 $0x1, s18;
	[sflag:s8] =	ssyncset.done $0x0;
	v63 =	vmov s19  }
0x1ac: {  	p0 =	sne.s32 s18, s7;
	[sflag:s8] =	ssyncadd.s32 $0xFFFF8000;
	v0 =	vnsel vm0, $0x0, v63  }
.Ltmp1:
0x1ad: {  	[tilespmem:$0x8200] =	vst v0;
	(pc) =	sbr.rel @p0 .LBB2_1-.Ltmp1, $4  }
0x1ae: {  	[hbm4b:s6+s2] =	stream.linear.scatter [tilespmem:s17], [sflag:$0x2], $0x10, $0x38;
	[tilespmem:$0x8210] =	vst v63  }
0x1af: {  	_ =	swait.ge [sflag:s8], $0x10  }
0x1b0: {  	[sflag:s8] =	ssyncset.done $0x0  }
0x1b1: {  	[sflag:s8] =	ssyncadd.s32 $0xFFFFFFF0  }
0x1b2: {  	_ =	sfence.sel $0x180000  }
0x1b3: {  	[bflag:$0x0] =	sbarrier.arrive $0xFFFF  }
0x1b4: {  	p0 =	sne.s32 s1, $0x0;
	_ =	strace $0x90000047  }
0x1b5: {  	s0 =	sadd.s32 @!p0 $0x100000, s0;
	[bflag:$0x2] =	sbarrier.arrive $0xFFFF  }
0x1b6: {  	[sflag:s0] =	ssyncadd.tile.s32 @!p0 $0x1;
	_ =	shalt  }
.Lfunc_end2:
_tile_overlayer_lowered:
.L_overlay_start_2:
0x1b7: {  	(tag) =	ssettag $0x2  }
0x1b8: {  	s0 =	rddreg [dreg:$0x0];
	s2 =	stileid.u32  }
0x1b9: {  	s1 =	rddreg [dreg:$0x1];
	p0 =	sne.s32 s2, $0x0  }
0x1ba: {  	s3 =	rddreg [dreg:$0x2];
	[bflag:$0x3] =	sbarrier.arrive $0xFFFF;
	s2 =	simm.s32 @!p0 $0x1C02  }
0x1bb: {  	[timem:s3], [sflag:s2] =	dma.local @!p0 [hbm:s0], s1  }
0x1bc: {  	s0 =	simm.s32 @!p0 $0x2  }
0x1bd: {  	_ =	swait.ge @!p0 [sflag:s0], s1  }
0x1be: {  	s1 =	ssub.s32 @!p0 $0x0, s1;
	[sflag:s0] =	ssyncset.done @!p0 $0x0  }
0x1bf: {  	[sflag:s0] =	ssyncadd.s32 @!p0 s1  }
0x1c0: {  	[bflag:$0x3] =	sbarrier.arrive $0xFFFF  }
0x1c1: {  	_ =	shalt  }

// kernel: kernel.7.cloned.1.call-start
scs
__scs_entry_jumppad:
0x0: {  	(pc) =	sbr.rel $0x88, $3  }
0x1: {  	(tag) =	ssettag $0x0;
	lr =	simm.s32 $0x1  }
0x2: {  	[smem:$0x3F9C] =	sst lr;
	_ =	strace $0xD0000000  }
0x3: {  	_ = 	snop  }
0x4: {  	_ = 	snop  }
0x5: {  	_ = 	snop  }
0x6: {  	_ = 	snop  }
0x7: {  	_ = 	snop  }
__scs_overlays_trampoline_lowered:
0x8: {  	[smem:$0x3FAB] =	sst s0  }
0x9: {  	[smem:$0x3FAC] =	sst s1  }
0xa: {  	[smem:$0x3FAD] =	sst s2  }
0xb: {  	[smem:$0x3FAE] =	sst s3  }
0xc: {  	[smem:$0x3FAF] =	sst s4  }
0xd: {  	[smem:$0x3FB0] =	sst s5  }
0xe: {  	[smem:$0x3FB1] =	sst s6  }
0xf: {  	[smem:$0x3FB2] =	sst s7  }
0x10: {  	[smem:$0x3FB3] =	sst s8  }
0x11: {  	[smem:$0x3FB4] =	sst s9;
	s0 =	simm.s32 @!p0 $0x0  }
0x12: {  	s1 =	sld [smem:$0x3F9A];
	s0 =	simm.s32 @p0 $0x1  }
0x13: {  	[smem:$0x3FB5] =	sst s0;
	s0 =	simm.s32 @!p1 $0x0  }
0x14: {  	s2 =	sld [smem:$0x3F99];
	s0 =	simm.s32 @p1 $0x1  }
0x15: {  	[smem:$0x3FB6] =	sst s0;
	s0 =	simm.s32 @!p2 $0x0  }
0x16: {  	s3 =	sld [smem:$0x3FDB];
	s0 =	simm.s32 @p2 $0x1  }
0x17: {  	s4 =	simm.s32 $0x1BF5;
	[smem:$0x3FB8] =	sst s0  }
0x18: {  	s0 =	sld [smem:$0x3F9B];
	_ =	swait.ge [sflag:s4], $0x0  }
0x19: {  	s7 =	sld [smem:$0x3F9C]  }
0x1a: {  	s8 =	sadd.s32 $0xFFFFE003, lr  }
0x1b: {  	s9 =	sadd.s32 $0xFFFFFEF7, lr;
	s5 =	simm.s32 $0xFFFFFFFF;
	p2 =	slt.u32 s8, $0xFFFFF086  }
0x1c: {  	p1 =	slt.u32 s9, $0xF7A;
	s5 =	simm.s32 @!p2 $0x0  }
0x1d: {  	s5 =	simm.s32 @p1 $0x1;
	p0 =	seq.s32 s7, s2  }
0x1e: {  	s7 =	smul.u32 @!p0 $0xF7A, s2;
	p2 =	seq.s32 @!p0 s5, $0x0  }
0x1f: {  	s9 =	smul.u32 $0xF7A, s1;
	s8 =	simm.s32 @!p0 $0x1BF5;
	p2 =	por !p2, p0  }
0x20: {  	[sflag:s8] =	ssyncset.s32 @!p0 $0xFFFFF086;
	s6 =	sadd.s32 @!p0 s3, s7;
	s7 =	simm.s32 @!p0 $0x108  }
0x21: {  	s3 =	sadd.s32 s3, s9;
	s6 =	sadd.s32 @!p0 $0x88, s6;
	s7 =	simm.s32 @p2 $0x1082  }
0x22: {  	[simem:s7], [sflag:s8] =	dma.local @!p0 [hbm:s6], $0xF7A  }
0x23: {  	s9 =	sor.u32 $0xD0000000, s2;
	s6 =	simm.s32 $0x108;
	_ =	swait.ge @!p0 [sflag:s8], $0x0  }
0x24: {  	s3 =	sadd.s32 $0x88, s3;
	s6 =	simm.s32 @!p1 $0x1082;
	[sflag:s4] =	ssyncset.s32 $0xFFFFF086  }
0x25: {  	[simem:s6], [sflag:s4] =	dma.local [hbm:s3], $0xF7A  }
0x26: {  	[smem:$0x3F9C] =	sst s1;
	(tag) =	ssettag s2;
	_ =	strace s9  }
0x27: {  	s1 =	sld [smem:$0x3FAC]  }
0x28: {  	s2 =	sld [smem:$0x3FAD]  }
0x29: {  	s4 =	sld [smem:$0x3FAF]  }
0x2a: {  	p0 =	seq.s32 s5, $0x0;
	s5 =	sld [smem:$0x3FB0]  }
0x2b: {  	s6 =	sld [smem:$0x3FB1]  }
0x2c: {  	s7 =	sld [smem:$0x3FB2]  }
0x2d: {  	s3 =	simm.s32 $0x108;
	s8 =	sld [smem:$0x3FB3]  }
0x2e: {  	s3 =	simm.s32 @!p0 $0x1082;
	s9 =	sld [smem:$0x3FB4]  }
0x2f: {  	lr =	sadd.s32 s0, s3;
	s0 =	sld [smem:$0x3FAB]  }
0x30: {  	s3 =	sld [smem:$0x3FAE]  }
0x31: {  	[smem:$0x3FB7] =	sst s10  }
0x32: {  	s10 =	sld [smem:$0x3FB5];
	_ =	sdelay $0x3  }
0x33: {  	p0 =	seq.s32 s10, $0x1;
	s10 =	sld [smem:$0x3FB7];
	_ =	sdelay $0x3  }
0x34: {  	[smem:$0x3FB7] =	sst s10  }
0x35: {  	s10 =	sld [smem:$0x3FB6];
	_ =	sdelay $0x3  }
0x36: {  	p1 =	seq.s32 s10, $0x1;
	s10 =	sld [smem:$0x3FB7];
	_ =	sdelay $0x3  }
0x37: {  	[smem:$0x3FB7] =	sst s10  }
0x38: {  	s10 =	sld [smem:$0x3FB8]  }
0x39: {  	_ = 	snop;
	(pc) =	sbr.ind lr, $3  }
0x3a: {  	_ = 	snop  }
0x3b: {  	_ = 	snop  }
0x3c: {  	p2 =	seq.s32 s10, $0x1;
	s10 =	sld [smem:$0x3FB7]  }
0x3d: {  	_ =	shalt  }
0x3e: {  	_ =	shalt  }
0x3f: {  	_ =	shalt  }
0x40: {  	_ =	shalt  }
0x41: {  	_ =	shalt  }
0x42: {  	_ =	shalt  }
0x43: {  	_ =	shalt  }
0x44: {  	_ =	shalt  }
0x45: {  	_ =	shalt  }
0x46: {  	_ =	shalt  }
0x47: {  	_ =	shalt  }
0x48: {  	_ =	shalt  }
0x49: {  	_ =	shalt  }
0x4a: {  	_ =	shalt  }
0x4b: {  	_ =	shalt  }
0x4c: {  	_ =	shalt  }
0x4d: {  	_ =	shalt  }
0x4e: {  	_ =	shalt  }
0x4f: {  	_ =	shalt  }
0x50: {  	_ =	shalt  }
0x51: {  	_ =	shalt  }
0x52: {  	_ =	shalt  }
0x53: {  	_ =	shalt  }
0x54: {  	_ =	shalt  }
0x55: {  	_ =	shalt  }
0x56: {  	_ =	shalt  }
0x57: {  	_ =	shalt  }
0x58: {  	_ =	shalt  }
0x59: {  	_ =	shalt  }
0x5a: {  	_ =	shalt  }
0x5b: {  	_ =	shalt  }
0x5c: {  	_ =	shalt  }
0x5d: {  	_ =	shalt  }
0x5e: {  	_ =	shalt  }
0x5f: {  	_ =	shalt  }
0x60: {  	_ =	shalt  }
0x61: {  	_ =	shalt  }
0x62: {  	_ =	shalt  }
0x63: {  	_ =	shalt  }
0x64: {  	_ =	shalt  }
0x65: {  	_ =	shalt  }
0x66: {  	_ =	shalt  }
0x67: {  	_ =	shalt  }
0x68: {  	_ =	shalt  }
0x69: {  	_ =	shalt  }
0x6a: {  	_ =	shalt  }
0x6b: {  	_ =	shalt  }
0x6c: {  	_ =	shalt  }
0x6d: {  	_ =	shalt  }
0x6e: {  	_ =	shalt  }
0x6f: {  	_ =	shalt  }
0x70: {  	_ =	shalt  }
0x71: {  	_ =	shalt  }
0x72: {  	_ =	shalt  }
0x73: {  	_ =	shalt  }
0x74: {  	_ =	shalt  }
0x75: {  	_ =	shalt  }
0x76: {  	_ =	shalt  }
0x77: {  	_ =	shalt  }
0x78: {  	_ =	shalt  }
0x79: {  	_ =	shalt  }
0x7a: {  	_ =	shalt  }
0x7b: {  	_ =	shalt  }
0x7c: {  	_ =	shalt  }
0x7d: {  	_ =	shalt  }
0x7e: {  	_ =	shalt  }
0x7f: {  	_ =	shalt  }
0x80: {  	_ =	shalt  }
0x81: {  	_ =	shalt  }
0x82: {  	_ =	shalt  }
0x83: {  	_ =	shalt  }
0x84: {  	_ =	shalt  }
0x85: {  	_ =	shalt  }
0x86: {  	_ =	shalt  }
0x87: {  	_ =	shalt  }
.Lfunc_end0:
.L_simem_size_0:
called_computation.1_lowered:
.L_overlay_start_0:
0x88: {  	s2 =	sld [smem:$0x3FD9]  }
0x89: {  	s3 =	sld [smem:$0x3FFE];
	_ =	sdelay $0x1  }
0x8a: {  	s1 =	srdreg.scid  }
0x8b: {  	s0 =	sand.u32 $0x1, s1  }
0x8c: {  	s17 =	sshll.u32 s0, $0xA;
	s2 =	sadd.s32 s3, s2  }
0x8d: {  	s2 =	sadd.s32 s2, s17  }
0x8e: {  	[smem:$0x3FC3] =	sst s2  }
0x8f: {  	_ = 	snop  }
0x90: {  	s2 =	sld [smem:$0x3FC8]  }
0x91: {  	s18 =	sld [smem:$0x3FC7];
	(tm) =	ssettm $0x1  }
0x92: {  	s4 =	sld [smem:$0x3FFB];
	_ =	sdelay $0x3  }
0x93: {  	_ =	strace s4  }
0x94: {  	s4 =	sld [smem:$0x3FFC];
	_ =	sdelay $0x3  }
0x95: {  	_ =	strace s4  }
0x96: {  	s4 =	sld [smem:$0x3FFD];
	_ =	sdelay $0x3  }
0x97: {  	_ =	strace s4  }
0x98: {  	_ =	strace $0x8FFFFFFF  }
0x99: {  	s19 =	sld [smem:$0x3FDB];
	_ =	sdelay $0x1  }
0x9a: {  	s5 =	simm.s32 $_scs_section_size  }
0x9b: {  	s6 =	simm.s32 $_size__tile_overlayer_lowered;
	s7 =	simm.s32 $_tile_overlayer_lowered  }
0x9c: {  	s22 =	simm.s32 $0x1BFF;
	s21 =	sshll.u32 s7, $0x1;
	s4 =	sadd.s32 s5, s19  }
0x9d: {  	s8 =	simm.s32 $0x0;
	s20 =	sshll.u32 s6, $0x1;
	s6 =	sadd.s32 s21, s4  }
0x9e: {  	[timem:s8], [sflag:s22] =	dma.local [hbm:s6], s20  }
0x9f: {  	_ =	swait.ge [sflag:s22], s20  }
0xa0: {  	s5 =	ssub.s32 $0x0, s20;
	[sflag:s22] =	ssyncset.done $0x0  }
0xa1: {  	[sflag:s22] =	ssyncadd.s32 s5;
	_ =	sdelay $0x1  }
0xa2: {  	s23 =	simm.s32 $0x1B8B  }
0xa3: {  	_ =	swait.ge [sflag:s23], $0x1  }
0xa4: {  	[sflag:s23] =	ssyncset.done $0x0  }
0xa5: {  	s25 =	simm.s32 $0x1B8E;
	s24 =	sld [smem:$0x3FFE];
	[sflag:s23] =	ssyncadd.s32 $0xFFFFFFFF  }
0xa6: {  	s26 =	simm.s32 $execute0_lowered;
	[smem:$0x3FD2] =	sst s25  }
0xa7: {  	s6 =	sshll.u32 s26, $0x1;
	_ =	strace $0x80000049;
	[dreg:$0x1] =	wrdreg $0xFFFFFFFF  }
0xa8: {  	s28 =	simm.s32 $_size_execute0_lowered;
	s4 =	sadd.s32 s4, s6;
	[dreg:$0x0] =	wrdreg $0x0  }
0xa9: {  	s6 =	sshll.u32 s28, $0x1;
	[dreg:$0x2] =	wrdreg s4  }
0xaa: {  	[dreg:$0x3] =	wrdreg s6  }
0xab: {  	[dreg:$0x4] =	wrdreg $0xC0  }
0xac: {  	_ =	task [dreg:s8], $0x5FFFF  }
0xad: {  	[dreg:$0x1] =	wrdreg $0xFFFFFFFF  }
0xae: {  	[dreg:$0x0] =	wrdreg $0x60  }
0xaf: {  	[dreg:$0x2] =	wrdreg s2  }
0xb0: {  	[dreg:$0x3] =	wrdreg s18  }
0xb1: {  	[dreg:$0x4] =	wrdreg s24  }
0xb2: {  	[dreg:$0x5] =	wrdreg $0x9  }
0xb3: {  	_ =	task.clear_ibuf [dreg:s8], $0x6FFFF;
	_ =	strace $0x90000049  }
0xb4: {  	s29 =	simm.s32 $0x9;
	_ =	strace $0x8000004B  }
0xb5: {  	_ =	swait.ge [sflag:s29], $0x1  }
0xb6: {  	[sflag:s29] =	ssyncadd.s32 $0xFFFFFFFF  }
0xb7: {  	_ =	strace $0x9000004B  }
0xb8: {  	_ =	sfence  }
0xb9: {  	s30 =	sld [smem:$0x0];
	_ =	sdelay $0x2  }
0xba: {  	s31 =	sshll.u32 s1, $0xD;
	s1 =	sshrl.u32 s1, $0x2  }
0xbb: {  	s3 =	sand.u32 $0x4000, s31;
	s1 =	sadd.s32 s1, s30  }
0xbc: {  	s0 =	sor.u32 s3, s0;
	s1 =	sshll.u32 s1, $0x11  }
0xbd: {  	s0 =	sor.u32 s1, s0  }
0xbe: {  	s0 =	sadd.s32 $0x8F2B, s0  }
0xbf: {  	[sflag:s0] =	ssyncadd.remote.s32 $0x1  }
0xc0: {  	_ =	sfence.sel $0xFFFF  }
0xc1: {  	[dreg:$0x0] =	wrdreg $0xFFFFFFFF;
	(pc) =	sbr.abs _section_cstart, $3  }
0xc2: {  	[dreg:$0x1] =	wrdreg $0xFFFFFFFF  }
0xc3: {  	_ =	task.clear_ibuf [dreg:s8], $0x2FFFF;
	_ =	strace $0x9FFFFFFF  }
0xc4: {  	(tm) =	ssettm $0x7FFFFFFF  }
0xc5: {  	_ =	shalt  }
tec
execute0_lowered:
.L_overlay_start_1:
0x0: {  	(tag) =	ssettag $0x1  }
0x1: {  	s0 =	rddreg [dreg:$0x0]  }
0x2: {  	s1 =	rddreg [dreg:$0x1]  }
0x3: {  	s4 =	rddreg [dreg:$0x2];
	s3 =	srdreg.scid  }
0x4: {  	s6 =	stileid.u32;
	s2 =	simm.s32 $0x0;
	s11 =	simm.s32 $0x80  }
0x5: {  	s18 =	simm.s32 $0x1;
	s20 =	simm.s32 $0x0;
	s5 =	sand.u32 $0x1, s3  }
0x6: {  	s29 =	sshll.u32 s6, $0x1;
	[smem:$0x7FF] =	sst s2;
	s3 =	sadd.s32 $0x21E00, s4  }
0x7: {  	s6 =	sor.u32 s5, s29;
	_ =	strace $0x8000004A;
	s5 =	ssub.s32 $0x2, s5  }
0x8: {  	s7 =	sshll.u32 s6, $0xC;
	s8 =	sshll.u32 s6, $0x1;
	s30 =	sshrl.u32 s5, $0x1  }
0x9: {  	s6 =	sshll.u32 s6, $0x6;
	s7 =	sadd.s32 s7, s4;
	s8 =	sadd.s32 s8, s4  }
0xa: {  	s9 =	ssub.s32 s5, s30;
	s0 =	sadd.s32 s0, s6;
	s6 =	sadd.s32 s1, s6  }
0xb: {  	[dreg:$0x4] =	wrdreg s0;
	s31 =	sadd.s32 $0x1E00, s7;
	s7 =	sadd.s32 $0xE5400, s8  }
0xc: {  	vm0 =	vcmask $0x300;
	vm1 =	vcmask $0x704;
	s8 =	smax.u32 s9, $0x1;
	s9 =	simm.s32 $0x2;
	[dreg:$0x5] =	wrdreg s31  }
.LBB2_1:
0xd: {  	s0 =	rddreg [dreg:$0x4]  }
0xe: {  	[tilespmem:s2], [sflag:$0x2] =	stream.linear.gather [hbm4b:s0+s2], $0x200, $0x38;
	[tilespmem:$0x10410] =	vst v63  }
0xf: {  	_ =	swait.ge [sflag:s9], $0x200  }
0x10: {  	[sflag:s9] =	ssyncset.done $0x0  }
0x11: {  	s1 =	simm.s32 $0x8200;
	s24 =	rddreg [dreg:$0x5];
	[sflag:s9] =	ssyncadd.s32 $0xFFFFFE00  }
0x12: {  	[tilespmem:s1], [sflag:$0x1] =	stream.linear.gather [hbm4b:s24+s2], $0x8000, $0x38;
	[tilespmem:$0x10410] =	vst v63  }
0x13: {  	s25 =	simm.s32 $0x200  }
0x14: {  	[tilespmem:s25], [sflag:$0x1] =	stream.indirect.gather [hbm4b:s3+s11], $0x40, s2, s11, $0xb8;
	[tilespmem:$0x10410] =	vst v63  }
0x15: {  	s26 =	simm.s32 $0x2200  }
0x16: {  	[tilespmem:s26], [sflag:$0x1] =	stream.indirect.gather [hbm4b:s3+s11], $0x40, s11, s11, $0xb8;
	[tilespmem:$0x10410] =	vst v63  }
0x17: {  	s28 =	simm.s32 $0x100;
	s29 =	simm.s32 $0x4200  }
0x18: {  	[tilespmem:s29], [sflag:$0x1] =	stream.indirect.gather [hbm4b:s3+s11], $0x40, s28, s11, $0xb8;
	[tilespmem:$0x10410] =	vst v63  }
0x19: {  	s30 =	simm.s32 $0x180;
	s31 =	simm.s32 $0x6200  }
0x1a: {  	[tilespmem:s31], [sflag:$0x1] =	stream.indirect.gather [hbm4b:s3+s11], $0x40, s30, s11, $0xb8;
	[tilespmem:$0x10410] =	vst v63  }
0x1b: {  	s0 =	simm.s32 $0x10200  }
0x1c: {  	[tilespmem:s0], [sflag:$0x2] =	stream.linear.gather [hbm4b:s6+s2], $0x200, $0x38;
	[tilespmem:$0x10410] =	vst v63  }
0x1d: {  	_ =	swait.ge [sflag:s9], $0x200  }
0x1e: {  	[sflag:s9] =	ssyncset.done $0x0  }
0x1f: {  	[sflag:s9] =	ssyncadd.s32 $0xFFFFFE00  }
0x20: {  	_ =	swait.ge [sflag:s18], $0x8000  }
0x21: {  	[sflag:s18] =	ssyncset.done $0x0  }
0x22: {  	[sflag:s18] =	ssyncadd.s32 $0xFFFF8000  }
0x23: {  	_ =	swait.ge [sflag:s18], $0x2000  }
0x24: {  	[sflag:s18] =	ssyncset.done $0x0  }
0x25: {  	[sflag:s18] =	ssyncadd.s32 $0xFFFFE000  }
0x26: {  	_ =	swait.ge [sflag:s18], $0x2000  }
0x27: {  	[sflag:s18] =	ssyncset.done $0x0  }
0x28: {  	[sflag:s18] =	ssyncadd.s32 $0xFFFFE000  }
0x29: {  	_ =	swait.ge [sflag:s18], $0x2000  }
0x2a: {  	[sflag:s18] =	ssyncset.done $0x0  }
0x2b: {  	[sflag:s18] =	ssyncadd.s32 $0xFFFFE000  }
0x2c: {  	_ =	swait.ge [sflag:s18], $0x2000  }
0x2d: {  	[sflag:s18] =	ssyncset.done $0x0  }
0x2e: {  	s4 =	simm.s32 $0x0;
	[sflag:s18] =	ssyncadd.s32 $0xFFFFE000  }
0x2f: {  	v24 =	vld [tilespmem:s4+$0x85B0]  }
0x30: {  	v3 =	vld [tilespmem:s4+$0x5B0]  }
0x31: {  	v0 =	vld [tilespmem:s4+$0x8570]  }
0x32: {  	v22 =	vld [tilespmem:s4+$0x570]  }
0x33: {  	v29 =	vld [tilespmem:s4+$0x85A0]  }
0x34: {  	v4 =	vld [tilespmem:s4+$0x5A0]  }
0x35: {  	v40 =	vld [tilespmem:s4+$0x8530]  }
0x36: {  	v17 =	vld [tilespmem:s4+$0x530]  }
0x37: {  	v34 =	vld [tilespmem:s4+$0x8580]  }
0x38: {  	v37 =	vld [tilespmem:s4+$0x8590]  }
0x39: {  	v18 =	vld [tilespmem:s4+$0x580]  }
0x3a: {  	v6 =	vld [tilespmem:s4+$0x590]  }
0x3b: {  	v38 =	vld [tilespmem:s4+$0x8520]  }
0x3c: {  	v16 =	vld [tilespmem:s4+$0x520]  }
0x3d: {  	v41 =	vld [tilespmem:s4+$0x84B0]  }
0x3e: {  	v8 =	vld [tilespmem:s4+$0x4B0]  }
0x3f: {  	v39 =	vld [tilespmem:s4+$0x8500]  }
0x40: {  	v42 =	vld [tilespmem:s4+$0x8510]  }
0x41: {  	v10 =	vld [tilespmem:s4+$0x500]  }
0x42: {  	v12 =	vld [tilespmem:s4+$0x510]  }
0x43: {  	v25 =	vld [tilespmem:s4+$0x200]  }
0x44: {  	v43 =	vld [tilespmem:s4+$0x84A0]  }
0x45: {  	v26 =	vld [tilespmem:s4+$0x210]  }
0x46: {  	v7 =	vld [tilespmem:s4+$0x4A0]  }
0x47: {  	v23 =	vld [tilespmem:s4+$0x220]  }
0x48: {  	v15 =	vld [tilespmem:s0+$0x0]  }
0x49: {  	v19 =	vld [tilespmem:s4+$0x230]  }
0x4a: {  	v44 =	vld [tilespmem:s4+$0x8430]  }
0x4b: {  	v35 =	vld [tilespmem:s4+$0x240];
	v11 =	vmul.f32 v25, v25  }
0x4c: {  	v13 =	vimm.f32 $0.0e+00;
	v45 =	vld [tilespmem:s4+$0x8480]  }
0x4d: {  	v36 =	vld [tilespmem:s4+$0x250];
	v11 =	vadd.f32 v11, v13;
	v13 =	vmul.f32 v26, v26  }
0x4e: {  	v46 =	vld [tilespmem:s4+$0x8490]  }
0x4f: {  	v31 =	vld [tilespmem:s4+$0x260];
	v11 =	vadd.f32 v13, v11;
	v13 =	vmul.f32 v23, v23  }
0x50: {  	v28 =	vld [tilespmem:s4+$0x270]  }
0x51: {  	v47 =	vld [tilespmem:s4+$0x280];
	v20 =	vmul.f32 v19, v19;
	v11 =	vadd.f32 v13, v11  }
0x52: {  	v48 =	vld [tilespmem:s4+$0x8420]  }
0x53: {  	v49 =	vld [tilespmem:s4+$0x290];
	v21 =	vmul.f32 v35, v35;
	v20 =	vadd.f32 v20, v11  }
0x54: {  	v50 =	vld [tilespmem:s4+$0x83B0]  }
0x55: {  	v51 =	vld [tilespmem:s4+$0x2A0];
	v20 =	vadd.f32 v21, v20;
	v21 =	vmul.f32 v36, v36  }
0x56: {  	v52 =	vld [tilespmem:s4+$0x8400]  }
0x57: {  	v53 =	vld [tilespmem:s4+$0x2B0];
	v20 =	vadd.f32 v21, v20;
	v21 =	vmul.f32 v31, v31  }
0x58: {  	v54 =	vld [tilespmem:s4+$0x8410]  }
0x59: {  	v32 =	vld [tilespmem:s4+$0x2C0];
	v20 =	vadd.f32 v21, v20;
	v21 =	vmul.f32 v28, v28  }
0x5a: {  	v55 =	vld [tilespmem:s4+$0x83A0]  }
0x5b: {  	v33 =	vld [tilespmem:s4+$0x2D0];
	v20 =	vadd.f32 v21, v20;
	v21 =	vmul.f32 v47, v47  }
0x5c: {  	[tilespmem:$0x1FEF0] =	vst v0;
	v0 =	vld [tilespmem:s4+$0x85C0]  }
0x5d: {  	v56 =	vld [tilespmem:s4+$0x8330];
	v20 =	vadd.f32 v21, v20;
	v21 =	vmul.f32 v49, v49  }
0x5e: {  	v30 =	vld [tilespmem:s4+$0x2E0]  }
0x5f: {  	v57 =	vld [tilespmem:s4+$0x8380];
	v20 =	vadd.f32 v21, v20;
	v21 =	vmul.f32 v51, v51  }
0x60: {  	v27 =	vld [tilespmem:s4+$0x2F0]  }
0x61: {  	[tilespmem:$0x1FF00] =	vst v0;
	v0 =	vld [tilespmem:s4+$0x85D0];
	v20 =	vadd.f32 v21, v20;
	v21 =	vmul.f32 v53, v53  }
0x62: {  	v58 =	vld [tilespmem:s4+$0x8390]  }
0x63: {  	v60 =	vld [tilespmem:s4+$0x300];
	v20 =	vadd.f32 v21, v20;
	v21 =	vmul.f32 v32, v32  }
0x64: {  	v61 =	vld [tilespmem:s4+$0x310]  }
0x65: {  	v62 =	vld [tilespmem:s4+$0x8320];
	v59 =	vmul.f32 v33, v33;
	v21 =	vadd.f32 v21, v20  }
0x66: {  	[tilespmem:$0x1FF10] =	vst v0;
	v0 =	vld [tilespmem:s4+$0x84F0]  }
0x67: {  	v63 =	vld [tilespmem:s4+$0x320];
	v5 =	vmul.f32 v30, v30;
	v21 =	vadd.f32 v59, v21  }
0x68: {  	v2 =	vmul.f32 v18, v34;
	v34 =	vld [tilespmem:s4+$0x340]  }
0x69: {  	[tilespmem:$0x1FFB0] =	vst v6;
	v37 =	vmul.f32 v6, v37;
	v6 =	vld [tilespmem:s4+$0x8300];
	v21 =	vadd.f32 v5, v21;
	v5 =	vmul.f32 v27, v27  }
0x6a: {  	v13 =	vld [tilespmem:s4+$0x480]  }
0x6b: {  	v29 =	vmul.f32 v4, v29;
	v11 =	vld [tilespmem:s4+$0x490];
	[tilespmem:$0x1FEE0] =	vst v0;
	v0 =	vmul.f32 v60, v60;
	v59 =	vadd.f32 v5, v21  }
0x6c: {  	v39 =	vmul.f32 v10, v39;
	v42 =	vmul.f32 v12, v42;
	v2 =	vadd.f32 v37, v2;
	v5 =	vld [tilespmem:s4+$0x330]  }
0x6d: {  	[tilespmem:$0x1FFD0] =	vst v4;
	v4 =	vmul.f32 v3, v24;
	v24 =	vld [tilespmem:s4+$0x410];
	v1 =	vadd.f32 v0, v59;
	v0 =	vmul.f32 v61, v61  }
0x6e: {  	[tilespmem:$0x1FFF0] =	vst v3;
	v37 =	vld [tilespmem:s4+$0x350];
	v42 =	vadd.f32 v42, v39;
	v3 =	vadd.f32 v29, v2  }
0x6f: {  	v39 =	vld [tilespmem:s4+$0x8310];
	v2 =	vmul.f32 v16, v38;
	v1 =	vadd.f32 v0, v1;
	v0 =	vmul.f32 v63, v63  }
0x70: {  	v29 =	vld [tilespmem:s4+$0x400];
	v45 =	vmul.f32 v13, v45;
	v46 =	vmul.f32 v11, v46  }
0x71: {  	v38 =	vld [tilespmem:s4+$0x360];
	v1 =	vadd.f32 v0, v1;
	v0 =	vmul.f32 v5, v5  }
0x72: {  	v2 =	vadd.f32 v2, v42;
	v42 =	vadd.f32 v46, v45;
	v45 =	vld [tilespmem:s4+$0x380]  }
0x73: {  	v40 =	vmul.f32 v17, v40;
	v21 =	vld [tilespmem:s4+$0x420];
	v1 =	vadd.f32 v0, v1;
	v0 =	vmul.f32 v34, v34  }
0x74: {  	v6 =	vmul.f32 v60, v6;
	v3 =	vadd.f32 v4, v3;
	v4 =	vmul.f32 v37, v37;
	v60 =	vld [tilespmem:s4+$0x8250]  }
0x75: {  	v2 =	vadd.f32 v40, v2;
	v40 =	vmul.f32 v24, v54;
	v1 =	vadd.f32 v0, v1;
	v0 =	vld [tilespmem:s4+$0x370]  }
0x76: {  	(v2sf) =	vpush v15, $0xF;
	v54 =	vmul.f32 v38, v38;
	v20 =	vld [tilespmem:s4+$0x430];
	v5 =	vmul.f32 v5, v56  }
0x77: {  	v46 =	vld [tilespmem:s4+$0x390];
	v1 =	vadd.f32 v4, v1;
	v4 =	vmul.f32 v7, v43;
	v43 =	vmul.f32 v29, v52  }
0x78: {  	(v2sf) =	vpush v15, $0xE;
	v56 =	vmul.f32 v63, v62;
	v63 =	vmul.f32 v21, v48;
	v48 =	vld [tilespmem:s4+$0x8280]  }
0x79: {  	v4 =	vadd.f32 v4, v42;
	v42 =	vld [tilespmem:s4+$0x3A0];
	v40 =	vadd.f32 v40, v43  }
0x7a: {  	v36 =	vmul.f32 v36, v60;
	v60 =	vld [tilespmem:s4+$0x82C0];
	v1 =	vadd.f32 v54, v1;
	v54 =	vmul.f32 v0, v0  }
0x7b: {  	(v2sf) =	vpush v15, $0xD;
	v62 =	vmul.f32 v20, v44;
	v43 =	vld [tilespmem:s4+$0x3B0];
	v40 =	vadd.f32 v63, v40  }
0x7c: {  	v1 =	vadd.f32 v54, v1;
	v54 =	vmul.f32 v45, v57;
	v57 =	vmul.f32 v46, v58;
	v58 =	vld [tilespmem:s4+$0x8290]  }
0x7d: {  	(v2sf) =	vpush v15, $0xC;
	v63 =	vmul.f32 v45, v45;
	v45 =	vld [tilespmem:s4+$0x82A0];
	v40 =	vadd.f32 v62, v40  }
0x7e: {  	v62 =	vmul.f32 v47, v48;
	v48 =	vld [tilespmem:s4+$0x8210];
	v54 =	vadd.f32 v57, v54;
	v55 =	vmul.f32 v42, v55  }
0x7f: {  	(v2sf) =	vpush v15, $0xB;
	v39 =	vmul.f32 v61, v39;
	v57 =	vld [tilespmem:s4+$0x8240]  }
0x80: {  	(v2sf) =	vpush v15, $0xA;
	v61 =	vadd.f32 v55, v54;
	v54 =	vld [tilespmem:s4+$0x8200]  }
0x81: {  	v6 =	vadd.f32 v39, v6;
	v1 =	vadd.f32 v63, v1;
	v55 =	vld [tilespmem:s4+$0x8260];
	v63 =	vmul.f32 v49, v58  }
0x82: {  	v41 =	vmul.f32 v8, v41;
	(v2sf) =	vpush v15, $0x9;
	v59 =	vld [tilespmem:s4+$0x82B0]  }
0x83: {  	v6 =	vadd.f32 v56, v6;
	v45 =	vmul.f32 v51, v45;
	v58 =	vld [tilespmem:s4+$0x8220];
	v39 =	vadd.f32 v63, v62  }
0x84: {  	v52 =	vld [tilespmem:s4+$0x8270];
	v4 =	vadd.f32 v41, v4;
	v46 =	vmul.f32 v46, v46;
	v35 =	vmul.f32 v35, v57  }
0x85: {  	(xrf2) =	vadd.scan.msk.f32 $0xffff, v3;
	v50 =	vmul.f32 v43, v50;
	v26 =	vmul.f32 v26, v48;
	v63 =	vld [tilespmem:s4+$0x8230];
	v62 =	vadd.f32 v45, v39  }
0x86: {  	(xrf2) =	vadd.scan.msk.f32 $0xffff, v2;
	v3 =	vadd.f32 v36, v35;
	v25 =	vmul.f32 v25, v54;
	v45 =	vld [tilespmem:s4+$0x82D0];
	v2 =	vmul.f32 v31, v55  }
0x87: {  	v9 =	vld [tilespmem:s4+$0x4F0];
	v1 =	vadd.f32 v46, v1;
	v44 =	vadd.f32 v50, v61;
	v61 =	vmul.f32 v53, v59  }
0x88: {  	(xrf2) =	vadd.scan.msk.f32 $0xffff, v4;
	v23 =	vmul.f32 v23, v58;
	v46 =	vadd.f32 v26, v25;
	v2 =	vadd.f32 v2, v3;
	v3 =	vld [tilespmem:s4+$0x82E0]  }
0x89: {  	(v2sf) =	vpush v15, $0x8;
	v5 =	vadd.f32 v5, v6;
	(xrf2) =	vadd.scan.msk.f32 $0xffff, v40;
	v48 =	vld [tilespmem:s4+$0x3D0];
	v25 =	vmul.f32 v28, v52  }
0x8a: {  	(xrf2) =	vadd.scan.msk.f32 $0xffff, v44;
	v6 =	vadd.f32 v61, v62;
	v19 =	vmul.f32 v19, v63;
	v4 =	vadd.f32 v23, v46;
	v23 =	vld [tilespmem:s4+$0x82F0]  }
0x8b: {  	v50 =	vld [tilespmem:s4+$0x8340];
	(xrf2) =	vadd.scan.msk.f32 $0xffff, v5;
	v2 =	vadd.f32 v25, v2;
	v25 =	vmul.f32 v32, v60;
	v51 =	vmul.f32 v33, v45  }
0x8c: {  	(v2sf) =	vpush v15, $0x7;
	v31 =	vld [tilespmem:s4+$0x3C0];
	(xrf2) =	vadd.scan.msk.f32 $0xffff, v6;
	v4 =	vadd.f32 v19, v4  }
0x8d: {  	v42 =	vmul.f32 v42, v42;
	v53 =	vld [tilespmem:s4+$0x8350];
	(xrf2) =	vadd.scan.msk.f32 $0xffff, v2;
	v6 =	vadd.f32 v51, v25;
	v3 =	vmul.f32 v30, v3  }
0x8e: {  	(v2sf) =	vpush v15, $0x6;
	v49 =	vmul.f32 v43, v43;
	v57 =	vld [tilespmem:s4+$0x8370];
	(xrf2) =	vadd.scan.msk.f32 $0xffff, v4  }
0x8f: {  	v1 =	vadd.f32 v42, v1;
	v55 =	vld [tilespmem:s4+$0x8360];
	v25 =	vmul.f32 v27, v23;
	v3 =	vadd.f32 v3, v6  }
0x90: {  	(v2sf) =	vpush v15, $0x5;
	v28 =	vld [tilespmem:s4+$0x3E0];
	v19, _, _ =	vpop (xrf2)  }
0x91: {  	v1 =	vadd.f32 v49, v1;
	v52 =	vmul.f32 v31, v31;
	v2 =	vld [tilespmem:s4+$0x3F0];
	v23, _, _ =	vpop (xrf2);
	v3 =	vadd.f32 v25, v3  }
0x92: {  	(v2sf) =	vpush v15, $0x4;
	v32 =	vmul.f32 v34, v50;
	v33 =	vmul.f32 v37, v53;
	v27 =	vld [tilespmem:s4+$0x83C0];
	v26, _, _ =	vpop (xrf2)  }
0x93: {  	v14 =	vld [tilespmem:s4+$0x8470];
	(v2sf) =	vpush v15, $0x3;
	v54 =	vmul.f32 v48, v48;
	v1 =	vadd.f32 v52, v1;
	v25, _, _ =	vpop (xrf2)  }
0x94: {  	(v2sf) =	vpush v15, $0x2;
	v41 =	vld [tilespmem:s4+$0x450];
	v5 =	vmul.f32 v38, v55;
	v32 =	vadd.f32 v33, v32;
	v61, _, _ =	vpop (xrf2)  }
0x95: {  	(v2sf) =	vpush v15, $0x1;
	v40 =	vld [tilespmem:s4+$0x440];
	v56 =	vmul.f32 v28, v28;
	v1 =	vadd.f32 v54, v1;
	(xrf2) =	vadd.scan.msk.f32 $0xffff, v3;
	v3, _, _ =	vpop (xrf2)  }
0x96: {  	v59 =	vld [tilespmem:s4+$0x83D0];
	v42 =	vmul.f32 v21, v21;
	v0 =	vmul.f32 v0, v57;
	v5 =	vadd.f32 v5, v32;
	v39, _, _ =	vpop (xrf2)  }
0x97: {  	v21 =	vld [tilespmem:s4+$0x8460];
	v1 =	vadd.f32 v56, v1;
	v58 =	vmul.f32 v2, v2;
	v27 =	vmul.f32 v31, v27;
	v31, _, _ =	vpop (xrf2)  }
0x98: {  	s1 =	spop (v2sf);
	(v2sf) =	vpush v15, $0x0;
	v63 =	vld [tilespmem:s4+$0x8440];
	v0 =	vadd.f32 v0, v5;
	v15, _, _ =	vpop (xrf2)  }
0x99: {  	s10 =	spop (v2sf);
	v29 =	vmul.f32 v29, v29;
	v1 =	vadd.f32 v58, v1;
	(v2sf) =	vpush v15, $0xF;
	v15 =	vld [tilespmem:s4+$0x8450]  }
0x9a: {  	v62 =	vld [tilespmem:s4+$0x83E0]  }
0x9b: {  	v24 =	vmul.f32 v24, v24;
	(xrf2) =	vadd.scan.msk.f32 $0xffff, v0;
	v0 =	vld [tilespmem:s4+$0x460];
	v1 =	vadd.f32 v29, v1  }
0x9c: {  	v60 =	vld [tilespmem:s4+$0x83F0]  }
0x9d: {  	v43 =	vmul.f32 v20, v20;
	v34 =	vmul.f32 v48, v59;
	v1 =	vadd.f32 v24, v1;
	v24 =	vld [tilespmem:s4+$0x470]  }
0x9e: {  	v47 =	vld [tilespmem:s4+$0x4E0];
	v20 =	vmul.f32 v40, v63;
	v15 =	vmul.f32 v41, v15  }
0x9f: {  	v30 =	vld [tilespmem:s4+$0x84C0];
	v4 =	vmul.f32 v28, v62;
	v27 =	vadd.f32 v34, v27  }
0xa0: {  	v29 =	vld [tilespmem:s4+$0x4D0];
	v15 =	vadd.f32 v15, v20;
	v20 =	vmul.f32 v0, v21  }
0xa1: {  	v2 =	vmul.f32 v2, v60;
	v4 =	vadd.f32 v4, v27;
	v27 =	vld [tilespmem:s4+$0x84D0];
	v1 =	vadd.f32 v42, v1  }
0xa2: {  	v28 =	vld [tilespmem:s4+$0x4C0];
	v14 =	vmul.f32 v24, v14;
	v15 =	vadd.f32 v20, v15  }
0xa3: {  	v49 =	vld [tilespmem:s4+$0x5C0];
	v45 =	vmul.f32 v40, v40;
	v2 =	vadd.f32 v2, v4;
	v1 =	vadd.f32 v43, v1  }
0xa4: {  	v46 =	vld [tilespmem:s4+$0x84E0];
	v15 =	vadd.f32 v14, v15  }
0xa5: {  	s12 =	spop (v2sf);
	v57 =	vld [tilespmem:$0x1FF10];
	(v2sf) =	vpush v39, $0xF;
	v44, _, _ =	vpop (xrf2);
	(xrf2) =	vadd.scan.msk.f32 $0xffff, v2;
	v1 =	vadd.f32 v45, v1;
	v2 =	vmul.f32 v41, v41  }
0xa6: {  	s13 =	spop (v2sf);
	(v2sf) =	vpush v31, $0xF;
	v21 =	vmul.f32 v29, v27;
	v27, _, _ =	vpop (xrf2);
	(xrf2) =	vadd.scan.msk.f32 $0xffff, v15;
	v15 =	vld [tilespmem:$0x1FEE0]  }
0xa7: {  	s14 =	spop (v2sf);
	v48 =	vld [tilespmem:s4+$0x8540];
	(v2sf) =	vpush v44, $0xF;
	v1 =	vadd.f32 v2, v1;
	v2 =	vmul.f32 v28, v30  }
0xa8: {  	s15 =	spop (v2sf);
	(v2sf) =	vpush v3, $0xF;
	v3 =	vld [tilespmem:s4+$0x8550];
	v0 =	vmul.f32 v0, v0  }
0xa9: {  	v4 =	vmul.f32 v47, v46;
	v20 =	vld [tilespmem:s4+$0x540];
	v2 =	vadd.f32 v21, v2  }
0xaa: {  	s16 =	spop (v2sf);
	v0 =	vadd.f32 v0, v1;
	v1 =	vmul.f32 v24, v24;
	v14 =	vld [tilespmem:s4+$0x550]  }
0xab: {  	s22 =	spop (v2sf);
	v24 =	vld [tilespmem:s4+$0x8560];
	v2 =	vadd.f32 v4, v2;
	v15 =	vmul.f32 v9, v15  }
0xac: {  	s23 =	spop (v2sf);
	v0 =	vadd.f32 v1, v0;
	v1 =	vmul.f32 v13, v13;
	v13 =	vld [tilespmem:s4+$0x560]  }
0xad: {  	s24 =	spop (v2sf);
	v56 =	vld [tilespmem:$0x1FF00];
	v2 =	vadd.f32 v15, v2  }
0xae: {  	s25 =	spop (v2sf);
	v50 =	vld [tilespmem:s4+$0x5D0];
	v0 =	vadd.f32 v1, v0;
	v1 =	vmul.f32 v11, v11  }
0xaf: {  	s17 =	spop (v2sf);
	v51 =	vmul.f32 v20, v48;
	v53, _, _ =	vpop (xrf2);
	v3 =	vmul.f32 v14, v3;
	(xrf2) =	vadd.scan.msk.f32 $0xffff, v2;
	v2 =	vld [tilespmem:$0x1FEF0]  }
0xb0: {  	s26 =	spop (v2sf);
	v52 =	vld [tilespmem:s4+$0x85E0];
	v0 =	vadd.f32 v1, v0  }
0xb1: {  	s21 =	spop (v2sf);
	v31 =	vld [tilespmem:s4+$0x5E0];
	v1 =	vmul.f32 v7, v7;
	v54 =	vmul.f32 v13, v24;
	v3 =	vadd.f32 v3, v51  }
0xb2: {  	s28 =	spop (v2sf);
	v55 =	vld [tilespmem:s4+$0x85F0];
	(v2sf) =	vpush v27, $0xF;
	v4 =	vmul.f32 v49, v56  }
0xb3: {  	s29 =	spop (v2sf);
	v34 =	vld [tilespmem:s4+$0x5F0];
	v0 =	vadd.f32 v1, v0;
	v1 =	vmul.f32 v8, v8;
	v3 =	vadd.f32 v54, v3  }
0xb4: {  	(v2sf) =	vpush v61, $0xF;
	s30 =	spop (v2sf);
	v8 =	vmul.f32 v50, v57;
	v2 =	vmul.f32 v22, v2  }
0xb5: {  	s5 =	spop (v2sf);
	(v2sf) =	vpush v53, $0xF  }
0xb6: {  	v6 =	vmul.f32 v31, v52;
	v4 =	vadd.f32 v8, v4;
	v2 =	vadd.f32 v2, v3  }
0xb7: {  	s29 =	ssub.f32 s30, s29;
	s31 =	spop (v2sf);
	(v2sf) =	vpush v25, $0xF;
	v0 =	vadd.f32 v1, v0;
	v1 =	vmul.f32 v28, v28;
	v3, _, _ =	vpop (xrf2)  }
0xb8: {  	s30 =	ssub.f32 s5, s21;
	s5 =	spop (v2sf);
	(v2sf) =	vpush v3, $0xF;
	v3 =	vmul.f32 v34, v55;
	(xrf2) =	vadd.scan.msk.f32 $0xffff, v2;
	v2 =	vadd.f32 v6, v4  }
0xb9: {  	s21 =	simm.s32 $0x400;
	v0 =	vadd.f32 v1, v0;
	v1 =	vmul.f32 v29, v29  }
0xba: {  	v2 =	vadd.f32 v3, v2;
	v3 =	vld [tilespmem:s21+$0x85D0]  }
0xbb: {  	v0 =	vadd.f32 v1, v0;
	v1 =	vmul.f32 v47, v47;
	_ =	sdelay $0x1  }
0xbc: {  	v0 =	vadd.f32 v1, v0;
	v1 =	vmul.f32 v9, v9;
	_ =	sdelay $0x1  }
0xbd: {  	s29 =	smul.f32 s29, s29;
	v0 =	vadd.f32 v1, v0;
	v1 =	vmul.f32 v10, v10;
	[tilespmem:$0x1FF40] =	vst v3;
	v3, _, _ =	vpop (xrf2);
	(xrf2) =	vadd.scan.msk.f32 $0xffff, v2;
	v2 =	vld [tilespmem:s21+$0x530]  }
0xbe: {  	s19 =	simm.f32 $0.0e+00;
	s28 =	ssub.f32 s31, s28  }
0xbf: {  	s4 =	sadd.f32 s29, s19;
	v0 =	vadd.f32 v1, v0;
	v1 =	vmul.f32 v12, v12  }
0xc0: {  	s28 =	smul.f32 s28, s28;
	s19 =	spop (v2sf);
	(v2sf) =	vpush v26, $0xF  }
0xc1: {  	s31 =	spop (v2sf);
	v0 =	vadd.f32 v1, v0;
	(v2sf) =	vpush v3, $0xF  }
0xc2: {  	v24 =	vld [tilespmem:s21+$0x85B0];
	s0 =	sadd.f32 s28, s4;
	s4 =	spop (v2sf);
	v1 =	vmul.f32 v16, v16;
	(v2sf) =	vpush v23, $0xF;
	v16 =	vmov v2;
	v2, _, _ =	vpop (xrf2)  }
0xc3: {  	s26 =	ssub.f32 s5, s26;
	s5 =	spop (v2sf);
	(v2sf) =	vpush v2, $0xF;
	v2 =	vld [tilespmem:s21+$0x8520]  }
0xc4: {  	v58 =	vld [tilespmem:s21+$0x8570];
	s30 =	smul.f32 s30, s30;
	v0 =	vadd.f32 v1, v0;
	v1 =	vmul.f32 v17, v17  }
0xc5: {  	v59 =	vld [tilespmem:s21+$0x570];
	s17 =	ssub.f32 s19, s17  }
0xc6: {  	v25 =	vld [tilespmem:s21+$0x85A0];
	s26 =	smul.f32 s26, s26;
	s0 =	sadd.f32 s30, s0;
	v0 =	vadd.f32 v1, v0;
	v1 =	vmul.f32 v20, v20  }
0xc7: {  	v37 =	vld [tilespmem:s21+$0x5A0];
	s25 =	ssub.f32 s31, s25  }
0xc8: {  	s17 =	smul.f32 s17, s17;
	s0 =	sadd.f32 s26, s0;
	v0 =	vadd.f32 v1, v0;
	v1 =	vmul.f32 v14, v14;
	[tilespmem:$0x1FF50] =	vst v2;
	v2 =	vld [tilespmem:s21+$0x8540]  }
0xc9: {  	v60 =	vld [tilespmem:s21+$0x85C0];
	s24 =	ssub.f32 s4, s24  }
0xca: {  	v27 =	vld [tilespmem:s21+$0x8580];
	s25 =	smul.f32 s25, s25;
	s0 =	sadd.f32 s17, s0;
	v0 =	vadd.f32 v1, v0;
	v1 =	vmul.f32 v13, v13  }
0xcb: {  	v61 =	vld [tilespmem:s21+$0x580]  }
0xcc: {  	v21 =	vld [tilespmem:s21+$0x84F0];
	s24 =	smul.f32 s24, s24;
	s0 =	sadd.f32 s25, s0;
	v0 =	vadd.f32 v1, v0;
	v1 =	vmul.f32 v22, v22  }
0xcd: {  	v62 =	vld [tilespmem:s21+$0x4F0];
	s19 =	spop (v2sf);
	(v2sf) =	vpush v19, $0xF;
	[tilespmem:$0x1FF60] =	vst v2;
	v2, _, _ =	vpop (xrf2)  }
0xce: {  	s0 =	sadd.f32 s24, s0;
	v0 =	vadd.f32 v1, v0;
	v1 =	vmul.f32 v18, v18;
	s24 =	spop (v2sf);
	(v2sf) =	vpush v2, $0xF;
	v2 =	vld [tilespmem:s21+$0x84B0]  }
0xcf: {  	v63 =	vld [tilespmem:s21+$0x8550]  }
0xd0: {  	v0 =	vadd.f32 v1, v0;
	v1 =	vld [tilespmem:$0x1FFB0]  }
0xd1: {  	v30 =	vld [tilespmem:s21+$0x4B0]  }
0xd2: {  	v35 =	vld [tilespmem:s21+$0x8500]  }
0xd3: {  	[tilespmem:$0x1FF80] =	vst v2;
	v2 =	vld [tilespmem:s21+$0x8470]  }
0xd4: {  	v33 =	vld [tilespmem:s21+$0x8510]  }
0xd5: {  	v42 =	vld [tilespmem:s21+$0x500];
	s17 =	ssub.f32 s5, s23;
	v1 =	vmul.f32 v1, v1  }
0xd6: {  	v41 =	vld [tilespmem:s21+$0x510]  }
0xd7: {  	s22 =	ssub.f32 s19, s22;
	s17 =	smul.f32 s17, s17;
	v0 =	vadd.f32 v1, v0;
	v1 =	vld [tilespmem:$0x1FFD0]  }
0xd8: {  	[tilespmem:$0x1FF90] =	vst v2;
	v2 =	vld [tilespmem:s21+$0x84A0]  }
0xd9: {  	v32 =	vld [tilespmem:s21+$0x4A0];
	s22 =	smul.f32 s22, s22;
	s0 =	sadd.f32 s17, s0  }
0xda: {  	v36 =	vld [tilespmem:s21+$0x8430];
	s16 =	ssub.f32 s24, s16;
	s25 =	spop (v2sf)  }
0xdb: {  	v39 =	vld [tilespmem:s21+$0x8480];
	s15 =	ssub.f32 s25, s15  }
0xdc: {  	v40 =	vld [tilespmem:s21+$0x8490];
	s0 =	sadd.f32 s22, s0;
	s16 =	smul.f32 s16, s16;
	v1 =	vmul.f32 v1, v1  }
0xdd: {  	s15 =	smul.f32 s15, s15;
	[tilespmem:$0x1FFA0] =	vst v2;
	v2 =	vld [tilespmem:s21+$0x84C0]  }
0xde: {  	s0 =	sadd.f32 s16, s0;
	s26 =	spop (v2sf);
	v0 =	vadd.f32 v1, v0;
	v1 =	vld [tilespmem:$0x1FFF0]  }
0xdf: {  	v28 =	vld [tilespmem:s21+$0x8590];
	s14 =	ssub.f32 s26, s14;
	s28 =	spop (v2sf)  }
0xe0: {  	v15 =	vld [tilespmem:s21+$0x5B0];
	s13 =	ssub.f32 s28, s13  }
0xe1: {  	v3 =	vld [tilespmem:s21+$0x590];
	s0 =	sadd.f32 s15, s0;
	s14 =	smul.f32 s14, s14  }
0xe2: {  	s13 =	smul.f32 s13, s13;
	[tilespmem:$0x1FFC0] =	vst v2;
	v2 =	vld [tilespmem:s21+$0x4C0]  }
0xe3: {  	v29 =	vld [tilespmem:s21+$0x520];
	s29 =	spop (v2sf);
	s0 =	sadd.f32 s14, s0;
	v1 =	vmul.f32 v1, v1  }
0xe4: {  	[tilespmem:$0x1FF20] =	vst v58;
	v26 =	vld [tilespmem:s21+$0x8530];
	s12 =	ssub.f32 s29, s12;
	s30 =	spop (v2sf)  }
0xe5: {  	[tilespmem:$0x1FF30] =	vst v60;
	v23 =	vld [tilespmem:s21+$0x480];
	s25 =	ssub.f32 s30, s10;
	v0 =	vadd.f32 v1, v0;
	v1 =	vmul.f32 v49, v49  }
0xe6: {  	[tilespmem:$0x1FF70] =	vst v63;
	v12 =	vmov v59;
	v14 =	vmov v61;
	s22 =	simm.s32 $0x10210;
	v22 =	vld [tilespmem:s21+$0x490];
	s26 =	sadd.f32 s13, s0;
	s31 =	spop (v2sf)  }
0xe7: {  	s23 =	simm.s32 $0x2000;
	v18 =	vld [tilespmem:s22+$0x0];
	v13 =	vmovc v3;
	v19 =	vmov v62;
	s0 =	smul.f32 s12, s12;
	v0 =	vadd.f32 v1, v0;
	v1 =	vmul.f32 v50, v50;
	s24 =	ssub.f32 s31, s1;
	[tilespmem:$0x1FFE0] =	vst v2  }
.LBB2_2:
0xe8: {  	v3 =	vld [tilespmem:s21+$0x200]  }
0xe9: {  	v2 =	vld [tilespmem:s21+$0x470]  }
0xea: {  	v0 =	vadd.f32 v1, v0;
	v1 =	vmul.f32 v31, v31  }
0xeb: {  	v44 =	vld [tilespmem:s21+$0x210]  }
0xec: {  	v43 =	vld [tilespmem:s21+$0x220];
	v0 =	vadd.f32 v1, v0;
	v1 =	vmul.f32 v34, v34  }
0xed: {  	v5 =	vld [tilespmem:s21+$0x8420]  }
0xee: {  	[tilespmem:$0x1FE20] =	vst v2;
	v2 =	vld [tilespmem:s21+$0x83F0];
	v0 =	vadd.f32 v1, v0;
	v1 =	vmul.f32 v3, v3  }
0xef: {  	v31 =	vld [tilespmem:s21+$0x230]  }
0xf0: {  	v47 =	vld [tilespmem:s21+$0x240];
	v0 =	vadd.f32 v1, v0;
	v1 =	vmul.f32 v44, v44  }
0xf1: {  	v63 =	vld [tilespmem:s21+$0x83B0]  }
0xf2: {  	v49 =	vld [tilespmem:s21+$0x250];
	v0 =	vadd.f32 v1, v0;
	v1 =	vmul.f32 v43, v43  }
0xf3: {  	[tilespmem:$0x1FE30] =	vst v2;
	v2 =	vld [tilespmem:s21+$0x8440]  }
0xf4: {  	v11 =	vld [tilespmem:s21+$0x8400];
	v0 =	vadd.f32 v1, v0;
	v1 =	vmul.f32 v31, v31  }
0xf5: {  	v48 =	vld [tilespmem:s21+$0x260]  }
0xf6: {  	v62 =	vld [tilespmem:s21+$0x8410];
	v0 =	vadd.f32 v1, v0;
	v1 =	vmul.f32 v47, v47  }
0xf7: {  	v50 =	vld [tilespmem:s21+$0x270]  }
0xf8: {  	v55 =	vld [tilespmem:s21+$0x280];
	[tilespmem:$0x1FE40] =	vst v2;
	v0 =	vadd.f32 v1, v0;
	v2 =	vmul.f32 v49, v49  }
0xf9: {  	v61 =	vld [tilespmem:s21+$0x8330]  }
0xfa: {  	v56 =	vld [tilespmem:s21+$0x290];
	v0 =	vadd.f32 v2, v0;
	v2 =	vmul.f32 v48, v48  }
0xfb: {  	v10 =	vld [tilespmem:s21+$0x8380]  }
0xfc: {  	v57 =	vld [tilespmem:s21+$0x2A0];
	v0 =	vadd.f32 v2, v0;
	v2 =	vmul.f32 v50, v50  }
0xfd: {  	v60 =	vld [tilespmem:s21+$0x8390]  }
0xfe: {  	v59 =	vld [tilespmem:s21+$0x2B0];
	v0 =	vadd.f32 v2, v0;
	v2 =	vmul.f32 v55, v55  }
0xff: {  	v45 =	vld [tilespmem:s21+$0x430]  }
0x100: {  	v54 =	vld [tilespmem:s21+$0x2C0];
	v0 =	vadd.f32 v2, v0;
	v2 =	vmul.f32 v56, v56  }
0x101: {  	v52 =	vld [tilespmem:s21+$0x2D0]  }
0x102: {  	v46 =	vld [tilespmem:s21+$0x420];
	v6 =	vmul.f32 v57, v57;
	v0 =	vadd.f32 v2, v0  }
0x103: {  	v51 =	vld [tilespmem:s21+$0x2E0]  }
0x104: {  	v53 =	vld [tilespmem:s21+$0x2F0];
	v38 =	vmul.f32 v59, v59;
	v0 =	vadd.f32 v6, v0  }
0x105: {  	v4 =	vld [tilespmem:s21+$0x300]  }
0x106: {  	v7 =	vld [tilespmem:s21+$0x8310];
	v8 =	vmul.f32 v54, v54;
	v0 =	vadd.f32 v38, v0  }
0x107: {  	[tilespmem:$0x1FEA0] =	vst v14;
	v17 =	vld [tilespmem:s21+$0x320]  }
0x108: {  	[tilespmem:$0x1FEC0] =	vst v37;
	v20 =	vmul.f32 v37, v25;
	v37 =	vld [tilespmem:s21+$0x330];
	v9 =	vmul.f32 v52, v52;
	v0 =	vadd.f32 v8, v0  }
0x109: {  	[tilespmem:$0x1FE70] =	vst v19;
	v27 =	vmul.f32 v14, v27;
	v14 =	vmul.f32 v19, v21;
	v19 =	vld [tilespmem:s21+$0x3A0]  }
0x10a: {  	[tilespmem:$0x1FE10] =	vst v3;
	v3 =	vld [tilespmem:s21+$0x8300];
	v34 =	vmul.f32 v51, v51;
	v0 =	vadd.f32 v9, v0  }
0x10b: {  	v39 =	vmul.f32 v23, v39;
	v40 =	vmul.f32 v22, v40;
	[tilespmem:$0x1FE50] =	vst v14;
	v14 =	vld [tilespmem:s21+$0x3B0]  }
0x10c: {  	v58 =	vadd.f32 v34, v0;
	v0 =	vld [tilespmem:$0x1FF20]  }
0x10d: {  	v39 =	vadd.f32 v40, v39;
	v40 =	vld [tilespmem:s21+$0x82D0]  }
0x10e: {  	[tilespmem:$0x1FED0] =	vst v15;
	v1 =	vld [tilespmem:s21+$0x83A0];
	v9 =	vmul.f32 v15, v24;
	v15 =	vmul.f32 v53, v53  }
0x10f: {  	v8 =	vld [tilespmem:s21+$0x310]  }
0x110: {  	v21 =	vmul.f32 v13, v28;
	v25 =	vadd.f32 v15, v58;
	v15 =	vld [tilespmem:$0x1FF50]  }
0x111: {  	[tilespmem:$0x1FE80] =	vst v16;
	v35 =	vmul.f32 v42, v35;
	v2 =	vld [tilespmem:s21+$0x8320];
	v0 =	vmul.f32 v12, v0  }
0x112: {  	[tilespmem:$0x1FE90] =	vst v12;
	(v2sf) =	vpush v18, $0xF;
	v24 =	vld [tilespmem:s21+$0x410];
	v12 =	vmul.f32 v16, v26;
	v26 =	vmul.f32 v4, v4  }
0x113: {  	[tilespmem:$0x1FEB0] =	vst v13;
	v33 =	vmul.f32 v41, v33;
	(v2sf) =	vpush v18, $0xE;
	v13 =	vmul.f32 v17, v17;
	v16 =	vld [tilespmem:$0x1FFA0]  }
0x114: {  	(v2sf) =	vpush v18, $0xD;
	v28 =	vmul.f32 v8, v8;
	v26 =	vadd.f32 v26, v25;
	v25 =	vld [tilespmem:s21+$0x340]  }
0x115: {  	v21 =	vadd.f32 v21, v27;
	v33 =	vadd.f32 v33, v35;
	v38 =	vmovc v29;
	v29 =	vmul.f32 v29, v15;
	v15 =	vld [tilespmem:$0x1FF80]  }
0x116: {  	v36 =	vmul.f32 v45, v36;
	(v2sf) =	vpush v18, $0xC;
	v58 =	vld [tilespmem:s21+$0x400];
	v28 =	vadd.f32 v28, v26  }
0x117: {  	v5 =	vmul.f32 v46, v5;
	(v2sf) =	vpush v18, $0xB;
	v20 =	vadd.f32 v20, v21;
	v26 =	vld [tilespmem:s21+$0x350]  }
0x118: {  	(v2sf) =	vpush v18, $0xA;
	v27 =	vmul.f32 v37, v37;
	v6 =	vld [tilespmem:s21+$0x82B0];
	v13 =	vadd.f32 v13, v28  }
0x119: {  	(v2sf) =	vpush v18, $0x9;
	v3 =	vmul.f32 v4, v3;
	v34 =	vmovc v30;
	v16 =	vmul.f32 v32, v16;
	v28 =	vld [tilespmem:s21+$0x360]  }
0x11a: {  	v30 =	vmul.f32 v30, v15;
	v15 =	vmovc v32;
	v21 =	vmul.f32 v25, v25;
	v32 =	vld [tilespmem:s21+$0x370];
	v13 =	vadd.f32 v27, v13  }
0x11b: {  	v9 =	vadd.f32 v9, v20;
	v62 =	vmul.f32 v24, v62;
	v11 =	vmul.f32 v58, v11;
	v27 =	vld [tilespmem:s21+$0x380]  }
0x11c: {  	v29 =	vadd.f32 v29, v33;
	v20 =	vmul.f32 v26, v26;
	v13 =	vadd.f32 v21, v13;
	v21 =	vld [tilespmem:s21+$0x390]  }
0x11d: {  	v35 =	vmul.f32 v14, v63;
	v6 =	vmul.f32 v59, v6;
	v59 =	vld [tilespmem:s21+$0x82F0];
	v11 =	vadd.f32 v62, v11  }
0x11e: {  	(xrf2) =	vadd.scan.msk.f32 $0xffff, v9;
	v9 =	vld [tilespmem:s21+$0x82C0];
	v12 =	vadd.f32 v12, v29;
	v13 =	vadd.f32 v20, v13;
	v20 =	vmul.f32 v28, v28  }
0x11f: {  	(v2sf) =	vpush v18, $0x8;
	v2 =	vmul.f32 v17, v2;
	v33 =	vld [tilespmem:s21+$0x82A0];
	v29 =	vmul.f32 v37, v61  }
0x120: {  	v37 =	vld [tilespmem:s21+$0x8260];
	v5 =	vadd.f32 v5, v11;
	(xrf2) =	vadd.scan.msk.f32 $0xffff, v12;
	v13 =	vadd.f32 v20, v13;
	v20 =	vmul.f32 v32, v32  }
0x121: {  	v11 =	vld [tilespmem:s21+$0x8240];
	v16 =	vadd.f32 v16, v39;
	v10 =	vmul.f32 v27, v10;
	v17 =	vmul.f32 v21, v60  }
0x122: {  	v61 =	vld [tilespmem:s21+$0x8250];
	v39 =	vmul.f32 v8, v7;
	v13 =	vadd.f32 v20, v13;
	v20 =	vmul.f32 v27, v27  }
0x123: {  	v1 =	vmul.f32 v19, v1;
	v12 =	vld [tilespmem:s21+$0x8280];
	v16 =	vadd.f32 v30, v16;
	v60 =	vadd.f32 v17, v10  }
0x124: {  	v30 =	vld [tilespmem:s21+$0x8290];
	v3 =	vadd.f32 v39, v3;
	v62 =	vadd.f32 v20, v13;
	v13 =	vmul.f32 v21, v21  }
0x125: {  	v7 =	vld [tilespmem:s21+$0x3C0];
	v5 =	vadd.f32 v36, v5;
	(xrf2) =	vadd.scan.msk.f32 $0xffff, v16;
	v16 =	vmul.f32 v57, v33;
	v1 =	vadd.f32 v1, v60  }
0x126: {  	v33 =	vmul.f32 v19, v19;
	v19 =	vld [tilespmem:s21+$0x8210];
	v2 =	vadd.f32 v2, v3;
	v63 =	vadd.f32 v13, v62  }
0x127: {  	(v2sf) =	vpush v18, $0x7;
	v39 =	vmul.f32 v14, v14;
	v13 =	vld [tilespmem:s21+$0x3D0];
	v1 =	vadd.f32 v35, v1  }
0x128: {  	v47 =	vmul.f32 v47, v11;
	v11 =	vld [tilespmem:s21+$0x3E0];
	(xrf2) =	vadd.scan.msk.f32 $0xffff, v5;
	v2 =	vadd.f32 v29, v2;
	v3 =	vadd.f32 v33, v63  }
0x129: {  	(v2sf) =	vpush v18, $0x6;
	v36 =	vmul.f32 v55, v12;
	v12 =	vmul.f32 v56, v30;
	v30, _, _ =	vpop (xrf2);
	v17 =	vld [tilespmem:s21+$0x8200];
	(xrf2) =	vadd.scan.msk.f32 $0xffff, v1  }
0x12a: {  	(v2sf) =	vpush v18, $0x5;
	v55 =	vmul.f32 v7, v7;
	v21, _, _ =	vpop (xrf2);
	v3 =	vadd.f32 v39, v3;
	(xrf2) =	vadd.scan.msk.f32 $0xffff, v2;
	v2 =	vld [tilespmem:$0x1FE10]  }
0x12b: {  	(v2sf) =	vpush v18, $0x4;
	v14 =	vld [tilespmem:s21+$0x3F0];
	v8 =	vmul.f32 v49, v61;
	v5 =	vadd.f32 v12, v36  }
0x12c: {  	(v2sf) =	vpush v18, $0x3;
	v1 =	vld [tilespmem:s21+$0x8220];
	v56 =	vmul.f32 v13, v13;
	v3 =	vadd.f32 v55, v3  }
0x12d: {  	[tilespmem:$0x1FE60] =	vst v0;
	v0 =	vld [tilespmem:s21+$0x8270];
	v8 =	vadd.f32 v8, v47;
	v12 =	vmul.f32 v48, v37;
	v5 =	vadd.f32 v16, v5  }
0x12e: {  	v57 =	vmul.f32 v44, v19;
	v16 =	vld [tilespmem:s21+$0x8230];
	v60 =	vmul.f32 v11, v11;
	v3 =	vadd.f32 v56, v3  }
0x12f: {  	v8 =	vadd.f32 v12, v8;
	v12 =	vld [tilespmem:s21+$0x82E0];
	v5 =	vadd.f32 v6, v5;
	v2 =	vmul.f32 v2, v17  }
0x130: {  	s17 =	smul.f32 s24, s24;
	s24 =	spop (v2sf);
	(v2sf) =	vpush v18, $0x2;
	v61 =	vld [tilespmem:s21+$0x8340];
	v63 =	vmul.f32 v14, v14;
	v3 =	vadd.f32 v60, v3  }
0x131: {  	v9 =	vmul.f32 v54, v9;
	v47 =	vld [tilespmem:s21+$0x450];
	v27, _, _ =	vpop (xrf2);
	(xrf2) =	vadd.scan.msk.f32 $0xffff, v5;
	v1 =	vmul.f32 v43, v1;
	v2 =	vadd.f32 v57, v2  }
0x132: {  	v0 =	vmul.f32 v50, v0;
	v37 =	vld [tilespmem:s21+$0x83C0];
	v35 =	vmul.f32 v58, v58;
	v3 =	vadd.f32 v63, v3  }
0x133: {  	v62 =	vld [tilespmem:s21+$0x8350];
	v33 =	vmul.f32 v52, v40;
	v1 =	vadd.f32 v1, v2;
	v2 =	vmul.f32 v31, v16  }
0x134: {  	v19 =	vadd.f32 v0, v8;
	v36 =	vmul.f32 v51, v12;
	v12 =	vld [tilespmem:s21+$0x83D0];
	v3 =	vadd.f32 v35, v3  }
0x135: {  	v51 =	vld [tilespmem:s21+$0x460];
	v39 =	vmul.f32 v24, v24;
	v1 =	vadd.f32 v2, v1;
	v2 =	vadd.f32 v33, v9  }
0x136: {  	v44 =	vmul.f32 v46, v46;
	v43 =	vld [tilespmem:s21+$0x440]  }
0x137: {  	s0 =	sadd.f32 s0, s26;
	s26 =	spop (v2sf);
	v6 =	vmul.f32 v53, v59;
	v29, _, _ =	vpop (xrf2);
	(xrf2) =	vadd.scan.msk.f32 $0xffff, v19;
	v17 =	vld [tilespmem:s21+$0x8360];
	v3 =	vadd.f32 v39, v3;
	v2 =	vadd.f32 v36, v2  }
0x138: {  	s1 =	smul.f32 s25, s25;
	s28 =	spop (v2sf);
	v48 =	vmul.f32 v45, v45;
	v0, _, _ =	vpop (xrf2);
	(xrf2) =	vadd.scan.msk.f32 $0xffff, v1;
	v1 =	vld [tilespmem:s21+$0x83E0]  }
0x139: {  	s29 =	spop (v2sf);
	v49 =	vmul.f32 v7, v37;
	v16 =	vld [tilespmem:s21+$0x8370];
	v3 =	vadd.f32 v44, v3;
	v2 =	vadd.f32 v6, v2  }
0x13a: {  	s0 =	sadd.f32 s1, s0;
	s30 =	spop (v2sf);
	v54 =	vld [tilespmem:$0x1FE30];
	v40 =	vmul.f32 v25, v61;
	v5 =	vmul.f32 v26, v62;
	v24, _, _ =	vpop (xrf2)  }
0x13b: {  	s31 =	spop (v2sf);
	v50 =	vmul.f32 v13, v12;
	v52 =	vmul.f32 v43, v43;
	v12, _, _ =	vpop (xrf2);
	(xrf2) =	vadd.scan.msk.f32 $0xffff, v2;
	v2 =	vadd.f32 v48, v3  }
0x13c: {  	s25 =	sadd.f32 s17, s0;
	s0 =	spop (v2sf);
	v26 =	vld [tilespmem:$0x1FE20];
	v55 =	vmul.f32 v47, v47;
	v5 =	vadd.f32 v5, v40;
	v46 =	vmul.f32 v28, v17  }
0x13d: {  	s1 =	spop (v2sf);
	v6 =	vadd.f32 v50, v49;
	v1 =	vmul.f32 v11, v1;
	v2 =	vadd.f32 v52, v2  }
0x13e: {  	s10 =	spop (v2sf);
	v58 =	vmul.f32 v51, v51;
	v5 =	vadd.f32 v46, v5;
	v16 =	vmul.f32 v32, v16  }
0x13f: {  	s12 =	spop (v2sf);
	v11 =	vmul.f32 v14, v54;
	v1 =	vadd.f32 v1, v6;
	v2 =	vadd.f32 v55, v2  }
0x140: {  	s13 =	spop (v2sf);
	v5 =	vadd.f32 v16, v5  }
0x141: {  	s14 =	spop (v2sf);
	v61 =	vmul.f32 v26, v26;
	v1 =	vadd.f32 v11, v1;
	v2 =	vadd.f32 v58, v2  }
0x142: {  	s15 =	spop (v2sf);
	v16, _, _ =	vpop (xrf2);
	(xrf2) =	vadd.scan.msk.f32 $0xffff, v5  }
0x143: {  	s16 =	spop (v2sf);
	(v2sf) =	vpush v18, $0x1;
	v60, _, _ =	vpop (xrf2);
	(xrf2) =	vadd.scan.msk.f32 $0xffff, v1;
	v1 =	vadd.f32 v61, v2;
	v2 =	vmul.f32 v23, v23  }
0x144: {  	(v2sf) =	vpush v18, $0x0;
	v18 =	vld [tilespmem:s21+$0x560]  }
0x145: {  	v20 =	vld [tilespmem:s21+$0x540];
	v1 =	vadd.f32 v2, v1;
	v2 =	vmul.f32 v22, v22  }
0x146: {  	v25 =	vld [tilespmem:$0x1FFE0]  }
0x147: {  	v53 =	vld [tilespmem:s21+$0x84D0];
	v1 =	vadd.f32 v2, v1;
	v2 =	vmul.f32 v15, v15  }
0x148: {  	v14 =	vld [tilespmem:s21+$0x4D0]  }
0x149: {  	v59 =	vld [tilespmem:s21+$0x4E0];
	v1 =	vadd.f32 v2, v1;
	v2 =	vmul.f32 v34, v34  }
0x14a: {  	v37 =	vld [tilespmem:$0x1FF60]  }
0x14b: {  	v19 =	vld [tilespmem:$0x1FF90];
	v1 =	vadd.f32 v2, v1;
	v2 =	vmul.f32 v25, v25  }
0x14c: {  	v13 =	vld [tilespmem:$0x1FFC0]  }
0x14d: {  	v56 =	vld [tilespmem:$0x1FE40];
	v1 =	vadd.f32 v2, v1;
	v2 =	vmul.f32 v14, v14  }
0x14e: {  	v57 =	vld [tilespmem:s21+$0x84E0]  }
0x14f: {  	v17 =	vld [tilespmem:s21+$0x8450];
	v1 =	vadd.f32 v2, v1;
	v2 =	vmul.f32 v59, v59  }
0x150: {  	v3 =	vld [tilespmem:s21+$0x8460]  }
0x151: {  	v1 =	vadd.f32 v2, v1;
	v2 =	vld [tilespmem:$0x1FE70]  }
0x152: {  	v63 =	vld [tilespmem:s21+$0x8560]  }
0x153: {  	v31 =	vld [tilespmem:s21+$0x5E0]  }
0x154: {  	v39 =	vld [tilespmem:$0x1FF70];
	v17 =	vmul.f32 v47, v17;
	v6 =	vmul.f32 v43, v56  }
0x155: {  	v46 =	vld [tilespmem:s21+$0x85F0]  }
0x156: {  	v50 =	vld [tilespmem:$0x1FF40];
	v6 =	vadd.f32 v17, v6;
	v3 =	vmul.f32 v51, v3;
	v2 =	vmul.f32 v2, v2  }
0x157: {  	v19 =	vmul.f32 v26, v19;
	v48 =	vld [tilespmem:$0x1FF30];
	(v2sf) =	vpush v60, $0xF  }
0x158: {  	v43 =	vld [tilespmem:s21+$0x85E0];
	v3 =	vadd.f32 v3, v6;
	v1 =	vadd.f32 v2, v1;
	v2 =	vmul.f32 v42, v42  }
0x159: {  	s17 =	spop (v2sf);
	v17 =	vld [tilespmem:s21+$0x550];
	(v2sf) =	vpush v12, $0xF  }
0x15a: {  	v23 =	vld [tilespmem:s21+$0x5C0];
	v3 =	vadd.f32 v19, v3;
	v1 =	vadd.f32 v2, v1;
	v2 =	vmul.f32 v41, v41  }
0x15b: {  	(v2sf) =	vpush v16, $0xF;
	v36, _, _ =	vpop (xrf2);
	v22 =	vld [tilespmem:s21+$0x5D0]  }
0x15c: {  	(v2sf) =	vpush v36, $0xF;
	(xrf2) =	vadd.scan.msk.f32 $0xffff, v3;
	v3 =	vld [tilespmem:$0x1FE50];
	v1 =	vadd.f32 v2, v1;
	v2 =	vmul.f32 v38, v38  }
0x15d: {  	v13 =	vmul.f32 v25, v13;
	v47, _, _ =	vpop (xrf2);
	(v2sf) =	vpush v24, $0xF;
	v34 =	vld [tilespmem:s21+$0x5F0]  }
0x15e: {  	v62 =	vmul.f32 v14, v53;
	(v2sf) =	vpush v47, $0xF;
	s21 =	sshra.s32 s23, $0x2;
	v1 =	vadd.f32 v2, v1;
	v2 =	vld [tilespmem:$0x1FE80]  }
0x15f: {  	(v2sf) =	vpush v0, $0xF;
	v0 =	vld [tilespmem:s21+$0x8570]  }
0x160: {  	v35 =	vmul.f32 v59, v57;
	v33 =	vadd.f32 v62, v13;
	_ =	sdelay $0x1  }
0x161: {  	v45 =	vmul.f32 v18, v63;
	v6 =	vmul.f32 v20, v37;
	v4 =	vadd.f32 v35, v33  }
0x162: {  	v40 =	vmul.f32 v17, v39;
	v2 =	vmul.f32 v2, v2  }
0x163: {  	v49 =	vmul.f32 v23, v48;
	v8 =	vmul.f32 v22, v50;
	v3 =	vadd.f32 v3, v4;
	[tilespmem:$0x1FF20] =	vst v0;
	v0 =	vld [tilespmem:$0x1FE60]  }
0x164: {  	v44 =	vadd.f32 v40, v6;
	v1 =	vadd.f32 v2, v1;
	v2 =	vmul.f32 v20, v20  }
0x165: {  	v52 =	vmul.f32 v31, v43;
	(xrf2) =	vadd.scan.msk.f32 $0xffff, v3;
	v3 =	vadd.f32 v8, v49  }
0x166: {  	v4 =	vadd.f32 v45, v44;
	v1 =	vadd.f32 v2, v1;
	v2 =	vmul.f32 v17, v17  }
0x167: {  	v24 =	vld [tilespmem:s21+$0x85B0];
	v55 =	vmul.f32 v34, v46;
	v3 =	vadd.f32 v52, v3  }
0x168: {  	v51 =	vld [tilespmem:s21+$0x5B0];
	v0 =	vadd.f32 v0, v4;
	v1 =	vadd.f32 v2, v1;
	v2 =	vmul.f32 v18, v18  }
0x169: {  	v54 =	vld [tilespmem:s21+$0x570];
	v3 =	vadd.f32 v55, v3  }
0x16a: {  	v53, _, _ =	vpop (xrf2);
	(xrf2) =	vadd.scan.msk.f32 $0xffff, v0;
	v1 =	vadd.f32 v2, v1;
	v2 =	vld [tilespmem:$0x1FE90]  }
0x16b: {  	v57, _, _ =	vpop (xrf2);
	(xrf2) =	vadd.scan.msk.f32 $0xffff, v3;
	v3 =	vld [tilespmem:s21+$0x530]  }
0x16c: {  	v56 =	vld [tilespmem:s21+$0x85C0];
	(v2sf) =	vpush v53, $0xF  }
0x16d: {  	v58 =	vld [tilespmem:s21+$0x85D0]  }
0x16e: {  	s19 =	spop (v2sf);
	v26 =	vld [tilespmem:s21+$0x8530]  }
0x16f: {  	v28 =	vld [tilespmem:s21+$0x8590];
	(v2sf) =	vpush v29, $0xF;
	s4 =	spop (v2sf);
	v2 =	vmul.f32 v2, v2  }
0x170: {  	s4 =	ssub.f32 s4, s19;
	s19 =	spop (v2sf);
	v16 =	vmov v3;
	v3 =	vld [tilespmem:s21+$0x8520]  }
0x171: {  	(v2sf) =	vpush v57, $0xF;
	s5 =	spop (v2sf);
	v1 =	vadd.f32 v2, v1;
	v2 =	vld [tilespmem:$0x1FEA0]  }
0x172: {  	v60 =	vld [tilespmem:s21+$0x580];
	s4 =	smul.f32 s4, s4;
	s5 =	ssub.f32 s5, s17  }
0x173: {  	v61 =	vld [tilespmem:s21+$0x590];
	(v2sf) =	vpush v27, $0xF;
	s16 =	ssub.f32 s19, s16;
	s19 =	spop (v2sf)  }
0x174: {  	v19 =	vld [tilespmem:s21+$0x4F0];
	s4 =	sadd.f32 s4, s25;
	s5 =	smul.f32 s5, s5;
	v59, _, _ =	vpop (xrf2)  }
0x175: {  	s15 =	ssub.f32 s19, s15;
	s25 =	spop (v2sf);
	(v2sf) =	vpush v59, $0xF;
	[tilespmem:$0x1FF50] =	vst v3;
	v3 =	vld [tilespmem:s21+$0x8540]  }
0x176: {  	v63 =	vld [tilespmem:s21+$0x8550];
	s19 =	smul.f32 s16, s16;
	s4 =	sadd.f32 s5, s4;
	v2 =	vmul.f32 v2, v2  }
0x177: {  	v35 =	vld [tilespmem:s21+$0x8500];
	s14 =	ssub.f32 s25, s14;
	s25 =	spop (v2sf);
	(v2sf) =	vpush v21, $0xF  }
0x178: {  	s15 =	smul.f32 s15, s15;
	s4 =	sadd.f32 s19, s4;
	v62, _, _ =	vpop (xrf2);
	v1 =	vadd.f32 v2, v1;
	v2 =	vld [tilespmem:$0x1FEB0]  }
0x179: {  	v33 =	vld [tilespmem:s21+$0x8510];
	s13 =	ssub.f32 s25, s13;
	s17 =	spop (v2sf);
	(v2sf) =	vpush v62, $0xF  }
0x17a: {  	v32 =	vld [tilespmem:s21+$0x4A0];
	s19 =	smul.f32 s14, s14;
	s4 =	sadd.f32 s15, s4;
	(v2sf) =	vpush v30, $0xF;
	[tilespmem:$0x1FF60] =	vst v3;
	v3, _, _ =	vpop (xrf2)  }
0x17b: {  	s12 =	ssub.f32 s17, s12;
	s25 =	spop (v2sf);
	(v2sf) =	vpush v3, $0xF;
	v3 =	vld [tilespmem:s21+$0x84B0]  }
0x17c: {  	v0 =	vld [tilespmem:s21+$0x5A0];
	s13 =	smul.f32 s13, s13;
	s4 =	sadd.f32 s19, s4  }
0x17d: {  	v36 =	vld [tilespmem:s21+$0x8430];
	s16 =	smul.f32 s12, s12;
	s10 =	ssub.f32 s25, s10;
	v2 =	vmul.f32 v2, v2  }
0x17e: {  	v39 =	vld [tilespmem:s21+$0x8480];
	s15 =	spop (v2sf);
	s4 =	sadd.f32 s13, s4  }
0x17f: {  	s1 =	ssub.f32 s15, s1;
	s19 =	smul.f32 s10, s10;
	v1 =	vadd.f32 v2, v1;
	v2 =	vld [tilespmem:$0x1FEC0]  }
0x180: {  	s17 =	spop (v2sf);
	s4 =	sadd.f32 s16, s4;
	[tilespmem:$0x1FF80] =	vst v3;
	v3 =	vld [tilespmem:s21+$0x8470]  }
0x181: {  	v37 =	vmov v0;
	v0 =	vld [tilespmem:s21+$0x4C0];
	s1 =	smul.f32 s1, s1;
	s0 =	ssub.f32 s17, s0  }
0x182: {  	v40 =	vld [tilespmem:s21+$0x8490];
	s25 =	spop (v2sf);
	s4 =	sadd.f32 s19, s4  }
0x183: {  	v25 =	vld [tilespmem:s21+$0x85A0];
	s12 =	ssub.f32 s25, s31;
	s0 =	smul.f32 s0, s0  }
0x184: {  	v29 =	vld [tilespmem:s21+$0x520];
	s1 =	sadd.f32 s1, s4;
	s13 =	spop (v2sf);
	v2 =	vmul.f32 v2, v2  }
0x185: {  	s16 =	smul.f32 s12, s12;
	s14 =	ssub.f32 s13, s30;
	[tilespmem:$0x1FF90] =	vst v3;
	v3 =	vld [tilespmem:s21+$0x84A0]  }
0x186: {  	[tilespmem:$0x1FFE0] =	vst v0;
	s15 =	spop (v2sf);
	s0 =	sadd.f32 s0, s1;
	v0 =	vadd.f32 v2, v1;
	v1 =	vld [tilespmem:$0x1FED0]  }
0x187: {  	v27 =	vld [tilespmem:s21+$0x8580];
	s17 =	ssub.f32 s15, s29  }
0x188: {  	v42 =	vld [tilespmem:s21+$0x500];
	s0 =	sadd.f32 s16, s0;
	s25 =	smul.f32 s14, s14  }
0x189: {  	v21 =	vld [tilespmem:s21+$0x84F0]  }
0x18a: {  	p0 =	sne.s32 s23, $0x1F000;
	s30 =	smul.f32 s17, s17;
	s0 =	sadd.f32 s25, s0;
	[tilespmem:$0x1FFA0] =	vst v3;
	v3 =	vld [tilespmem:s21+$0x84C0]  }
.Ltmp0:
0x18b: {  	v41 =	vld [tilespmem:s21+$0x510];
	s19 =	spop (v2sf);
	v1 =	vmul.f32 v1, v1;
	(pc) =	sbr.rel @p0 .LBB2_2-.Ltmp0, $4  }
0x18c: {  	s22 =	sadd.s32 $0x10, s22;
	[tilespmem:$0x1FF30] =	vst v56;
	v30 =	vld [tilespmem:s21+$0x4B0];
	s28 =	ssub.f32 s19, s28;
	s29 =	spop (v2sf)  }
0x18d: {  	[tilespmem:$0x1FF40] =	vst v58;
	v18 =	vld [tilespmem:s22+$0x0];
	s25 =	ssub.f32 s29, s26;
	v0 =	vadd.f32 v1, v0;
	v1 =	vmul.f32 v23, v23  }
0x18e: {  	[tilespmem:$0x1FF70] =	vst v63;
	v12 =	vmov v54;
	v14 =	vmov v60;
	s26 =	sadd.f32 s30, s0;
	s31 =	spop (v2sf);
	v23 =	vld [tilespmem:s21+$0x480]  }
0x18f: {  	s23 =	sadd.s32 $0x1000, s23;
	v13 =	vmovc v61;
	v15 =	vmov v51;
	s0 =	smul.f32 s28, s28;
	s24 =	ssub.f32 s31, s24;
	[tilespmem:$0x1FFC0] =	vst v3;
	v0 =	vadd.f32 v1, v0;
	v1 =	vmul.f32 v22, v22;
	v22 =	vld [tilespmem:s21+$0x490]  }
0x190: {  	v3 =	vld [tilespmem:s21+$0x200]  }
0x191: {  	v17 =	vmul.f32 v31, v31;
	v0 =	vadd.f32 v1, v0  }
0x192: {  	v59 =	vld [tilespmem:s21+$0x210]  }
0x193: {  	v20 =	vmul.f32 v34, v34;
	v0 =	vadd.f32 v17, v0  }
0x194: {  	v60 =	vld [tilespmem:s21+$0x220]  }
0x195: {  	v0 =	vadd.f32 v20, v0;
	v31 =	vmul.f32 v3, v3  }
0x196: {  	v61 =	vld [tilespmem:s21+$0x230]  }
0x197: {  	v34 =	vmul.f32 v59, v59;
	v0 =	vadd.f32 v31, v0  }
0x198: {  	v50 =	vld [tilespmem:s21+$0x240]  }
0x199: {  	v38 =	vmul.f32 v60, v60;
	v0 =	vadd.f32 v34, v0  }
0x19a: {  	v49 =	vld [tilespmem:s21+$0x250]  }
0x19b: {  	v43 =	vmul.f32 v61, v61;
	v0 =	vadd.f32 v38, v0  }
0x19c: {  	v51 =	vld [tilespmem:s21+$0x260]  }
0x19d: {  	v44 =	vmul.f32 v50, v50;
	v0 =	vadd.f32 v43, v0  }
0x19e: {  	v52 =	vld [tilespmem:s21+$0x270]  }
0x19f: {  	v45 =	vmul.f32 v49, v49;
	v0 =	vadd.f32 v44, v0  }
0x1a0: {  	v53 =	vld [tilespmem:s21+$0x280]  }
0x1a1: {  	v46 =	vmul.f32 v51, v51;
	v0 =	vadd.f32 v45, v0  }
0x1a2: {  	v5 =	vld [tilespmem:s21+$0x290]  }
0x1a3: {  	v2 =	vmul.f32 v52, v52;
	v0 =	vadd.f32 v46, v0  }
0x1a4: {  	v1 =	vld [tilespmem:s21+$0x2A0]  }
0x1a5: {  	v4 =	vmul.f32 v53, v53;
	v2 =	vadd.f32 v2, v0  }
0x1a6: {  	v0 =	vld [tilespmem:s21+$0x2B0]  }
0x1a7: {  	v47 =	vmul.f32 v5, v5;
	v2 =	vadd.f32 v4, v2  }
0x1a8: {  	v48 =	vld [tilespmem:s21+$0x2C0]  }
0x1a9: {  	v54 =	vmul.f32 v1, v1;
	v2 =	vadd.f32 v47, v2  }
0x1aa: {  	v46 =	vld [tilespmem:s21+$0x2D0]  }
0x1ab: {  	v55 =	vmul.f32 v0, v0;
	v2 =	vadd.f32 v54, v2  }
0x1ac: {  	v34 =	vld [tilespmem:s21+$0x2E0]  }
0x1ad: {  	v56 =	vmul.f32 v48, v48;
	v2 =	vadd.f32 v55, v2  }
0x1ae: {  	(v2sf) =	vpush v18, $0xF;
	v31 =	vld [tilespmem:s21+$0x2F0]  }
0x1af: {  	(v2sf) =	vpush v18, $0xE;
	v57 =	vmul.f32 v46, v46;
	v2 =	vadd.f32 v56, v2  }
0x1b0: {  	v6 =	vld [tilespmem:s21+$0x300];
	(v2sf) =	vpush v18, $0xD  }
0x1b1: {  	(v2sf) =	vpush v18, $0xC;
	v58 =	vmul.f32 v34, v34;
	v2 =	vadd.f32 v57, v2  }
0x1b2: {  	v7 =	vld [tilespmem:s21+$0x310];
	(v2sf) =	vpush v18, $0xB  }
0x1b3: {  	(v2sf) =	vpush v18, $0xA;
	v62 =	vmul.f32 v31, v31;
	v2 =	vadd.f32 v58, v2  }
0x1b4: {  	v9 =	vld [tilespmem:s21+$0x320];
	(v2sf) =	vpush v18, $0x9  }
0x1b5: {  	v8 =	vld [tilespmem:s21+$0x8420];
	v63 =	vmul.f32 v6, v6;
	(v2sf) =	vpush v18, $0x8;
	v2 =	vadd.f32 v62, v2  }
0x1b6: {  	v11 =	vld [tilespmem:s21+$0x330];
	(v2sf) =	vpush v18, $0x7  }
0x1b7: {  	v10 =	vld [tilespmem:s21+$0x83B0];
	v17 =	vmul.f32 v7, v7;
	(v2sf) =	vpush v18, $0x6;
	v2 =	vadd.f32 v63, v2  }
0x1b8: {  	(v2sf) =	vpush v18, $0x5;
	v45 =	vld [tilespmem:s21+$0x340]  }
0x1b9: {  	v20 =	vmul.f32 v9, v9;
	(v2sf) =	vpush v18, $0x4;
	v44 =	vld [tilespmem:s21+$0x360];
	v2 =	vadd.f32 v17, v2  }
0x1ba: {  	(v2sf) =	vpush v18, $0x3;
	v47 =	vld [tilespmem:s21+$0x350]  }
0x1bb: {  	[tilespmem:$0x1FE90] =	vst v12;
	v12 =	vld [tilespmem:s21+$0x8400];
	v38 =	vmul.f32 v11, v11;
	(v2sf) =	vpush v18, $0x2;
	v2 =	vadd.f32 v20, v2  }
0x1bc: {  	v43 =	vld [tilespmem:s21+$0x370];
	(v2sf) =	vpush v18, $0x1  }
0x1bd: {  	(v2sf) =	vpush v18, $0x0;
	v18 =	vld [tilespmem:$0x1FF90];
	v54 =	vmul.f32 v45, v45;
	v2 =	vadd.f32 v38, v2  }
0x1be: {  	[tilespmem:$0x1FEB0] =	vst v13;
	v4 =	vld [tilespmem:s21+$0x83A0]  }
0x1bf: {  	v55 =	vmul.f32 v47, v47;
	v56 =	vmovc v13;
	v13 =	vld [tilespmem:s21+$0x8410];
	v57 =	vmul.f32 v44, v44;
	v2 =	vadd.f32 v54, v2  }
0x1c0: {  	v17 =	vld [tilespmem:s21+$0x380]  }
0x1c1: {  	v28 =	vmul.f32 v56, v28;
	v56 =	vld [tilespmem:s21+$0x3B0];
	v2 =	vadd.f32 v55, v2  }
0x1c2: {  	[tilespmem:$0x1FEA0] =	vst v14;
	v20 =	vld [tilespmem:s21+$0x390]  }
0x1c3: {  	[tilespmem:$0x1FEC0] =	vst v37;
	v58 =	vmovc v14;
	v14 =	vld [tilespmem:s21+$0x8330];
	v2 =	vadd.f32 v57, v2;
	v57 =	vmov v37;
	v37 =	vmul.f32 v43, v43  }
0x1c4: {  	v27 =	vmul.f32 v58, v27;
	v54 =	vld [tilespmem:s21+$0x3A0]  }
0x1c5: {  	[tilespmem:$0x1FED0] =	vst v15;
	v38 =	vmov v15;
	v15 =	vld [tilespmem:s21+$0x8380];
	v55 =	vmul.f32 v17, v17;
	v2 =	vadd.f32 v37, v2  }
0x1c6: {  	v33 =	vmul.f32 v41, v33;
	v62 =	vmovc v16;
	v16 =	vld [tilespmem:s21+$0x8390];
	v27 =	vadd.f32 v28, v27;
	v28 =	vmul.f32 v42, v35  }
0x1c7: {  	v35 =	vld [tilespmem:s21+$0x82B0];
	v58 =	vmul.f32 v20, v20;
	v2 =	vadd.f32 v55, v2  }
0x1c8: {  	v10 =	vmul.f32 v56, v10;
	v63 =	vmov v19;
	v19 =	vld [tilespmem:s21+$0x430];
	v28 =	vadd.f32 v33, v28  }
0x1c9: {  	v33 =	vmul.f32 v56, v56;
	v56 =	vld [tilespmem:s21+$0x410];
	v2 =	vadd.f32 v58, v2;
	v58 =	vmul.f32 v54, v54  }
0x1ca: {  	v15 =	vmul.f32 v17, v15;
	v17 =	vld [tilespmem:s21+$0x8270]  }
0x1cb: {  	v2 =	vadd.f32 v58, v2;
	v58 =	vld [tilespmem:$0x1FF50]  }
0x1cc: {  	v37 =	vld [tilespmem:s21+$0x8320]  }
0x1cd: {  	v55 =	vmul.f32 v57, v25;
	v57 =	vld [tilespmem:s21+$0x420]  }
0x1ce: {  	v25 =	vld [tilespmem:s21+$0x3C0]  }
0x1cf: {  	v2 =	vadd.f32 v33, v2;
	v33 =	vmul.f32 v22, v40;
	v40 =	vld [tilespmem:s21+$0x400]  }
0x1d0: {  	v24 =	vmul.f32 v38, v24;
	v38 =	vmovc v29;
	v55 =	vadd.f32 v55, v27;
	v27 =	vld [tilespmem:s21+$0x3D0];
	v29 =	vmul.f32 v29, v58  }
0x1d1: {  	v39 =	vmul.f32 v23, v39;
	v17 =	vmul.f32 v52, v17;
	v52 =	vld [tilespmem:s21+$0x8230]  }
0x1d2: {  	v55 =	vadd.f32 v24, v55;
	v24 =	vld [tilespmem:s21+$0x3E0];
	v28 =	vadd.f32 v29, v28;
	v29 =	vmul.f32 v62, v26  }
0x1d3: {  	v33 =	vadd.f32 v33, v39;
	v39 =	vld [tilespmem:s21+$0x8300];
	v58 =	vmul.f32 v25, v25  }
0x1d4: {  	v13 =	vmul.f32 v56, v13;
	v12 =	vmul.f32 v40, v12;
	v28 =	vadd.f32 v29, v28;
	v29 =	vld [tilespmem:$0x1FFA0]  }
0x1d5: {  	v4 =	vmul.f32 v54, v4;
	v54 =	vmul.f32 v27, v27;
	v26 =	vld [tilespmem:s21+$0x3F0];
	v2 =	vadd.f32 v58, v2  }
0x1d6: {  	v12 =	vadd.f32 v13, v12;
	v13 =	vld [tilespmem:$0x1FF80]  }
0x1d7: {  	(xrf2) =	vadd.scan.msk.f32 $0xffff, v55;
	v55 =	vld [tilespmem:s21+$0x83C0];
	v2 =	vadd.f32 v54, v2;
	v54 =	vmul.f32 v24, v24  }
0x1d8: {  	v6 =	vmul.f32 v6, v39;
	v39 =	vld [tilespmem:s21+$0x8250]  }
0x1d9: {  	v11 =	vmul.f32 v11, v14;
	v14 =	vmul.f32 v32, v29;
	v29 =	vld [tilespmem:s21+$0x8310]  }
0x1da: {  	v9 =	vmul.f32 v9, v37;
	v58 =	vmovc v32;
	v2 =	vadd.f32 v54, v2;
	v37 =	vmul.f32 v26, v26;
	v32 =	vld [tilespmem:s21+$0x8260]  }
0x1db: {  	v54 =	vmov v30;
	v13 =	vmul.f32 v30, v13;
	v30 =	vld [tilespmem:s21+$0x8280]  }
0x1dc: {  	v8 =	vmul.f32 v57, v8;
	v40 =	vmul.f32 v40, v40;
	v2 =	vadd.f32 v37, v2;
	v37 =	vld [tilespmem:s21+$0x8290]  }
0x1dd: {  	v56 =	vmul.f32 v56, v56;
	v16 =	vmul.f32 v20, v16;
	v14 =	vadd.f32 v14, v33;
	v33 =	vld [tilespmem:s21+$0x82A0]  }
0x1de: {  	v8 =	vadd.f32 v8, v12;
	v12 =	vmul.f32 v19, v36;
	v20 =	vadd.f32 v40, v2;
	v2 =	vld [tilespmem:s21+$0x440]  }
0x1df: {  	v15 =	vadd.f32 v16, v15;
	v40 =	vmul.f32 v57, v57;
	v57 =	vld [tilespmem:s21+$0x8210];
	v7 =	vmul.f32 v7, v29  }
0x1e0: {  	v13 =	vadd.f32 v13, v14;
	v14 =	vld [tilespmem:s21+$0x8240];
	v36 =	vadd.f32 v56, v20  }
0x1e1: {  	v0 =	vmul.f32 v0, v35;
	v8 =	vadd.f32 v12, v8;
	v6 =	vadd.f32 v7, v6;
	v7 =	vld [tilespmem:s21+$0x450]  }
0x1e2: {  	v20 =	vld [tilespmem:s21+$0x8200];
	v56 =	vmul.f32 v19, v19;
	v12 =	vmul.f32 v1, v33;
	v1 =	vadd.f32 v40, v36  }
0x1e3: {  	v4 =	vadd.f32 v4, v15;
	v53 =	vmul.f32 v53, v30;
	v35 =	vmul.f32 v5, v37;
	v5 =	vld [tilespmem:s21+$0x460]  }
0x1e4: {  	v37 =	vld [tilespmem:s21+$0x8220];
	v40 =	vmul.f32 v2, v2;
	v36 =	vadd.f32 v56, v1  }
0x1e5: {  	v4 =	vadd.f32 v10, v4;
	v15 =	vadd.f32 v35, v53;
	v1 =	vld [tilespmem:s21+$0x470]  }
0x1e6: {  	v35 =	vmul.f32 v61, v52;
	v52 =	vld [tilespmem:s21+$0x8360];
	v10 =	vadd.f32 v40, v36;
	v53 =	vmul.f32 v7, v7  }
0x1e7: {  	v61 =	vld [tilespmem:$0x1FFE0];
	v3 =	vmul.f32 v3, v20  }
0x1e8: {  	v56 =	vmul.f32 v59, v57;
	v57 =	vld [tilespmem:s21+$0x82C0];
	v20 =	vmul.f32 v5, v5;
	v10 =	vadd.f32 v53, v10  }
0x1e9: {  	v6 =	vadd.f32 v9, v6;
	v9 =	vmul.f32 v50, v14;
	v59 =	vld [tilespmem:s21+$0x82D0]  }
0x1ea: {  	v50 =	vmul.f32 v49, v39;
	v39 =	vld [tilespmem:s21+$0x82E0];
	v33 =	vmul.f32 v1, v1;
	v10 =	vadd.f32 v20, v10  }
0x1eb: {  	v49 =	vld [tilespmem:s21+$0x8350]  }
0x1ec: {  	v30 =	vmul.f32 v60, v37;
	v60 =	vld [tilespmem:s21+$0x83D0];
	v40 =	vmul.f32 v23, v23;
	v10 =	vadd.f32 v33, v10  }
0x1ed: {  	v51 =	vmul.f32 v51, v32;
	v36 =	vld [tilespmem:s21+$0x82F0]  }
0x1ee: {  	v9 =	vadd.f32 v50, v9;
	v50 =	vmul.f32 v22, v22;
	v22 =	vld [tilespmem:s21+$0x4D0];
	v10 =	vadd.f32 v40, v10  }
0x1ef: {  	v12 =	vadd.f32 v12, v15;
	v3 =	vadd.f32 v56, v3;
	v56 =	vmul.f32 v54, v54;
	v54 =	vld [tilespmem:s21+$0x84E0]  }
0x1f0: {  	v29 =	vmul.f32 v44, v52;
	v44 =	vld [tilespmem:$0x1FFC0];
	v53 =	vmul.f32 v58, v58;
	v10 =	vadd.f32 v50, v10  }
0x1f1: {  	v6 =	vadd.f32 v11, v6;
	v52 =	vld [tilespmem:s21+$0x540];
	v9 =	vadd.f32 v51, v9  }
0x1f2: {  	(xrf2) =	vadd.scan.msk.f32 $0xffff, v28;
	v0 =	vadd.f32 v0, v12;
	v51 =	vld [tilespmem:s21+$0x8370];
	v10 =	vadd.f32 v53, v10  }
0x1f3: {  	(xrf2) =	vadd.scan.msk.f32 $0xffff, v13;
	v37 =	vmul.f32 v48, v57;
	v15 =	vmul.f32 v46, v59;
	v9 =	vadd.f32 v17, v9;
	v17 =	vld [tilespmem:s21+$0x4E0]  }
0x1f4: {  	(xrf2) =	vadd.scan.msk.f32 $0xffff, v8;
	v23 =	vmul.f32 v61, v61;
	v3 =	vadd.f32 v30, v3;
	v48 =	vld [tilespmem:s21+$0x8340];
	v10 =	vadd.f32 v56, v10  }
0x1f5: {  	(xrf2) =	vadd.scan.msk.f32 $0xffff, v4;
	v12 =	vmul.f32 v34, v39;
	v58 =	vmul.f32 v47, v49;
	v39 =	vld [tilespmem:s21+$0x8440];
	v15 =	vadd.f32 v15, v37  }
0x1f6: {  	(xrf2) =	vadd.scan.msk.f32 $0xffff, v6;
	v46 =	vld [tilespmem:s21+$0x8460];
	v14 =	vmul.f32 v31, v36;
	v31 =	vmul.f32 v22, v22;
	v30 =	vadd.f32 v23, v10  }
0x1f7: {  	(xrf2) =	vadd.scan.msk.f32 $0xffff, v0;
	v47 =	vmul.f32 v42, v42;
	v49 =	vld [tilespmem:s21+$0x84D0];
	v3 =	vadd.f32 v35, v3;
	v59 =	vadd.f32 v12, v15  }
0x1f8: {  	v42 =	vld [tilespmem:$0x1FF30];
	v37 =	vmul.f32 v25, v55;
	(xrf2) =	vadd.scan.msk.f32 $0xffff, v9;
	v36 =	vmul.f32 v17, v17;
	v0 =	vadd.f32 v31, v30  }
0x1f9: {  	v35 =	vld [tilespmem:s21+$0x83E0];
	v55 =	vmul.f32 v38, v38;
	(xrf2) =	vadd.scan.msk.f32 $0xffff, v3;
	v57 =	vmul.f32 v45, v48;
	v4 =	vadd.f32 v14, v59  }
0x1fa: {  	v38 =	vld [tilespmem:s21+$0x85F0];
	v32 =	vmul.f32 v43, v51;
	v43 =	vmul.f32 v63, v63;
	v8 =	vadd.f32 v36, v0  }
0x1fb: {  	v33 =	vld [tilespmem:s21+$0x83F0];
	v14, _, _ =	vpop (xrf2);
	v28 =	vadd.f32 v58, v57  }
0x1fc: {  	v40 =	vld [tilespmem:s21+$0x8450];
	v0, _, _ =	vpop (xrf2);
	v8 =	vadd.f32 v43, v8  }
0x1fd: {  	v12 =	vmul.f32 v27, v60;
	v45 =	vmul.f32 v61, v44;
	v61 =	vld [tilespmem:s21+$0x560];
	(xrf2) =	vadd.scan.msk.f32 $0xffff, v4;
	v34 =	vadd.f32 v29, v28;
	v4, _, _ =	vpop (xrf2)  }
0x1fe: {  	v1 =	vmul.f32 v1, v18;
	v44 =	vld [tilespmem:$0x1FEB0];
	v50 =	vmul.f32 v41, v41;
	v19, _, _ =	vpop (xrf2);
	v8 =	vadd.f32 v47, v8  }
0x1ff: {  	v6 =	vmul.f32 v24, v35;
	v24 =	vld [tilespmem:s21+$0x8560];
	v3 =	vadd.f32 v32, v34;
	v10 =	vadd.f32 v12, v37;
	v48, _, _ =	vpop (xrf2)  }
0x200: {  	v2 =	vmul.f32 v2, v39;
	v60 =	vmul.f32 v22, v49;
	v35 =	vld [tilespmem:$0x1FF20];
	v51, _, _ =	vpop (xrf2);
	v8 =	vadd.f32 v50, v8  }
0x201: {  	v57 =	vld [tilespmem:s21+$0x550];
	v11 =	vmul.f32 v26, v33;
	v7 =	vmul.f32 v7, v40;
	(xrf2) =	vadd.scan.msk.f32 $0xffff, v3;
	v6 =	vadd.f32 v6, v10;
	v53, _, _ =	vpop (xrf2)  }
0x202: {  	v59 =	vmul.f32 v62, v62;
	v22 =	vadd.f32 v60, v45;
	v41 =	vld [tilespmem:$0x1FEA0];
	v56, _, _ =	vpop (xrf2);
	v8 =	vadd.f32 v55, v8  }
0x203: {  	s1 =	spop (v2sf);
	v5 =	vmul.f32 v5, v46;
	v33 =	vld [tilespmem:$0x1FF70];
	v2 =	vadd.f32 v7, v2;
	v6 =	vadd.f32 v11, v6;
	v58, _, _ =	vpop (xrf2)  }
0x204: {  	s10 =	spop (v2sf);
	v62 =	vmul.f32 v52, v52;
	v32 =	vld [tilespmem:$0x1FF60];
	(v2sf) =	vpush v58, $0xF;
	v8 =	vadd.f32 v59, v8  }
0x205: {  	s12 =	spop (v2sf);
	v25 =	vmul.f32 v17, v54;
	v2 =	vadd.f32 v5, v2;
	v36 =	vld [tilespmem:$0x1FE90];
	(xrf2) =	vadd.scan.msk.f32 $0xffff, v6;
	(v2sf) =	vpush v53, $0xF  }
0x206: {  	s13 =	spop (v2sf);
	v29 =	vld [tilespmem:s21+$0x5C0];
	v27 =	vmul.f32 v57, v57;
	(v2sf) =	vpush v56, $0xF;
	v8 =	vadd.f32 v62, v8  }
0x207: {  	s14 =	spop (v2sf);
	v28 =	vmul.f32 v63, v21;
	v3 =	vadd.f32 v25, v22;
	v30 =	vld [tilespmem:s21+$0x5D0];
	v1 =	vadd.f32 v1, v2;
	v26, _, _ =	vpop (xrf2)  }
0x208: {  	s15 =	spop (v2sf);
	v31 =	vmul.f32 v61, v61;
	v43 =	vld [tilespmem:$0x1FF40];
	(v2sf) =	vpush v26, $0xF;
	v8 =	vadd.f32 v27, v8  }
0x209: {  	s16 =	spop (v2sf);
	v34 =	vld [tilespmem:s21+$0x85E0];
	v7 =	vmul.f32 v57, v33;
	v3 =	vadd.f32 v28, v3;
	v9 =	vmul.f32 v52, v32;
	(xrf2) =	vadd.scan.msk.f32 $0xffff, v1  }
0x20a: {  	s22 =	spop (v2sf);
	v37 =	vld [tilespmem:s21+$0x5E0];
	v13 =	vmul.f32 v36, v36;
	(v2sf) =	vpush v51, $0xF;
	v8 =	vadd.f32 v31, v8  }
0x20b: {  	s17 =	spop (v2sf);
	v5 =	vmul.f32 v61, v24;
	v7 =	vadd.f32 v7, v9;
	v47 =	vld [tilespmem:$0x1FEC0];
	v12 =	vmul.f32 v36, v35;
	v39, _, _ =	vpop (xrf2)  }
0x20c: {  	s23 =	spop (v2sf);
	v40 =	vld [tilespmem:s21+$0x5F0];
	(v2sf) =	vpush v39, $0xF;
	v8 =	vadd.f32 v13, v8;
	v13 =	vmul.f32 v41, v41  }
0x20d: {  	s21 =	spop (v2sf);
	v5 =	vadd.f32 v5, v7;
	v50 =	vld [tilespmem:$0x1FED0];
	v7 =	vmul.f32 v30, v43;
	(xrf2) =	vadd.scan.msk.f32 $0xffff, v3;
	v3 =	vmul.f32 v29, v42  }
0x20e: {  	s4 =	spop (v2sf);
	(v2sf) =	vpush v48, $0xF;
	v8 =	vadd.f32 v13, v8;
	v13 =	vmul.f32 v44, v44  }
0x20f: {  	s5 =	spop (v2sf);
	v1 =	vmul.f32 v37, v34;
	v5 =	vadd.f32 v12, v5;
	v45, _, _ =	vpop (xrf2);
	v3 =	vadd.f32 v7, v3  }
0x210: {  	s19 =	smul.f32 s25, s25;
	s25 =	spop (v2sf);
	(v2sf) =	vpush v45, $0xF;
	v46 =	vadd.f32 v13, v8;
	v8 =	vmul.f32 v47, v47  }
0x211: {  	s0 =	sadd.f32 s0, s26;
	s26 =	spop (v2sf);
	(xrf2) =	vadd.scan.msk.f32 $0xffff, v5;
	v1 =	vadd.f32 v1, v3;
	v48 =	vmul.f32 v40, v38  }
0x212: {  	s24 =	smul.f32 s24, s24;
	s31 =	spop (v2sf);
	v7 =	vmul.f32 v50, v50;
	(v2sf) =	vpush v19, $0xF;
	v49 =	vadd.f32 v8, v46  }
0x213: {  	s0 =	sadd.f32 s19, s0;
	v51, _, _ =	vpop (xrf2);
	v1 =	vadd.f32 v48, v1;
	s28 =	spop (v2sf)  }
0x214: {  	v2 =	vmul.f32 v29, v29;
	(v2sf) =	vpush v51, $0xF;
	v52 =	vadd.f32 v7, v49;
	s19 =	ssub.f32 s28, s31;
	s29 =	spop (v2sf)  }
0x215: {  	s0 =	sadd.f32 s24, s0;
	(xrf2) =	vadd.scan.msk.f32 $0xffff, v1;
	s30 =	spop (v2sf)  }
0x216: {  	v54 =	vmul.f32 v30, v30;
	s19 =	smul.f32 s19, s19;
	s24 =	ssub.f32 s30, s26;
	v53 =	vadd.f32 v2, v52  }
0x217: {  	(v2sf) =	vpush v4, $0xF;
	s25 =	ssub.f32 s29, s25;
	s31 =	spop (v2sf)  }
0x218: {  	v56 =	vmul.f32 v37, v37;
	v55, _, _ =	vpop (xrf2);
	v1 =	vadd.f32 v54, v53;
	s0 =	sadd.f32 s19, s0;
	s28 =	smul.f32 s24, s24  }
0x219: {  	(v2sf) =	vpush v55, $0xF;
	s5 =	ssub.f32 s31, s5;
	s29 =	spop (v2sf)  }
0x21a: {  	v58 =	vmul.f32 v40, v40;
	(v2sf) =	vpush v0, $0xF;
	s30 =	smul.f32 s25, s25;
	s0 =	sadd.f32 s28, s0;
	v57 =	vadd.f32 v56, v1  }
0x21b: {  	v59, _, _ =	vpop (xrf2);
	s4 =	ssub.f32 s29, s4;
	s31 =	spop (v2sf)  }
0x21c: {  	(v2sf) =	vpush v59, $0xF;
	s5 =	smul.f32 s5, s5;
	v0 =	vadd.f32 v58, v57;
	s0 =	sadd.f32 s30, s0  }
0x21d: {  	s25 =	ssub.f32 s31, s21;
	s26 =	spop (v2sf)  }
0x21e: {  	(v2sf) =	vpush v14, $0xF;
	s4 =	smul.f32 s4, s4;
	s0 =	sadd.f32 s5, s0;
	(xrf2) =	vadd.scan.msk.f32 $0xffff, v0  }
0x21f: {  	v60, _, _ =	vpop (xrf2);
	s28 =	ssub.f32 s26, s23;
	s29 =	spop (v2sf)  }
0x220: {  	(v2sf) =	vpush v60, $0xF;
	s30 =	smul.f32 s25, s25;
	s0 =	sadd.f32 s4, s0  }
0x221: {  	s17 =	ssub.f32 s29, s17;
	s31 =	spop (v2sf)  }
0x222: {  	s21 =	smul.f32 s28, s28;
	s0 =	sadd.f32 s30, s0  }
0x223: {  	s23 =	ssub.f32 s31, s22;
	s24 =	spop (v2sf)  }
0x224: {  	s25 =	smul.f32 s17, s17;
	s0 =	sadd.f32 s21, s0  }
0x225: {  	s16 =	ssub.f32 s24, s16;
	s28 =	smul.f32 s23, s23  }
0x226: {  	s26 =	spop (v2sf);
	s0 =	sadd.f32 s25, s0  }
0x227: {  	s31 =	smul.f32 s16, s16;
	s29 =	ssub.f32 s26, s15  }
0x228: {  	s30 =	spop (v2sf);
	s0 =	sadd.f32 s28, s0;
	v61, _, _ =	vpop (xrf2)  }
0x229: {  	s14 =	ssub.f32 s30, s14;
	s16 =	spop (v2sf);
	(v2sf) =	vpush v61, $0xF  }
0x22a: {  	s17 =	smul.f32 s29, s29;
	s0 =	sadd.f32 s31, s0  }
0x22b: {  	s19 =	ssub.f32 s16, s13;
	s21 =	spop (v2sf)  }
0x22c: {  	s22 =	smul.f32 s14, s14;
	s0 =	sadd.f32 s17, s0  }
0x22d: {  	s12 =	ssub.f32 s21, s12;
	s23 =	spop (v2sf)  }
0x22e: {  	s24 =	smul.f32 s19, s19;
	s0 =	sadd.f32 s22, s0  }
0x22f: {  	s25 =	ssub.f32 s23, s10;
	s26 =	spop (v2sf)  }
0x230: {  	s28 =	smul.f32 s12, s12;
	s0 =	sadd.f32 s24, s0  }
0x231: {  	s1 =	ssub.f32 s26, s1  }
0x232: {  	s29 =	smul.f32 s25, s25;
	s0 =	sadd.f32 s28, s0  }
0x233: {  	_ = 	snop  }
0x234: {  	s1 =	smul.f32 s1, s1;
	s0 =	sadd.f32 s29, s0  }
0x235: {  	_ = 	snop  }
0x236: {  	s0 =	sadd.f32 s1, s0;
	_ =	sdelay $0x1  }
0x237: {  	s0 =	smul.f32 $6.103515630e-05, s0;
	s30 =	spop (v2sf)  }
0x238: {  	s1 =	smul.f32 $9.536743610e-10, s30;
	_ =	sdelay $0x1  }
0x239: {  	v62 =	vmov s0;
	v63 =	vmov s1  }
0x23a: {  	v0 =	vnsel vm0, $0x0, v62;
	v1 =	vnsel vm1, $0x0, v63  }
0x23b: {  	s20 =	sadd.s32 $0x1, s20;
	v0 =	vadd.f32 v1, v0  }
0x23c: {  	p0 =	sne.s32 s20, s8  }
.Ltmp1:
0x23d: {  	s31 =	simm.s32 $0x10400;
	[tilespmem:$0x10400] =	vst v0;
	(pc) =	sbr.rel @p0 .LBB2_1-.Ltmp1, $4  }
0x23e: {  	[hbm4b:s7+s2] =	stream.linear.scatter [tilespmem:s31], [sflag:$0x2], $0x10, $0x38;
	[tilespmem:$0x10410] =	vst v63  }
0x23f: {  	_ =	swait.ge [sflag:s9], $0x10  }
0x240: {  	[sflag:s9] =	ssyncset.done $0x0  }
0x241: {  	[sflag:s9] =	ssyncadd.s32 $0xFFFFFFF0  }
0x242: {  	_ =	sfence.sel $0x180000  }
0x243: {  	[bflag:$0x0] =	sbarrier.arrive $0xFFFF  }
0x244: {  	_ =	strace $0x9000004A  }
0x245: {  	s0 =	stileid.u32;
	[bflag:$0x2] =	sbarrier.arrive $0xFFFF  }
0x246: {  	p0 =	sne.s32 s0, $0x0;
	s0 =	rddreg [dreg:$0x3]  }
0x247: {  	s0 =	sadd.s32 @!p0 $0x100000, s0  }
0x248: {  	[sflag:s0] =	ssyncadd.tile.s32 @!p0 $0x1;
	_ =	shalt  }
.Lfunc_end2:
_tile_overlayer_lowered:
.L_overlay_start_2:
0x249: {  	(tag) =	ssettag $0x2  }
0x24a: {  	s0 =	rddreg [dreg:$0x0];
	s2 =	stileid.u32  }
0x24b: {  	s1 =	rddreg [dreg:$0x1];
	p0 =	sne.s32 s2, $0x0  }
0x24c: {  	s3 =	rddreg [dreg:$0x2];
	[bflag:$0x3] =	sbarrier.arrive $0xFFFF;
	s2 =	simm.s32 @!p0 $0x1C02  }
0x24d: {  	[timem:s3], [sflag:s2] =	dma.local @!p0 [hbm:s0], s1  }
0x24e: {  	s0 =	simm.s32 @!p0 $0x2  }
0x24f: {  	_ =	swait.ge @!p0 [sflag:s0], s1  }
0x250: {  	s1 =	ssub.s32 @!p0 $0x0, s1;
	[sflag:s0] =	ssyncset.done @!p0 $0x0  }
0x251: {  	[sflag:s0] =	ssyncadd.s32 @!p0 s1  }
0x252: {  	[bflag:$0x3] =	sbarrier.arrive $0xFFFF  }
0x253: {  	_ =	shalt  }

</sc_bundles>
